<compile_context>
chip_gen: v7x
topology: tpu7x:2x2x1
jax: 0.10.2.dev20260603
libtpu: 0.0.44.dev20260713+nightly
codegen_flags: <defaults>
</compile_context>

<pallas_src>
import functools

import jax
import jax.numpy as jnp
from jax import lax
from jax.experimental import pallas as pl
from jax.experimental.pallas import tpu as pltpu
from jax.experimental.pallas import tpu_sc as plsc

N = 10000
E = 320000
D = 128

NC = 2
NS = 16
NW = NC * NS

K = 100
NCHUNK = 100
G = 10
NG = NCHUNK // G
EPW = NCHUNK * K
NP = 10112
ROWS_PER_S = NP // NS


def _sc_scatter_build():
    mesh = plsc.VectorSubcoreMesh(core_axis_name="c", subcore_axis_name="s")

    @functools.partial(
        pl.kernel,
        out_type=jax.ShapeDtypeStruct((NC, NP, D), jnp.float32),
        mesh=mesh,
        scratch_types=[
            pltpu.VMEM((2, G, K), jnp.int32),
            pltpu.VMEM((2, G, K), jnp.int32),
            pltpu.VMEM((2, K, D), jnp.float32),
            pltpu.VMEM_SHARED((NP, D), jnp.float32),
            pltpu.SemaphoreType.DMA,
            pltpu.SemaphoreType.DMA,
            pltpu.SemaphoreType.DMA,
            pltpu.SemaphoreType.DMA,
        ],
    )
    def sc_scatter(x_hbm, row_hbm, col_hbm, zeros_hbm, out_hbm,
                   rowg, colg, rows_v, acc, semg0, semg1, semi0, semi1):
        c = lax.axis_index("c")
        s = lax.axis_index("s")
        wid = s * NC + c
        semg = (semg0, semg1)
        semi = (semi0, semi1)

        pltpu.sync_copy(zeros_hbm, acc.at[pl.ds(s * ROWS_PER_S, ROWS_PER_S)])

        pltpu.sync_copy(row_hbm.at[wid, 0], rowg.at[0])
        pltpu.sync_copy(col_hbm.at[wid, 0], colg.at[0])
        pltpu.async_copy(row_hbm.at[wid, 1], rowg.at[1], semi1)
        pltpu.async_copy(col_hbm.at[wid, 1], colg.at[1], semi1)

        plsc.subcore_barrier()

        def start_g(ip, lt, b):
            pltpu.async_copy(x_hbm.at[rowg.at[ip, lt]], rows_v.at[b], semg[b])

        def wait_g(ip, lt, b):
            pltpu.make_async_copy(x_hbm.at[rowg.at[ip, lt]], rows_v.at[b],
                                  semg[b]).wait()

        def scat(ip, lt, b):
            pltpu.sync_copy(rows_v.at[b], acc.at[colg.at[ip, lt]], add=True)

        start_g(0, 0, 0)
        start_g(0, 1, 1)

        def do_group(u, p, do_refill, do_boundary):
            g = 2 * u + p

            def pair(t, cc):
                for q in (0, 1):
                    lt = 2 * t + q
                    wait_g(p, lt, q)
                    scat(p, lt, q)
                    start_g(p, lt + 2, q)
                return cc

            lax.fori_loop(0, G // 2 - 1, pair, 0)

            wait_g(p, G - 2, 0)
            scat(p, G - 2, 0)
            wait_g(p, G - 1, 1)
            scat(p, G - 1, 1)

            if do_refill:
                pltpu.async_copy(row_hbm.at[wid, g + 2], rowg.at[p], semi[p])
                pltpu.async_copy(col_hbm.at[wid, g + 2], colg.at[p], semi[p])

            if do_boundary:
                pltpu.make_async_copy(row_hbm.at[wid, g + 1],
                                      rowg.at[1 - p], semi[1 - p]).wait()
                pltpu.make_async_copy(col_hbm.at[wid, g + 1],
                                      colg.at[1 - p], semi[1 - p]).wait()
                start_g(1 - p, 0, 0)
                start_g(1 - p, 1, 1)

        def ubody(u, carry):
            do_group(u, 0, True, True)
            do_group(u, 1, True, True)
            return carry

        lax.fori_loop(0, NG // 2 - 1, ubody, 0)
        do_group(NG // 2 - 1, 0, False, True)
        do_group(NG // 2 - 1, 1, False, False)

        plsc.subcore_barrier()

        pltpu.sync_copy(acc.at[pl.ds(s * ROWS_PER_S, ROWS_PER_S)],
                        out_hbm.at[c, pl.ds(s * ROWS_PER_S, ROWS_PER_S)])

    return sc_scatter


_sc_scatter = _sc_scatter_build()


BN = 5000
dn = (((1,), (1,)), ((), ()))


def _tc_finish_body(part_ref, x_ref, wroot_ref, b_ref, wrel_ref, out_ref):
    agg = part_ref[0] + part_ref[1]
    rel = lax.dot_general(agg, wrel_ref[...], dn,
                          preferred_element_type=jnp.float32)
    root = lax.dot_general(x_ref[...], wroot_ref[...], dn,
                           preferred_element_type=jnp.float32)
    out_ref[...] = jnp.maximum(rel + root + b_ref[...], 0.0)


def _tc_finish(part, x, W_root, b_root, W_rel):
    return pl.pallas_call(
        _tc_finish_body,
        grid=(N // BN,),
        in_specs=[
            pl.BlockSpec((NC, BN, D), lambda i: (0, i, 0)),
            pl.BlockSpec((BN, D), lambda i: (i, 0)),
            pl.BlockSpec((D, D), lambda i: (0, 0)),
            pl.BlockSpec((1, D), lambda i: (0, 0)),
            pl.BlockSpec((D, D), lambda i: (0, 0)),
        ],
        out_specs=pl.BlockSpec((BN, D), lambda i: (i, 0)),
        out_shape=jax.ShapeDtypeStruct((N, D), jnp.float32),
    )(part, x, W_root, b_root.reshape(1, D), W_rel)


def kernel(x, row, col, batch, W_root, b_root, W_rel):
    row3 = row.astype(jnp.int32).reshape(NW, NG, G, K)
    col3 = col.astype(jnp.int32).reshape(NW, NG, G, K)
    zeros = jnp.zeros((ROWS_PER_S, D), jnp.float32)
    part = _sc_scatter(x, row3, col3, zeros)
    return _tc_finish(part, x, W_root, b_root, W_rel)

# --- scband reference (transcript-rebuilt; emitter-appended) ---
"""Pipeline reference for scband-node-conv-73650099192496 (READ-ONLY COPY).

The authoritative reference and input builder live on the scoring server;
editing this copy changes nothing except your own understanding.
"""

import jax, jax.numpy as jnp
import numpy as np

N = 10000
E = 320000
D = 128

def setup_inputs(seed: int = 0) -> dict:
    key = jax.random.key(seed)
    k1, k2, k3, k4, k5, k6 = jax.random.split(key, 6)
    x = jax.random.normal(k1, (N, D), dtype=jnp.float32)
    row = jax.random.randint(k2, (E,), 0, N, dtype=jnp.int64)
    col = jax.random.randint(k3, (E,), 0, N, dtype=jnp.int64)
    batch = jnp.zeros((N,), dtype=jnp.int64)
    # learned parameters (torch Linear: y = x @ W.T + b)
    bound_root = 1.0 / np.sqrt(D)
    W_root = jax.random.uniform(k4, (D, D), minval=-bound_root, maxval=bound_root, dtype=jnp.float32)
    b_root = jax.random.uniform(k5, (D,), minval=-bound_root, maxval=bound_root, dtype=jnp.float32)
    W_rel = jax.random.uniform(k6, (D, D), minval=-bound_root, maxval=bound_root, dtype=jnp.float32)
    return {"x": x, "row": row, "col": col, "batch": batch, "W_root": W_root, "b_root": b_root, "W_rel": W_rel}

def reference(x, row, col, batch, W_root, b_root, W_rel):
    # agg = scatter_sum(x[row], col, dim_size=N)
    gathered = jnp.take(x, row, axis=0)
    agg = jnp.zeros((x.shape[0], x.shape[1]), dtype=x.dtype).at[col].add(gathered)
    rel = agg @ W_rel.T
    root = x @ W_root.T + b_root
    out = rel + root
    out = jax.nn.relu(out)
    return out

if __name__ == "__main__":
    import jax
    _d = setup_inputs()
    print(jax.jit(kernel)(*tuple(_d.values())))

</pallas_src>

<mosaic_0001>
#map = affine_map<(d0, d1) -> (0, 0)>
#map1 = affine_map<(d0, d1) -> (0, 0, 0, 0)>
#map2 = affine_map<(d0, d1) -> (0, 0, 0)>
module attributes {stable_mosaic.version = 14 : i64} {
  func.func @sc_scatter(%arg0: i32, %arg1: i32, %arg2: memref<10000x128xf32, #tpu.memory_space<hbm>>, %arg3: memref<32x10x10x100xi32, #tpu.memory_space<hbm>>, %arg4: memref<32x10x10x100xi32, #tpu.memory_space<hbm>>, %arg5: memref<632x128xf32, #tpu.memory_space<hbm>>, %arg6: memref<2x10112x128xf32, #tpu.memory_space<hbm>>, %arg7: memref<2x10x100xi32, #tpu.memory_space<vmem>>, %arg8: memref<2x10x100xi32, #tpu.memory_space<vmem>>, %arg9: memref<2x100x128xf32, #tpu.memory_space<vmem>>, %arg10: memref<10112x128xf32, #tpu.memory_space<vmem_shared>>, %arg11: memref<!tpu.dma_semaphore, #tpu.memory_space<semaphore_mem>>, %arg12: memref<!tpu.dma_semaphore, #tpu.memory_space<semaphore_mem>>, %arg13: memref<!tpu.dma_semaphore, #tpu.memory_space<semaphore_mem>>, %arg14: memref<!tpu.dma_semaphore, #tpu.memory_space<semaphore_mem>>) attributes {dimension_semantics = [#tpu.dimension_semantics<core_parallel>, #tpu.dimension_semantics<subcore_parallel>], iteration_bounds = array<i64: 2, 16>, scalar_prefetch = 0 : i64, scratch_operands = 8 : i64, tpu.core_type = #tpu.core_type<sc_vector_subcore>, window_params = [{transform_indices = #map}, {transform_indices = #map1}, {transform_indices = #map1}, {transform_indices = #map}, {transform_indices = #map2}]} {
    %mul3A = arith.constant 2 : i32
    %mul3A_0 = arith.muli %arg1, %mul3A : i32
    %add3A = arith.addi %mul3A_0, %arg0 : i32
    %mul3A_1 = arith.constant 632 : i32
    %mul3A_2 = arith.muli %arg1, %mul3A_1 : i32
    "tpu.region"() ({
      %run_scoped3A_214 = tpu.sem_alloc : memref<!tpu.dma_semaphore, #tpu.memory_space<semaphore_mem>>
      %dma_start3A_215 = arith.constant 0 : i32
      %dma_start3A_216 = tpu.memref_slice %arg10[%mul3A_2, %dma_start3A_215] : memref<10112x128xf32, #tpu.memory_space<vmem_shared>> -> memref<632x128xf32, #tpu.memory_space<vmem_shared>>
      tpu.enqueue_dma source(%arg5 : memref<632x128xf32, #tpu.memory_space<hbm>>) target(%dma_start3A_216 : memref<632x128xf32, #tpu.memory_space<vmem_shared>>) target_semaphore(%run_scoped3A_214 : memref<!tpu.dma_semaphore, #tpu.memory_space<semaphore_mem>>)
      %dma_wait3A_217 = arith.constant 0 : i32
      %dma_wait3A_218 = tpu.memref_slice %arg10[%mul3A_2, %dma_wait3A_217] : memref<10112x128xf32, #tpu.memory_space<vmem_shared>> -> memref<632x128xf32, #tpu.memory_space<vmem_shared>>
      tpu.wait_dma2 semaphore(%run_scoped3A_214 : memref<!tpu.dma_semaphore, #tpu.memory_space<semaphore_mem>>) src(%arg5 : memref<632x128xf32, #tpu.memory_space<hbm>>) dst(%dma_wait3A_218 : memref<632x128xf32, #tpu.memory_space<vmem_shared>>)
      tpu.yield
    }) : () -> ()
    %run_scoped3A = arith.constant 0 : i32
    %run_scoped3A_3 = arith.constant 0 : i32
    "tpu.region"() ({
      %run_scoped3A_214 = tpu.sem_alloc : memref<!tpu.dma_semaphore, #tpu.memory_space<semaphore_mem>>
      %dma_start3A_215 = arith.constant 0 : i32
      %dma_start3A_216 = arith.constant 0 : i32
      %dma_start3A_217 = tpu.memref_slice %arg7[%run_scoped3A_3, %dma_start3A_215, %dma_start3A_216] : memref<2x10x100xi32, #tpu.memory_space<vmem>> -> memref<1x10x100xi32, #tpu.memory_space<vmem>>
      %dma_start3A_218 = tpu.memref_squeeze %dma_start3A_217 : memref<1x10x100xi32, #tpu.memory_space<vmem>> -> memref<10x100xi32, #tpu.memory_space<vmem>>
      %dma_start3A_219 = arith.constant 0 : i32
      %dma_start3A_220 = arith.constant 0 : i32
      %dma_start3A_221 = tpu.memref_slice %arg3[%add3A, %run_scoped3A, %dma_start3A_219, %dma_start3A_220] : memref<32x10x10x100xi32, #tpu.memory_space<hbm>> -> memref<1x1x10x100xi32, #tpu.memory_space<hbm>>
      %dma_start3A_222 = tpu.memref_squeeze %dma_start3A_221 : memref<1x1x10x100xi32, #tpu.memory_space<hbm>> -> memref<10x100xi32, #tpu.memory_space<hbm>>
      %dma_start3A_223 = arith.constant 0 : i32
      %dma_start3A_224 = arith.constant 0 : i32
      %dma_start3A_225 = tpu.memref_slice %arg7[%run_scoped3A_3, %dma_start3A_223, %dma_start3A_224] : memref<2x10x100xi32, #tpu.memory_space<vmem>> -> memref<1x10x100xi32, #tpu.memory_space<vmem>>
      %dma_start3A_226 = tpu.memref_squeeze %dma_start3A_225 : memref<1x10x100xi32, #tpu.memory_space<vmem>> -> memref<10x100xi32, #tpu.memory_space<vmem>>
      %dma_start3A_227 = arith.constant 0 : i32
      %dma_start3A_228 = arith.constant 0 : i32
      %dma_start3A_229 = tpu.memref_slice %arg3[%add3A, %run_scoped3A, %dma_start3A_227, %dma_start3A_228] : memref<32x10x10x100xi32, #tpu.memory_space<hbm>> -> memref<1x1x10x100xi32, #tpu.memory_space<hbm>>
      %dma_start3A_230 = tpu.memref_squeeze %dma_start3A_229 : memref<1x1x10x100xi32, #tpu.memory_space<hbm>> -> memref<10x100xi32, #tpu.memory_space<hbm>>
      tpu.enqueue_dma source(%dma_start3A_230 : memref<10x100xi32, #tpu.memory_space<hbm>>) target(%dma_start3A_226 : memref<10x100xi32, #tpu.memory_space<vmem>>) target_semaphore(%run_scoped3A_214 : memref<!tpu.dma_semaphore, #tpu.memory_space<semaphore_mem>>)
      %dma_wait3A_231 = arith.constant 0 : i32
      %dma_wait3A_232 = arith.constant 0 : i32
      %dma_wait3A_233 = tpu.memref_slice %arg7[%run_scoped3A_3, %dma_wait3A_231, %dma_wait3A_232] : memref<2x10x100xi32, #tpu.memory_space<vmem>> -> memref<1x10x100xi32, #tpu.memory_space<vmem>>
      %dma_wait3A_234 = tpu.memref_squeeze %dma_wait3A_233 : memref<1x10x100xi32, #tpu.memory_space<vmem>> -> memref<10x100xi32, #tpu.memory_space<vmem>>
      %dma_wait3A_235 = arith.constant 0 : i32
      %dma_wait3A_236 = arith.constant 0 : i32
      %dma_wait3A_237 = tpu.memref_slice %arg3[%add3A, %run_scoped3A, %dma_wait3A_235, %dma_wait3A_236] : memref<32x10x10x100xi32, #tpu.memory_space<hbm>> -> memref<1x1x10x100xi32, #tpu.memory_space<hbm>>
      %dma_wait3A_238 = tpu.memref_squeeze %dma_wait3A_237 : memref<1x1x10x100xi32, #tpu.memory_space<hbm>> -> memref<10x100xi32, #tpu.memory_space<hbm>>
      %dma_wait3A_239 = arith.constant 0 : i32
      %dma_wait3A_240 = arith.constant 0 : i32
      %dma_wait3A_241 = tpu.memref_slice %arg7[%run_scoped3A_3, %dma_wait3A_239, %dma_wait3A_240] : memref<2x10x100xi32, #tpu.memory_space<vmem>> -> memref<1x10x100xi32, #tpu.memory_space<vmem>>
      %dma_wait3A_242 = tpu.memref_squeeze %dma_wait3A_241 : memref<1x10x100xi32, #tpu.memory_space<vmem>> -> memref<10x100xi32, #tpu.memory_space<vmem>>
      %dma_wait3A_243 = arith.constant 0 : i32
      %dma_wait3A_244 = arith.constant 0 : i32
      %dma_wait3A_245 = tpu.memref_slice %arg3[%add3A, %run_scoped3A, %dma_wait3A_243, %dma_wait3A_244] : memref<32x10x10x100xi32, #tpu.memory_space<hbm>> -> memref<1x1x10x100xi32, #tpu.memory_space<hbm>>
      %dma_wait3A_246 = tpu.memref_squeeze %dma_wait3A_245 : memref<1x1x10x100xi32, #tpu.memory_space<hbm>> -> memref<10x100xi32, #tpu.memory_space<hbm>>
      tpu.wait_dma2 semaphore(%run_scoped3A_214 : memref<!tpu.dma_semaphore, #tpu.memory_space<semaphore_mem>>) src(%dma_wait3A_246 : memref<10x100xi32, #tpu.memory_space<hbm>>) dst(%dma_wait3A_242 : memref<10x100xi32, #tpu.memory_space<vmem>>)
      tpu.yield
    }) : () -> ()
    %run_scoped3A_4 = arith.constant 0 : i32
    %run_scoped3A_5 = arith.constant 0 : i32
    "tpu.region"() ({
      %run_scoped3A_214 = tpu.sem_alloc : memref<!tpu.dma_semaphore, #tpu.memory_space<semaphore_mem>>
      %dma_start3A_215 = arith.constant 0 : i32
      %dma_start3A_216 = arith.constant 0 : i32
      %dma_start3A_217 = tpu.memref_slice %arg8[%run_scoped3A_5, %dma_start3A_215, %dma_start3A_216] : memref<2x10x100xi32, #tpu.memory_space<vmem>> -> memref<1x10x100xi32, #tpu.memory_space<vmem>>
      %dma_start3A_218 = tpu.memref_squeeze %dma_start3A_217 : memref<1x10x100xi32, #tpu.memory_space<vmem>> -> memref<10x100xi32, #tpu.memory_space<vmem>>
      %dma_start3A_219 = arith.constant 0 : i32
      %dma_start3A_220 = arith.constant 0 : i32
      %dma_start3A_221 = tpu.memref_slice %arg4[%add3A, %run_scoped3A_4, %dma_start3A_219, %dma_start3A_220] : memref<32x10x10x100xi32, #tpu.memory_space<hbm>> -> memref<1x1x10x100xi32, #tpu.memory_space<hbm>>
      %dma_start3A_222 = tpu.memref_squeeze %dma_start3A_221 : memref<1x1x10x100xi32, #tpu.memory_space<hbm>> -> memref<10x100xi32, #tpu.memory_space<hbm>>
      %dma_start3A_223 = arith.constant 0 : i32
      %dma_start3A_224 = arith.constant 0 : i32
      %dma_start3A_225 = tpu.memref_slice %arg8[%run_scoped3A_5, %dma_start3A_223, %dma_start3A_224] : memref<2x10x100xi32, #tpu.memory_space<vmem>> -> memref<1x10x100xi32, #tpu.memory_space<vmem>>
      %dma_start3A_226 = tpu.memref_squeeze %dma_start3A_225 : memref<1x10x100xi32, #tpu.memory_space<vmem>> -> memref<10x100xi32, #tpu.memory_space<vmem>>
      %dma_start3A_227 = arith.constant 0 : i32
      %dma_start3A_228 = arith.constant 0 : i32
      %dma_start3A_229 = tpu.memref_slice %arg4[%add3A, %run_scoped3A_4, %dma_start3A_227, %dma_start3A_228] : memref<32x10x10x100xi32, #tpu.memory_space<hbm>> -> memref<1x1x10x100xi32, #tpu.memory_space<hbm>>
      %dma_start3A_230 = tpu.memref_squeeze %dma_start3A_229 : memref<1x1x10x100xi32, #tpu.memory_space<hbm>> -> memref<10x100xi32, #tpu.memory_space<hbm>>
      tpu.enqueue_dma source(%dma_start3A_230 : memref<10x100xi32, #tpu.memory_space<hbm>>) target(%dma_start3A_226 : memref<10x100xi32, #tpu.memory_space<vmem>>) target_semaphore(%run_scoped3A_214 : memref<!tpu.dma_semaphore, #tpu.memory_space<semaphore_mem>>)
      %dma_wait3A_231 = arith.constant 0 : i32
      %dma_wait3A_232 = arith.constant 0 : i32
      %dma_wait3A_233 = tpu.memref_slice %arg8[%run_scoped3A_5, %dma_wait3A_231, %dma_wait3A_232] : memref<2x10x100xi32, #tpu.memory_space<vmem>> -> memref<1x10x100xi32, #tpu.memory_space<vmem>>
      %dma_wait3A_234 = tpu.memref_squeeze %dma_wait3A_233 : memref<1x10x100xi32, #tpu.memory_space<vmem>> -> memref<10x100xi32, #tpu.memory_space<vmem>>
      %dma_wait3A_235 = arith.constant 0 : i32
      %dma_wait3A_236 = arith.constant 0 : i32
      %dma_wait3A_237 = tpu.memref_slice %arg4[%add3A, %run_scoped3A_4, %dma_wait3A_235, %dma_wait3A_236] : memref<32x10x10x100xi32, #tpu.memory_space<hbm>> -> memref<1x1x10x100xi32, #tpu.memory_space<hbm>>
      %dma_wait3A_238 = tpu.memref_squeeze %dma_wait3A_237 : memref<1x1x10x100xi32, #tpu.memory_space<hbm>> -> memref<10x100xi32, #tpu.memory_space<hbm>>
      %dma_wait3A_239 = arith.constant 0 : i32
      %dma_wait3A_240 = arith.constant 0 : i32
      %dma_wait3A_241 = tpu.memref_slice %arg8[%run_scoped3A_5, %dma_wait3A_239, %dma_wait3A_240] : memref<2x10x100xi32, #tpu.memory_space<vmem>> -> memref<1x10x100xi32, #tpu.memory_space<vmem>>
      %dma_wait3A_242 = tpu.memref_squeeze %dma_wait3A_241 : memref<1x10x100xi32, #tpu.memory_space<vmem>> -> memref<10x100xi32, #tpu.memory_space<vmem>>
      %dma_wait3A_243 = arith.constant 0 : i32
      %dma_wait3A_244 = arith.constant 0 : i32
      %dma_wait3A_245 = tpu.memref_slice %arg4[%add3A, %run_scoped3A_4, %dma_wait3A_243, %dma_wait3A_244] : memref<32x10x10x100xi32, #tpu.memory_space<hbm>> -> memref<1x1x10x100xi32, #tpu.memory_space<hbm>>
      %dma_wait3A_246 = tpu.memref_squeeze %dma_wait3A_245 : memref<1x1x10x100xi32, #tpu.memory_space<hbm>> -> memref<10x100xi32, #tpu.memory_space<hbm>>
      tpu.wait_dma2 semaphore(%run_scoped3A_214 : memref<!tpu.dma_semaphore, #tpu.memory_space<semaphore_mem>>) src(%dma_wait3A_246 : memref<10x100xi32, #tpu.memory_space<hbm>>) dst(%dma_wait3A_242 : memref<10x100xi32, #tpu.memory_space<vmem>>)
      tpu.yield
    }) : () -> ()
    %dma_start3A = arith.constant 1 : i32
    %dma_start3A_6 = arith.constant 1 : i32
    %dma_start3A_7 = arith.constant 0 : i32
    %dma_start3A_8 = arith.constant 0 : i32
    %dma_start3A_9 = tpu.memref_slice %arg7[%dma_start3A_6, %dma_start3A_7, %dma_start3A_8] : memref<2x10x100xi32, #tpu.memory_space<vmem>> -> memref<1x10x100xi32, #tpu.memory_space<vmem>>
    %dma_start3A_10 = tpu.memref_squeeze %dma_start3A_9 : memref<1x10x100xi32, #tpu.memory_space<vmem>> -> memref<10x100xi32, #tpu.memory_space<vmem>>
    %dma_start3A_11 = arith.constant 0 : i32
    %dma_start3A_12 = arith.constant 0 : i32
    %dma_start3A_13 = tpu.memref_slice %arg3[%add3A, %dma_start3A, %dma_start3A_11, %dma_start3A_12] : memref<32x10x10x100xi32, #tpu.memory_space<hbm>> -> memref<1x1x10x100xi32, #tpu.memory_space<hbm>>
    %dma_start3A_14 = tpu.memref_squeeze %dma_start3A_13 : memref<1x1x10x100xi32, #tpu.memory_space<hbm>> -> memref<10x100xi32, #tpu.memory_space<hbm>>
    %dma_start3A_15 = arith.constant 0 : i32
    %dma_start3A_16 = arith.constant 0 : i32
    %dma_start3A_17 = tpu.memref_slice %arg7[%dma_start3A_6, %dma_start3A_15, %dma_start3A_16] : memref<2x10x100xi32, #tpu.memory_space<vmem>> -> memref<1x10x100xi32, #tpu.memory_space<vmem>>
    %dma_start3A_18 = tpu.memref_squeeze %dma_start3A_17 : memref<1x10x100xi32, #tpu.memory_space<vmem>> -> memref<10x100xi32, #tpu.memory_space<vmem>>
    %dma_start3A_19 = arith.constant 0 : i32
    %dma_start3A_20 = arith.constant 0 : i32
    %dma_start3A_21 = tpu.memref_slice %arg3[%add3A, %dma_start3A, %dma_start3A_19, %dma_start3A_20] : memref<32x10x10x100xi32, #tpu.memory_space<hbm>> -> memref<1x1x10x100xi32, #tpu.memory_space<hbm>>
    %dma_start3A_22 = tpu.memref_squeeze %dma_start3A_21 : memref<1x1x10x100xi32, #tpu.memory_space<hbm>> -> memref<10x100xi32, #tpu.memory_space<hbm>>
    tpu.enqueue_dma source(%dma_start3A_22 : memref<10x100xi32, #tpu.memory_space<hbm>>) target(%dma_start3A_18 : memref<10x100xi32, #tpu.memory_space<vmem>>) target_semaphore(%arg14 : memref<!tpu.dma_semaphore, #tpu.memory_space<semaphore_mem>>)
    %dma_start3A_23 = arith.constant 1 : i32
    %dma_start3A_24 = arith.constant 1 : i32
    %dma_start3A_25 = arith.constant 0 : i32
    %dma_start3A_26 = arith.constant 0 : i32
    %dma_start3A_27 = tpu.memref_slice %arg8[%dma_start3A_24, %dma_start3A_25, %dma_start3A_26] : memref<2x10x100xi32, #tpu.memory_space<vmem>> -> memref<1x10x100xi32, #tpu.memory_space<vmem>>
    %dma_start3A_28 = tpu.memref_squeeze %dma_start3A_27 : memref<1x10x100xi32, #tpu.memory_space<vmem>> -> memref<10x100xi32, #tpu.memory_space<vmem>>
    %dma_start3A_29 = arith.constant 0 : i32
    %dma_start3A_30 = arith.constant 0 : i32
    %dma_start3A_31 = tpu.memref_slice %arg4[%add3A, %dma_start3A_23, %dma_start3A_29, %dma_start3A_30] : memref<32x10x10x100xi32, #tpu.memory_space<hbm>> -> memref<1x1x10x100xi32, #tpu.memory_space<hbm>>
    %dma_start3A_32 = tpu.memref_squeeze %dma_start3A_31 : memref<1x1x10x100xi32, #tpu.memory_space<hbm>> -> memref<10x100xi32, #tpu.memory_space<hbm>>
    %dma_start3A_33 = arith.constant 0 : i32
    %dma_start3A_34 = arith.constant 0 : i32
    %dma_start3A_35 = tpu.memref_slice %arg8[%dma_start3A_24, %dma_start3A_33, %dma_start3A_34] : memref<2x10x100xi32, #tpu.memory_space<vmem>> -> memref<1x10x100xi32, #tpu.memory_space<vmem>>
    %dma_start3A_36 = tpu.memref_squeeze %dma_start3A_35 : memref<1x10x100xi32, #tpu.memory_space<vmem>> -> memref<10x100xi32, #tpu.memory_space<vmem>>
    %dma_start3A_37 = arith.constant 0 : i32
    %dma_start3A_38 = arith.constant 0 : i32
    %dma_start3A_39 = tpu.memref_slice %arg4[%add3A, %dma_start3A_23, %dma_start3A_37, %dma_start3A_38] : memref<32x10x10x100xi32, #tpu.memory_space<hbm>> -> memref<1x1x10x100xi32, #tpu.memory_space<hbm>>
    %dma_start3A_40 = tpu.memref_squeeze %dma_start3A_39 : memref<1x1x10x100xi32, #tpu.memory_space<hbm>> -> memref<10x100xi32, #tpu.memory_space<hbm>>
    tpu.enqueue_dma source(%dma_start3A_40 : memref<10x100xi32, #tpu.memory_space<hbm>>) target(%dma_start3A_36 : memref<10x100xi32, #tpu.memory_space<vmem>>) target_semaphore(%arg14 : memref<!tpu.dma_semaphore, #tpu.memory_space<semaphore_mem>>)
    %barrier3A = arith.constant 0 : index
    tpu.barrier barrier_id(%barrier3A)
    %dma_start3A_41 = arith.constant 0 : i32
    %dma_start3A_42 = arith.constant 0 : i32
    %dma_start3A_43 = arith.constant 0 : i32
    %dma_start3A_44 = arith.constant 0 : i32
    %dma_start3A_45 = arith.constant 0 : i32
    %dma_start3A_46 = tpu.memref_slice %arg9[%dma_start3A_43, %dma_start3A_44, %dma_start3A_45] : memref<2x100x128xf32, #tpu.memory_space<vmem>> -> memref<1x100x128xf32, #tpu.memory_space<vmem>>
    %dma_start3A_47 = tpu.memref_squeeze %dma_start3A_46 : memref<1x100x128xf32, #tpu.memory_space<vmem>> -> memref<100x128xf32, #tpu.memory_space<vmem>>
    %dma_start3A_48 = arith.constant 0 : i32
    %dma_start3A_49 = tpu.memref_slice %arg7[%dma_start3A_41, %dma_start3A_42, %dma_start3A_48] : memref<2x10x100xi32, #tpu.memory_space<vmem>> -> memref<1x1x100xi32, #tpu.memory_space<vmem>>
    %dma_start3A_50 = tpu.memref_squeeze %dma_start3A_49 : memref<1x1x100xi32, #tpu.memory_space<vmem>> -> memref<100xi32, #tpu.memory_space<vmem>>
    %dma_start3A_51 = arith.constant 0 : i32
    %dma_start3A_52 = arith.constant 0 : i32
    %dma_start3A_53 = tpu.memref_slice %arg2[%dma_start3A_51, %dma_start3A_52] : memref<10000x128xf32, #tpu.memory_space<hbm>> -> memref<10000x128xf32, #tpu.memory_space<hbm>>
    tpu.enqueue_indirect_dma source(%dma_start3A_53 : memref<10000x128xf32, #tpu.memory_space<hbm>>) target(%dma_start3A_47 : memref<100x128xf32, #tpu.memory_space<vmem>>) offsets(%dma_start3A_50 : memref<100xi32, #tpu.memory_space<vmem>>) semaphore(%arg11 : memref<!tpu.dma_semaphore, #tpu.memory_space<semaphore_mem>>)
    %dma_start3A_54 = arith.constant 0 : i32
    %dma_start3A_55 = arith.constant 1 : i32
    %dma_start3A_56 = arith.constant 1 : i32
    %dma_start3A_57 = arith.constant 0 : i32
    %dma_start3A_58 = arith.constant 0 : i32
    %dma_start3A_59 = tpu.memref_slice %arg9[%dma_start3A_56, %dma_start3A_57, %dma_start3A_58] : memref<2x100x128xf32, #tpu.memory_space<vmem>> -> memref<1x100x128xf32, #tpu.memory_space<vmem>>
    %dma_start3A_60 = tpu.memref_squeeze %dma_start3A_59 : memref<1x100x128xf32, #tpu.memory_space<vmem>> -> memref<100x128xf32, #tpu.memory_space<vmem>>
    %dma_start3A_61 = arith.constant 0 : i32
    %dma_start3A_62 = tpu.memref_slice %arg7[%dma_start3A_54, %dma_start3A_55, %dma_start3A_61] : memref<2x10x100xi32, #tpu.memory_space<vmem>> -> memref<1x1x100xi32, #tpu.memory_space<vmem>>
    %dma_start3A_63 = tpu.memref_squeeze %dma_start3A_62 : memref<1x1x100xi32, #tpu.memory_space<vmem>> -> memref<100xi32, #tpu.memory_space<vmem>>
    %dma_start3A_64 = arith.constant 0 : i32
    %dma_start3A_65 = arith.constant 0 : i32
    %dma_start3A_66 = tpu.memref_slice %arg2[%dma_start3A_64, %dma_start3A_65] : memref<10000x128xf32, #tpu.memory_space<hbm>> -> memref<10000x128xf32, #tpu.memory_space<hbm>>
    tpu.enqueue_indirect_dma source(%dma_start3A_66 : memref<10000x128xf32, #tpu.memory_space<hbm>>) target(%dma_start3A_60 : memref<100x128xf32, #tpu.memory_space<vmem>>) offsets(%dma_start3A_63 : memref<100xi32, #tpu.memory_space<vmem>>) semaphore(%arg12 : memref<!tpu.dma_semaphore, #tpu.memory_space<semaphore_mem>>)
    %scan3A = arith.constant 0 : i32
    %scan3A_67 = arith.constant 0 : i32
    %scan3A_68 = arith.constant 4 : i32
    %scan3A_69 = arith.addi %scan3A_67, %scan3A_68 : i32
    %scan3A_70 = arith.constant 1 : i32
    scf.for %scan3A_214 = %scan3A_67 to %scan3A_69 step %scan3A_70  : i32 {
      %mul3A_215 = arith.constant 2 : i32
      %mul3A_216 = arith.muli %mul3A_215, %scan3A_214 : i32
      %add3A_217 = arith.constant 0 : i32
      %add3A_218 = arith.addi %mul3A_216, %add3A_217 : i32
      %scan3A_219 = arith.constant 0 : i32
      %scan3A_220 = arith.constant 0 : i32
      %scan3A_221 = arith.constant 4 : i32
      %scan3A_222 = arith.addi %scan3A_220, %scan3A_221 : i32
      %scan3A_223 = arith.constant 1 : i32
      scf.for %scan3A_503 = %scan3A_220 to %scan3A_222 step %scan3A_223  : i32 {
        %mul3A_504 = arith.constant 2 : i32
        %mul3A_505 = arith.muli %mul3A_504, %scan3A_503 : i32
        %add3A_506 = arith.constant 0 : i32
        %add3A_507 = arith.addi %mul3A_505, %add3A_506 : i32
        %dma_wait3A_508 = arith.constant 0 : i32
        %dma_wait3A_509 = arith.constant 0 : i32
        %dma_wait3A_510 = arith.constant 0 : i32
        %dma_wait3A_511 = arith.constant 0 : i32
        %dma_wait3A_512 = tpu.memref_slice %arg9[%dma_wait3A_509, %dma_wait3A_510, %dma_wait3A_511] : memref<2x100x128xf32, #tpu.memory_space<vmem>> -> memref<1x100x128xf32, #tpu.memory_space<vmem>>
        %dma_wait3A_513 = tpu.memref_squeeze %dma_wait3A_512 : memref<1x100x128xf32, #tpu.memory_space<vmem>> -> memref<100x128xf32, #tpu.memory_space<vmem>>
        %dma_wait3A_514 = arith.constant 0 : i32
        %dma_wait3A_515 = tpu.memref_slice %arg7[%dma_wait3A_508, %add3A_507, %dma_wait3A_514] : memref<2x10x100xi32, #tpu.memory_space<vmem>> -> memref<1x1x100xi32, #tpu.memory_space<vmem>>
        %dma_wait3A_516 = tpu.memref_squeeze %dma_wait3A_515 : memref<1x1x100xi32, #tpu.memory_space<vmem>> -> memref<100xi32, #tpu.memory_space<vmem>>
        %dma_wait3A_517 = arith.constant 0 : i32
        %dma_wait3A_518 = arith.constant 0 : i32
        %dma_wait3A_519 = tpu.memref_slice %arg2[%dma_wait3A_517, %dma_wait3A_518] : memref<10000x128xf32, #tpu.memory_space<hbm>> -> memref<10000x128xf32, #tpu.memory_space<hbm>>
        tpu.wait_indirect_dma semaphore(%arg11 : memref<!tpu.dma_semaphore, #tpu.memory_space<semaphore_mem>>) src(%dma_wait3A_519 : memref<10000x128xf32, #tpu.memory_space<hbm>>) dst(%dma_wait3A_513 : memref<100x128xf32, #tpu.memory_space<vmem>>)
        %run_scoped3A_520 = arith.constant 0 : i32
        %run_scoped3A_521 = arith.constant 0 : i32
        "tpu.region"() ({
          %run_scoped3A_568 = tpu.sem_alloc : memref<!tpu.dma_semaphore, #tpu.memory_space<semaphore_mem>>
          %dma_start3A_569 = arith.constant 0 : i32
          %dma_start3A_570 = arith.constant 0 : i32
          %dma_start3A_571 = tpu.memref_slice %arg9[%run_scoped3A_520, %dma_start3A_569, %dma_start3A_570] : memref<2x100x128xf32, #tpu.memory_space<vmem>> -> memref<1x100x128xf32, #tpu.memory_space<vmem>>
          %dma_start3A_572 = tpu.memref_squeeze %dma_start3A_571 : memref<1x100x128xf32, #tpu.memory_space<vmem>> -> memref<100x128xf32, #tpu.memory_space<vmem>>
          %dma_start3A_573 = arith.constant 0 : i32
          %dma_start3A_574 = tpu.memref_slice %arg8[%run_scoped3A_521, %add3A_507, %dma_start3A_573] : memref<2x10x100xi32, #tpu.memory_space<vmem>> -> memref<1x1x100xi32, #tpu.memory_space<vmem>>
          %dma_start3A_575 = tpu.memref_squeeze %dma_start3A_574 : memref<1x1x100xi32, #tpu.memory_space<vmem>> -> memref<100xi32, #tpu.memory_space<vmem>>
          %dma_start3A_576 = arith.constant 0 : i32
          %dma_start3A_577 = arith.constant 0 : i32
          %dma_start3A_578 = tpu.memref_slice %arg10[%dma_start3A_576, %dma_start3A_577] : memref<10112x128xf32, #tpu.memory_space<vmem_shared>> -> memref<10112x128xf32, #tpu.memory_space<vmem_shared>>
          tpu.enqueue_indirect_dma source(%dma_start3A_572 : memref<100x128xf32, #tpu.memory_space<vmem>>) target(%dma_start3A_578 : memref<10112x128xf32, #tpu.memory_space<vmem_shared>>) offsets(%dma_start3A_575 : memref<100xi32, #tpu.memory_space<vmem>>) semaphore(%run_scoped3A_568 : memref<!tpu.dma_semaphore, #tpu.memory_space<semaphore_mem>>) {add = true}
          %dma_wait3A_579 = arith.constant 0 : i32
          %dma_wait3A_580 = arith.constant 0 : i32
          %dma_wait3A_581 = tpu.memref_slice %arg9[%run_scoped3A_520, %dma_wait3A_579, %dma_wait3A_580] : memref<2x100x128xf32, #tpu.memory_space<vmem>> -> memref<1x100x128xf32, #tpu.memory_space<vmem>>
          %dma_wait3A_582 = tpu.memref_squeeze %dma_wait3A_581 : memref<1x100x128xf32, #tpu.memory_space<vmem>> -> memref<100x128xf32, #tpu.memory_space<vmem>>
          %dma_wait3A_583 = arith.constant 0 : i32
          %dma_wait3A_584 = tpu.memref_slice %arg8[%run_scoped3A_521, %add3A_507, %dma_wait3A_583] : memref<2x10x100xi32, #tpu.memory_space<vmem>> -> memref<1x1x100xi32, #tpu.memory_space<vmem>>
          %dma_wait3A_585 = tpu.memref_squeeze %dma_wait3A_584 : memref<1x1x100xi32, #tpu.memory_space<vmem>> -> memref<100xi32, #tpu.memory_space<vmem>>
          %dma_wait3A_586 = arith.constant 0 : i32
          %dma_wait3A_587 = arith.constant 0 : i32
          %dma_wait3A_588 = tpu.memref_slice %arg10[%dma_wait3A_586, %dma_wait3A_587] : memref<10112x128xf32, #tpu.memory_space<vmem_shared>> -> memref<10112x128xf32, #tpu.memory_space<vmem_shared>>
          tpu.wait_indirect_dma semaphore(%run_scoped3A_568 : memref<!tpu.dma_semaphore, #tpu.memory_space<semaphore_mem>>) src(%dma_wait3A_582 : memref<100x128xf32, #tpu.memory_space<vmem>>) dst(%dma_wait3A_588 : memref<10112x128xf32, #tpu.memory_space<vmem_shared>>)
          tpu.yield
        }) : () -> ()
        %add3A_522 = arith.constant 2 : i32
        %add3A_523 = arith.addi %add3A_507, %add3A_522 : i32
        %dma_start3A_524 = arith.constant 0 : i32
        %dma_start3A_525 = arith.constant 0 : i32
        %dma_start3A_526 = arith.constant 0 : i32
        %dma_start3A_527 = arith.constant 0 : i32
        %dma_start3A_528 = tpu.memref_slice %arg9[%dma_start3A_525, %dma_start3A_526, %dma_start3A_527] : memref<2x100x128xf32, #tpu.memory_space<vmem>> -> memref<1x100x128xf32, #tpu.memory_space<vmem>>
        %dma_start3A_529 = tpu.memref_squeeze %dma_start3A_528 : memref<1x100x128xf32, #tpu.memory_space<vmem>> -> memref<100x128xf32, #tpu.memory_space<vmem>>
        %dma_start3A_530 = arith.constant 0 : i32
        %dma_start3A_531 = tpu.memref_slice %arg7[%dma_start3A_524, %add3A_523, %dma_start3A_530] : memref<2x10x100xi32, #tpu.memory_space<vmem>> -> memref<1x1x100xi32, #tpu.memory_space<vmem>>
        %dma_start3A_532 = tpu.memref_squeeze %dma_start3A_531 : memref<1x1x100xi32, #tpu.memory_space<vmem>> -> memref<100xi32, #tpu.memory_space<vmem>>
        %dma_start3A_533 = arith.constant 0 : i32
        %dma_start3A_534 = arith.constant 0 : i32
        %dma_start3A_535 = tpu.memref_slice %arg2[%dma_start3A_533, %dma_start3A_534] : memref<10000x128xf32, #tpu.memory_space<hbm>> -> memref<10000x128xf32, #tpu.memory_space<hbm>>
        tpu.enqueue_indirect_dma source(%dma_start3A_535 : memref<10000x128xf32, #tpu.memory_space<hbm>>) target(%dma_start3A_529 : memref<100x128xf32, #tpu.memory_space<vmem>>) offsets(%dma_start3A_532 : memref<100xi32, #tpu.memory_space<vmem>>) semaphore(%arg11 : memref<!tpu.dma_semaphore, #tpu.memory_space<semaphore_mem>>)
        %mul3A_536 = arith.constant 2 : i32
        %mul3A_537 = arith.muli %mul3A_536, %scan3A_503 : i32
        %add3A_538 = arith.constant 1 : i32
        %add3A_539 = arith.addi %mul3A_537, %add3A_538 : i32
        %dma_wait3A_540 = arith.constant 0 : i32
        %dma_wait3A_541 = arith.constant 1 : i32
        %dma_wait3A_542 = arith.constant 0 : i32
        %dma_wait3A_543 = arith.constant 0 : i32
        %dma_wait3A_544 = tpu.memref_slice %arg9[%dma_wait3A_541, %dma_wait3A_542, %dma_wait3A_543] : memref<2x100x128xf32, #tpu.memory_space<vmem>> -> memref<1x100x128xf32, #tpu.memory_space<vmem>>
        %dma_wait3A_545 = tpu.memref_squeeze %dma_wait3A_544 : memref<1x100x128xf32, #tpu.memory_space<vmem>> -> memref<100x128xf32, #tpu.memory_space<vmem>>
        %dma_wait3A_546 = arith.constant 0 : i32
        %dma_wait3A_547 = tpu.memref_slice %arg7[%dma_wait3A_540, %add3A_539, %dma_wait3A_546] : memref<2x10x100xi32, #tpu.memory_space<vmem>> -> memref<1x1x100xi32, #tpu.memory_space<vmem>>
        %dma_wait3A_548 = tpu.memref_squeeze %dma_wait3A_547 : memref<1x1x100xi32, #tpu.memory_space<vmem>> -> memref<100xi32, #tpu.memory_space<vmem>>
        %dma_wait3A_549 = arith.constant 0 : i32
        %dma_wait3A_550 = arith.constant 0 : i32
        %dma_wait3A_551 = tpu.memref_slice %arg2[%dma_wait3A_549, %dma_wait3A_550] : memref<10000x128xf32, #tpu.memory_space<hbm>> -> memref<10000x128xf32, #tpu.memory_space<hbm>>
        tpu.wait_indirect_dma semaphore(%arg12 : memref<!tpu.dma_semaphore, #tpu.memory_space<semaphore_mem>>) src(%dma_wait3A_551 : memref<10000x128xf32, #tpu.memory_space<hbm>>) dst(%dma_wait3A_545 : memref<100x128xf32, #tpu.memory_space<vmem>>)
        %run_scoped3A_552 = arith.constant 1 : i32
        %run_scoped3A_553 = arith.constant 0 : i32
        "tpu.region"() ({
          %run_scoped3A_568 = tpu.sem_alloc : memref<!tpu.dma_semaphore, #tpu.memory_space<semaphore_mem>>
          %dma_start3A_569 = arith.constant 0 : i32
          %dma_start3A_570 = arith.constant 0 : i32
          %dma_start3A_571 = tpu.memref_slice %arg9[%run_scoped3A_552, %dma_start3A_569, %dma_start3A_570] : memref<2x100x128xf32, #tpu.memory_space<vmem>> -> memref<1x100x128xf32, #tpu.memory_space<vmem>>
          %dma_start3A_572 = tpu.memref_squeeze %dma_start3A_571 : memref<1x100x128xf32, #tpu.memory_space<vmem>> -> memref<100x128xf32, #tpu.memory_space<vmem>>
          %dma_start3A_573 = arith.constant 0 : i32
          %dma_start3A_574 = tpu.memref_slice %arg8[%run_scoped3A_553, %add3A_539, %dma_start3A_573] : memref<2x10x100xi32, #tpu.memory_space<vmem>> -> memref<1x1x100xi32, #tpu.memory_space<vmem>>
          %dma_start3A_575 = tpu.memref_squeeze %dma_start3A_574 : memref<1x1x100xi32, #tpu.memory_space<vmem>> -> memref<100xi32, #tpu.memory_space<vmem>>
          %dma_start3A_576 = arith.constant 0 : i32
          %dma_start3A_577 = arith.constant 0 : i32
          %dma_start3A_578 = tpu.memref_slice %arg10[%dma_start3A_576, %dma_start3A_577] : memref<10112x128xf32, #tpu.memory_space<vmem_shared>> -> memref<10112x128xf32, #tpu.memory_space<vmem_shared>>
          tpu.enqueue_indirect_dma source(%dma_start3A_572 : memref<100x128xf32, #tpu.memory_space<vmem>>) target(%dma_start3A_578 : memref<10112x128xf32, #tpu.memory_space<vmem_shared>>) offsets(%dma_start3A_575 : memref<100xi32, #tpu.memory_space<vmem>>) semaphore(%run_scoped3A_568 : memref<!tpu.dma_semaphore, #tpu.memory_space<semaphore_mem>>) {add = true}
          %dma_wait3A_579 = arith.constant 0 : i32
          %dma_wait3A_580 = arith.constant 0 : i32
          %dma_wait3A_581 = tpu.memref_slice %arg9[%run_scoped3A_552, %dma_wait3A_579, %dma_wait3A_580] : memref<2x100x128xf32, #tpu.memory_space<vmem>> -> memref<1x100x128xf32, #tpu.memory_space<vmem>>
          %dma_wait3A_582 = tpu.memref_squeeze %dma_wait3A_581 : memref<1x100x128xf32, #tpu.memory_space<vmem>> -> memref<100x128xf32, #tpu.memory_space<vmem>>
          %dma_wait3A_583 = arith.constant 0 : i32
          %dma_wait3A_584 = tpu.memref_slice %arg8[%run_scoped3A_553, %add3A_539, %dma_wait3A_583] : memref<2x10x100xi32, #tpu.memory_space<vmem>> -> memref<1x1x100xi32, #tpu.memory_space<vmem>>
          %dma_wait3A_585 = tpu.memref_squeeze %dma_wait3A_584 : memref<1x1x100xi32, #tpu.memory_space<vmem>> -> memref<100xi32, #tpu.memory_space<vmem>>
          %dma_wait3A_586 = arith.constant 0 : i32
          %dma_wait3A_587 = arith.constant 0 : i32
          %dma_wait3A_588 = tpu.memref_slice %arg10[%dma_wait3A_586, %dma_wait3A_587] : memref<10112x128xf32, #tpu.memory_space<vmem_shared>> -> memref<10112x128xf32, #tpu.memory_space<vmem_shared>>
          tpu.wait_indirect_dma semaphore(%run_scoped3A_568 : memref<!tpu.dma_semaphore, #tpu.memory_space<semaphore_mem>>) src(%dma_wait3A_582 : memref<100x128xf32, #tpu.memory_space<vmem>>) dst(%dma_wait3A_588 : memref<10112x128xf32, #tpu.memory_space<vmem_shared>>)
          tpu.yield
        }) : () -> ()
        %add3A_554 = arith.constant 2 : i32
        %add3A_555 = arith.addi %add3A_539, %add3A_554 : i32
        %dma_start3A_556 = arith.constant 0 : i32
        %dma_start3A_557 = arith.constant 1 : i32
        %dma_start3A_558 = arith.constant 0 : i32
        %dma_start3A_559 = arith.constant 0 : i32
        %dma_start3A_560 = tpu.memref_slice %arg9[%dma_start3A_557, %dma_start3A_558, %dma_start3A_559] : memref<2x100x128xf32, #tpu.memory_space<vmem>> -> memref<1x100x128xf32, #tpu.memory_space<vmem>>
        %dma_start3A_561 = tpu.memref_squeeze %dma_start3A_560 : memref<1x100x128xf32, #tpu.memory_space<vmem>> -> memref<100x128xf32, #tpu.memory_space<vmem>>
        %dma_start3A_562 = arith.constant 0 : i32
        %dma_start3A_563 = tpu.memref_slice %arg7[%dma_start3A_556, %add3A_555, %dma_start3A_562] : memref<2x10x100xi32, #tpu.memory_space<vmem>> -> memref<1x1x100xi32, #tpu.memory_space<vmem>>
        %dma_start3A_564 = tpu.memref_squeeze %dma_start3A_563 : memref<1x1x100xi32, #tpu.memory_space<vmem>> -> memref<100xi32, #tpu.memory_space<vmem>>
        %dma_start3A_565 = arith.constant 0 : i32
        %dma_start3A_566 = arith.constant 0 : i32
        %dma_start3A_567 = tpu.memref_slice %arg2[%dma_start3A_565, %dma_start3A_566] : memref<10000x128xf32, #tpu.memory_space<hbm>> -> memref<10000x128xf32, #tpu.memory_space<hbm>>
        tpu.enqueue_indirect_dma source(%dma_start3A_567 : memref<10000x128xf32, #tpu.memory_space<hbm>>) target(%dma_start3A_561 : memref<100x128xf32, #tpu.memory_space<vmem>>) offsets(%dma_start3A_564 : memref<100xi32, #tpu.memory_space<vmem>>) semaphore(%arg12 : memref<!tpu.dma_semaphore, #tpu.memory_space<semaphore_mem>>)
      }
      %scan3A_224 = arith.constant 4 : i32
      %dma_wait3A_225 = arith.constant 0 : i32
      %dma_wait3A_226 = arith.constant 8 : i32
      %dma_wait3A_227 = arith.constant 0 : i32
      %dma_wait3A_228 = arith.constant 0 : i32
      %dma_wait3A_229 = arith.constant 0 : i32
      %dma_wait3A_230 = tpu.memref_slice %arg9[%dma_wait3A_227, %dma_wait3A_228, %dma_wait3A_229] : memref<2x100x128xf32, #tpu.memory_space<vmem>> -> memref<1x100x128xf32, #tpu.memory_space<vmem>>
      %dma_wait3A_231 = tpu.memref_squeeze %dma_wait3A_230 : memref<1x100x128xf32, #tpu.memory_space<vmem>> -> memref<100x128xf32, #tpu.memory_space<vmem>>
      %dma_wait3A_232 = arith.constant 0 : i32
      %dma_wait3A_233 = tpu.memref_slice %arg7[%dma_wait3A_225, %dma_wait3A_226, %dma_wait3A_232] : memref<2x10x100xi32, #tpu.memory_space<vmem>> -> memref<1x1x100xi32, #tpu.memory_space<vmem>>
      %dma_wait3A_234 = tpu.memref_squeeze %dma_wait3A_233 : memref<1x1x100xi32, #tpu.memory_space<vmem>> -> memref<100xi32, #tpu.memory_space<vmem>>
      %dma_wait3A_235 = arith.constant 0 : i32
      %dma_wait3A_236 = arith.constant 0 : i32
      %dma_wait3A_237 = tpu.memref_slice %arg2[%dma_wait3A_235, %dma_wait3A_236] : memref<10000x128xf32, #tpu.memory_space<hbm>> -> memref<10000x128xf32, #tpu.memory_space<hbm>>
      tpu.wait_indirect_dma semaphore(%arg11 : memref<!tpu.dma_semaphore, #tpu.memory_space<semaphore_mem>>) src(%dma_wait3A_237 : memref<10000x128xf32, #tpu.memory_space<hbm>>) dst(%dma_wait3A_231 : memref<100x128xf32, #tpu.memory_space<vmem>>)
      %run_scoped3A_238 = arith.constant 0 : i32
      %run_scoped3A_239 = arith.constant 0 : i32
      %run_scoped3A_240 = arith.constant 8 : i32
      "tpu.region"() ({
        %run_scoped3A_503 = tpu.sem_alloc : memref<!tpu.dma_semaphore, #tpu.memory_space<semaphore_mem>>
        %dma_start3A_504 = arith.constant 0 : i32
        %dma_start3A_505 = arith.constant 0 : i32
        %dma_start3A_506 = tpu.memref_slice %arg9[%run_scoped3A_238, %dma_start3A_504, %dma_start3A_505] : memref<2x100x128xf32, #tpu.memory_space<vmem>> -> memref<1x100x128xf32, #tpu.memory_space<vmem>>
        %dma_start3A_507 = tpu.memref_squeeze %dma_start3A_506 : memref<1x100x128xf32, #tpu.memory_space<vmem>> -> memref<100x128xf32, #tpu.memory_space<vmem>>
        %dma_start3A_508 = arith.constant 0 : i32
        %dma_start3A_509 = tpu.memref_slice %arg8[%run_scoped3A_239, %run_scoped3A_240, %dma_start3A_508] : memref<2x10x100xi32, #tpu.memory_space<vmem>> -> memref<1x1x100xi32, #tpu.memory_space<vmem>>
        %dma_start3A_510 = tpu.memref_squeeze %dma_start3A_509 : memref<1x1x100xi32, #tpu.memory_space<vmem>> -> memref<100xi32, #tpu.memory_space<vmem>>
        %dma_start3A_511 = arith.constant 0 : i32
        %dma_start3A_512 = arith.constant 0 : i32
        %dma_start3A_513 = tpu.memref_slice %arg10[%dma_start3A_511, %dma_start3A_512] : memref<10112x128xf32, #tpu.memory_space<vmem_shared>> -> memref<10112x128xf32, #tpu.memory_space<vmem_shared>>
        tpu.enqueue_indirect_dma source(%dma_start3A_507 : memref<100x128xf32, #tpu.memory_space<vmem>>) target(%dma_start3A_513 : memref<10112x128xf32, #tpu.memory_space<vmem_shared>>) offsets(%dma_start3A_510 : memref<100xi32, #tpu.memory_space<vmem>>) semaphore(%run_scoped3A_503 : memref<!tpu.dma_semaphore, #tpu.memory_space<semaphore_mem>>) {add = true}
        %dma_wait3A_514 = arith.constant 0 : i32
        %dma_wait3A_515 = arith.constant 0 : i32
        %dma_wait3A_516 = tpu.memref_slice %arg9[%run_scoped3A_238, %dma_wait3A_514, %dma_wait3A_515] : memref<2x100x128xf32, #tpu.memory_space<vmem>> -> memref<1x100x128xf32, #tpu.memory_space<vmem>>
        %dma_wait3A_517 = tpu.memref_squeeze %dma_wait3A_516 : memref<1x100x128xf32, #tpu.memory_space<vmem>> -> memref<100x128xf32, #tpu.memory_space<vmem>>
        %dma_wait3A_518 = arith.constant 0 : i32
        %dma_wait3A_519 = tpu.memref_slice %arg8[%run_scoped3A_239, %run_scoped3A_240, %dma_wait3A_518] : memref<2x10x100xi32, #tpu.memory_space<vmem>> -> memref<1x1x100xi32, #tpu.memory_space<vmem>>
        %dma_wait3A_520 = tpu.memref_squeeze %dma_wait3A_519 : memref<1x1x100xi32, #tpu.memory_space<vmem>> -> memref<100xi32, #tpu.memory_space<vmem>>
        %dma_wait3A_521 = arith.constant 0 : i32
        %dma_wait3A_522 = arith.constant 0 : i32
        %dma_wait3A_523 = tpu.memref_slice %arg10[%dma_wait3A_521, %dma_wait3A_522] : memref<10112x128xf32, #tpu.memory_space<vmem_shared>> -> memref<10112x128xf32, #tpu.memory_space<vmem_shared>>
        tpu.wait_indirect_dma semaphore(%run_scoped3A_503 : memref<!tpu.dma_semaphore, #tpu.memory_space<semaphore_mem>>) src(%dma_wait3A_517 : memref<100x128xf32, #tpu.memory_space<vmem>>) dst(%dma_wait3A_523 : memref<10112x128xf32, #tpu.memory_space<vmem_shared>>)
        tpu.yield
      }) : () -> ()
      %dma_wait3A_241 = arith.constant 0 : i32
      %dma_wait3A_242 = arith.constant 9 : i32
      %dma_wait3A_243 = arith.constant 1 : i32
      %dma_wait3A_244 = arith.constant 0 : i32
      %dma_wait3A_245 = arith.constant 0 : i32
      %dma_wait3A_246 = tpu.memref_slice %arg9[%dma_wait3A_243, %dma_wait3A_244, %dma_wait3A_245] : memref<2x100x128xf32, #tpu.memory_space<vmem>> -> memref<1x100x128xf32, #tpu.memory_space<vmem>>
      %dma_wait3A_247 = tpu.memref_squeeze %dma_wait3A_246 : memref<1x100x128xf32, #tpu.memory_space<vmem>> -> memref<100x128xf32, #tpu.memory_space<vmem>>
      %dma_wait3A_248 = arith.constant 0 : i32
      %dma_wait3A_249 = tpu.memref_slice %arg7[%dma_wait3A_241, %dma_wait3A_242, %dma_wait3A_248] : memref<2x10x100xi32, #tpu.memory_space<vmem>> -> memref<1x1x100xi32, #tpu.memory_space<vmem>>
      %dma_wait3A_250 = tpu.memref_squeeze %dma_wait3A_249 : memref<1x1x100xi32, #tpu.memory_space<vmem>> -> memref<100xi32, #tpu.memory_space<vmem>>
      %dma_wait3A_251 = arith.constant 0 : i32
      %dma_wait3A_252 = arith.constant 0 : i32
      %dma_wait3A_253 = tpu.memref_slice %arg2[%dma_wait3A_251, %dma_wait3A_252] : memref<10000x128xf32, #tpu.memory_space<hbm>> -> memref<10000x128xf32, #tpu.memory_space<hbm>>
      tpu.wait_indirect_dma semaphore(%arg12 : memref<!tpu.dma_semaphore, #tpu.memory_space<semaphore_mem>>) src(%dma_wait3A_253 : memref<10000x128xf32, #tpu.memory_space<hbm>>) dst(%dma_wait3A_247 : memref<100x128xf32, #tpu.memory_space<vmem>>)
      %run_scoped3A_254 = arith.constant 1 : i32
      %run_scoped3A_255 = arith.constant 0 : i32
      %run_scoped3A_256 = arith.constant 9 : i32
      "tpu.region"() ({
        %run_scoped3A_503 = tpu.sem_alloc : memref<!tpu.dma_semaphore, #tpu.memory_space<semaphore_mem>>
        %dma_start3A_504 = arith.constant 0 : i32
        %dma_start3A_505 = arith.constant 0 : i32
        %dma_start3A_506 = tpu.memref_slice %arg9[%run_scoped3A_254, %dma_start3A_504, %dma_start3A_505] : memref<2x100x128xf32, #tpu.memory_space<vmem>> -> memref<1x100x128xf32, #tpu.memory_space<vmem>>
        %dma_start3A_507 = tpu.memref_squeeze %dma_start3A_506 : memref<1x100x128xf32, #tpu.memory_space<vmem>> -> memref<100x128xf32, #tpu.memory_space<vmem>>
        %dma_start3A_508 = arith.constant 0 : i32
        %dma_start3A_509 = tpu.memref_slice %arg8[%run_scoped3A_255, %run_scoped3A_256, %dma_start3A_508] : memref<2x10x100xi32, #tpu.memory_space<vmem>> -> memref<1x1x100xi32, #tpu.memory_space<vmem>>
        %dma_start3A_510 = tpu.memref_squeeze %dma_start3A_509 : memref<1x1x100xi32, #tpu.memory_space<vmem>> -> memref<100xi32, #tpu.memory_space<vmem>>
        %dma_start3A_511 = arith.constant 0 : i32
        %dma_start3A_512 = arith.constant 0 : i32
        %dma_start3A_513 = tpu.memref_slice %arg10[%dma_start3A_511, %dma_start3A_512] : memref<10112x128xf32, #tpu.memory_space<vmem_shared>> -> memref<10112x128xf32, #tpu.memory_space<vmem_shared>>
        tpu.enqueue_indirect_dma source(%dma_start3A_507 : memref<100x128xf32, #tpu.memory_space<vmem>>) target(%dma_start3A_513 : memref<10112x128xf32, #tpu.memory_space<vmem_shared>>) offsets(%dma_start3A_510 : memref<100xi32, #tpu.memory_space<vmem>>) semaphore(%run_scoped3A_503 : memref<!tpu.dma_semaphore, #tpu.memory_space<semaphore_mem>>) {add = true}
        %dma_wait3A_514 = arith.constant 0 : i32
        %dma_wait3A_515 = arith.constant 0 : i32
        %dma_wait3A_516 = tpu.memref_slice %arg9[%run_scoped3A_254, %dma_wait3A_514, %dma_wait3A_515] : memref<2x100x128xf32, #tpu.memory_space<vmem>> -> memref<1x100x128xf32, #tpu.memory_space<vmem>>
        %dma_wait3A_517 = tpu.memref_squeeze %dma_wait3A_516 : memref<1x100x128xf32, #tpu.memory_space<vmem>> -> memref<100x128xf32, #tpu.memory_space<vmem>>
        %dma_wait3A_518 = arith.constant 0 : i32
        %dma_wait3A_519 = tpu.memref_slice %arg8[%run_scoped3A_255, %run_scoped3A_256, %dma_wait3A_518] : memref<2x10x100xi32, #tpu.memory_space<vmem>> -> memref<1x1x100xi32, #tpu.memory_space<vmem>>
        %dma_wait3A_520 = tpu.memref_squeeze %dma_wait3A_519 : memref<1x1x100xi32, #tpu.memory_space<vmem>> -> memref<100xi32, #tpu.memory_space<vmem>>
        %dma_wait3A_521 = arith.constant 0 : i32
        %dma_wait3A_522 = arith.constant 0 : i32
        %dma_wait3A_523 = tpu.memref_slice %arg10[%dma_wait3A_521, %dma_wait3A_522] : memref<10112x128xf32, #tpu.memory_space<vmem_shared>> -> memref<10112x128xf32, #tpu.memory_space<vmem_shared>>
        tpu.wait_indirect_dma semaphore(%run_scoped3A_503 : memref<!tpu.dma_semaphore, #tpu.memory_space<semaphore_mem>>) src(%dma_wait3A_517 : memref<100x128xf32, #tpu.memory_space<vmem>>) dst(%dma_wait3A_523 : memref<10112x128xf32, #tpu.memory_space<vmem_shared>>)
        tpu.yield
      }) : () -> ()
      %add3A_257 = arith.constant 2 : i32
      %add3A_258 = arith.addi %add3A_218, %add3A_257 : i32
      %dma_start3A_259 = arith.constant 0 : i32
      %dma_start3A_260 = arith.constant 0 : i32
      %dma_start3A_261 = arith.constant 0 : i32
      %dma_start3A_262 = tpu.memref_slice %arg7[%dma_start3A_259, %dma_start3A_260, %dma_start3A_261] : memref<2x10x100xi32, #tpu.memory_space<vmem>> -> memref<1x10x100xi32, #tpu.memory_space<vmem>>
      %dma_start3A_263 = tpu.memref_squeeze %dma_start3A_262 : memref<1x10x100xi32, #tpu.memory_space<vmem>> -> memref<10x100xi32, #tpu.memory_space<vmem>>
      %dma_start3A_264 = arith.constant 0 : i32
      %dma_start3A_265 = arith.constant 0 : i32
      %dma_start3A_266 = tpu.memref_slice %arg3[%add3A, %add3A_258, %dma_start3A_264, %dma_start3A_265] : memref<32x10x10x100xi32, #tpu.memory_space<hbm>> -> memref<1x1x10x100xi32, #tpu.memory_space<hbm>>
      %dma_start3A_267 = tpu.memref_squeeze %dma_start3A_266 : memref<1x1x10x100xi32, #tpu.memory_space<hbm>> -> memref<10x100xi32, #tpu.memory_space<hbm>>
      %dma_start3A_268 = arith.constant 0 : i32
      %dma_start3A_269 = arith.constant 0 : i32
      %dma_start3A_270 = tpu.memref_slice %arg7[%dma_start3A_259, %dma_start3A_268, %dma_start3A_269] : memref<2x10x100xi32, #tpu.memory_space<vmem>> -> memref<1x10x100xi32, #tpu.memory_space<vmem>>
      %dma_start3A_271 = tpu.memref_squeeze %dma_start3A_270 : memref<1x10x100xi32, #tpu.memory_space<vmem>> -> memref<10x100xi32, #tpu.memory_space<vmem>>
      %dma_start3A_272 = arith.constant 0 : i32
      %dma_start3A_273 = arith.constant 0 : i32
      %dma_start3A_274 = tpu.memref_slice %arg3[%add3A, %add3A_258, %dma_start3A_272, %dma_start3A_273] : memref<32x10x10x100xi32, #tpu.memory_space<hbm>> -> memref<1x1x10x100xi32, #tpu.memory_space<hbm>>
      %dma_start3A_275 = tpu.memref_squeeze %dma_start3A_274 : memref<1x1x10x100xi32, #tpu.memory_space<hbm>> -> memref<10x100xi32, #tpu.memory_space<hbm>>
      tpu.enqueue_dma source(%dma_start3A_275 : memref<10x100xi32, #tpu.memory_space<hbm>>) target(%dma_start3A_271 : memref<10x100xi32, #tpu.memory_space<vmem>>) target_semaphore(%arg13 : memref<!tpu.dma_semaphore, #tpu.memory_space<semaphore_mem>>)
      %add3A_276 = arith.constant 2 : i32
      %add3A_277 = arith.addi %add3A_218, %add3A_276 : i32
      %dma_start3A_278 = arith.constant 0 : i32
      %dma_start3A_279 = arith.constant 0 : i32
      %dma_start3A_280 = arith.constant 0 : i32
      %dma_start3A_281 = tpu.memref_slice %arg8[%dma_start3A_278, %dma_start3A_279, %dma_start3A_280] : memref<2x10x100xi32, #tpu.memory_space<vmem>> -> memref<1x10x100xi32, #tpu.memory_space<vmem>>
      %dma_start3A_282 = tpu.memref_squeeze %dma_start3A_281 : memref<1x10x100xi32, #tpu.memory_space<vmem>> -> memref<10x100xi32, #tpu.memory_space<vmem>>
      %dma_start3A_283 = arith.constant 0 : i32
      %dma_start3A_284 = arith.constant 0 : i32
      %dma_start3A_285 = tpu.memref_slice %arg4[%add3A, %add3A_277, %dma_start3A_283, %dma_start3A_284] : memref<32x10x10x100xi32, #tpu.memory_space<hbm>> -> memref<1x1x10x100xi32, #tpu.memory_space<hbm>>
      %dma_start3A_286 = tpu.memref_squeeze %dma_start3A_285 : memref<1x1x10x100xi32, #tpu.memory_space<hbm>> -> memref<10x100xi32, #tpu.memory_space<hbm>>
      %dma_start3A_287 = arith.constant 0 : i32
      %dma_start3A_288 = arith.constant 0 : i32
      %dma_start3A_289 = tpu.memref_slice %arg8[%dma_start3A_278, %dma_start3A_287, %dma_start3A_288] : memref<2x10x100xi32, #tpu.memory_space<vmem>> -> memref<1x10x100xi32, #tpu.memory_space<vmem>>
      %dma_start3A_290 = tpu.memref_squeeze %dma_start3A_289 : memref<1x10x100xi32, #tpu.memory_space<vmem>> -> memref<10x100xi32, #tpu.memory_space<vmem>>
      %dma_start3A_291 = arith.constant 0 : i32
      %dma_start3A_292 = arith.constant 0 : i32
      %dma_start3A_293 = tpu.memref_slice %arg4[%add3A, %add3A_277, %dma_start3A_291, %dma_start3A_292] : memref<32x10x10x100xi32, #tpu.memory_space<hbm>> -> memref<1x1x10x100xi32, #tpu.memory_space<hbm>>
      %dma_start3A_294 = tpu.memref_squeeze %dma_start3A_293 : memref<1x1x10x100xi32, #tpu.memory_space<hbm>> -> memref<10x100xi32, #tpu.memory_space<hbm>>
      tpu.enqueue_dma source(%dma_start3A_294 : memref<10x100xi32, #tpu.memory_space<hbm>>) target(%dma_start3A_290 : memref<10x100xi32, #tpu.memory_space<vmem>>) target_semaphore(%arg13 : memref<!tpu.dma_semaphore, #tpu.memory_space<semaphore_mem>>)
      %add3A_295 = arith.constant 1 : i32
      %add3A_296 = arith.addi %add3A_218, %add3A_295 : i32
      %dma_wait3A_297 = arith.constant 1 : i32
      %dma_wait3A_298 = arith.constant 0 : i32
      %dma_wait3A_299 = arith.constant 0 : i32
      %dma_wait3A_300 = tpu.memref_slice %arg7[%dma_wait3A_297, %dma_wait3A_298, %dma_wait3A_299] : memref<2x10x100xi32, #tpu.memory_space<vmem>> -> memref<1x10x100xi32, #tpu.memory_space<vmem>>
      %dma_wait3A_301 = tpu.memref_squeeze %dma_wait3A_300 : memref<1x10x100xi32, #tpu.memory_space<vmem>> -> memref<10x100xi32, #tpu.memory_space<vmem>>
      %dma_wait3A_302 = arith.constant 0 : i32
      %dma_wait3A_303 = arith.constant 0 : i32
      %dma_wait3A_304 = tpu.memref_slice %arg3[%add3A, %add3A_296, %dma_wait3A_302, %dma_wait3A_303] : memref<32x10x10x100xi32, #tpu.memory_space<hbm>> -> memref<1x1x10x100xi32, #tpu.memory_space<hbm>>
      %dma_wait3A_305 = tpu.memref_squeeze %dma_wait3A_304 : memref<1x1x10x100xi32, #tpu.memory_space<hbm>> -> memref<10x100xi32, #tpu.memory_space<hbm>>
      %dma_wait3A_306 = arith.constant 0 : i32
      %dma_wait3A_307 = arith.constant 0 : i32
      %dma_wait3A_308 = tpu.memref_slice %arg7[%dma_wait3A_297, %dma_wait3A_306, %dma_wait3A_307] : memref<2x10x100xi32, #tpu.memory_space<vmem>> -> memref<1x10x100xi32, #tpu.memory_space<vmem>>
      %dma_wait3A_309 = tpu.memref_squeeze %dma_wait3A_308 : memref<1x10x100xi32, #tpu.memory_space<vmem>> -> memref<10x100xi32, #tpu.memory_space<vmem>>
      %dma_wait3A_310 = arith.constant 0 : i32
      %dma_wait3A_311 = arith.constant 0 : i32
      %dma_wait3A_312 = tpu.memref_slice %arg3[%add3A, %add3A_296, %dma_wait3A_310, %dma_wait3A_311] : memref<32x10x10x100xi32, #tpu.memory_space<hbm>> -> memref<1x1x10x100xi32, #tpu.memory_space<hbm>>
      %dma_wait3A_313 = tpu.memref_squeeze %dma_wait3A_312 : memref<1x1x10x100xi32, #tpu.memory_space<hbm>> -> memref<10x100xi32, #tpu.memory_space<hbm>>
      tpu.wait_dma2 semaphore(%arg14 : memref<!tpu.dma_semaphore, #tpu.memory_space<semaphore_mem>>) src(%dma_wait3A_313 : memref<10x100xi32, #tpu.memory_space<hbm>>) dst(%dma_wait3A_309 : memref<10x100xi32, #tpu.memory_space<vmem>>)
      %add3A_314 = arith.constant 1 : i32
      %add3A_315 = arith.addi %add3A_218, %add3A_314 : i32
      %dma_wait3A_316 = arith.constant 1 : i32
      %dma_wait3A_317 = arith.constant 0 : i32
      %dma_wait3A_318 = arith.constant 0 : i32
      %dma_wait3A_319 = tpu.memref_slice %arg8[%dma_wait3A_316, %dma_wait3A_317, %dma_wait3A_318] : memref<2x10x100xi32, #tpu.memory_space<vmem>> -> memref<1x10x100xi32, #tpu.memory_space<vmem>>
      %dma_wait3A_320 = tpu.memref_squeeze %dma_wait3A_319 : memref<1x10x100xi32, #tpu.memory_space<vmem>> -> memref<10x100xi32, #tpu.memory_space<vmem>>
      %dma_wait3A_321 = arith.constant 0 : i32
      %dma_wait3A_322 = arith.constant 0 : i32
      %dma_wait3A_323 = tpu.memref_slice %arg4[%add3A, %add3A_315, %dma_wait3A_321, %dma_wait3A_322] : memref<32x10x10x100xi32, #tpu.memory_space<hbm>> -> memref<1x1x10x100xi32, #tpu.memory_space<hbm>>
      %dma_wait3A_324 = tpu.memref_squeeze %dma_wait3A_323 : memref<1x1x10x100xi32, #tpu.memory_space<hbm>> -> memref<10x100xi32, #tpu.memory_space<hbm>>
      %dma_wait3A_325 = arith.constant 0 : i32
      %dma_wait3A_326 = arith.constant 0 : i32
      %dma_wait3A_327 = tpu.memref_slice %arg8[%dma_wait3A_316, %dma_wait3A_325, %dma_wait3A_326] : memref<2x10x100xi32, #tpu.memory_space<vmem>> -> memref<1x10x100xi32, #tpu.memory_space<vmem>>
      %dma_wait3A_328 = tpu.memref_squeeze %dma_wait3A_327 : memref<1x10x100xi32, #tpu.memory_space<vmem>> -> memref<10x100xi32, #tpu.memory_space<vmem>>
      %dma_wait3A_329 = arith.constant 0 : i32
      %dma_wait3A_330 = arith.constant 0 : i32
      %dma_wait3A_331 = tpu.memref_slice %arg4[%add3A, %add3A_315, %dma_wait3A_329, %dma_wait3A_330] : memref<32x10x10x100xi32, #tpu.memory_space<hbm>> -> memref<1x1x10x100xi32, #tpu.memory_space<hbm>>
      %dma_wait3A_332 = tpu.memref_squeeze %dma_wait3A_331 : memref<1x1x10x100xi32, #tpu.memory_space<hbm>> -> memref<10x100xi32, #tpu.memory_space<hbm>>
      tpu.wait_dma2 semaphore(%arg14 : memref<!tpu.dma_semaphore, #tpu.memory_space<semaphore_mem>>) src(%dma_wait3A_332 : memref<10x100xi32, #tpu.memory_space<hbm>>) dst(%dma_wait3A_328 : memref<10x100xi32, #tpu.memory_space<vmem>>)
      %dma_start3A_333 = arith.constant 1 : i32
      %dma_start3A_334 = arith.constant 0 : i32
      %dma_start3A_335 = arith.constant 0 : i32
      %dma_start3A_336 = arith.constant 0 : i32
      %dma_start3A_337 = arith.constant 0 : i32
      %dma_start3A_338 = tpu.memref_slice %arg9[%dma_start3A_335, %dma_start3A_336, %dma_start3A_337] : memref<2x100x128xf32, #tpu.memory_space<vmem>> -> memref<1x100x128xf32, #tpu.memory_space<vmem>>
      %dma_start3A_339 = tpu.memref_squeeze %dma_start3A_338 : memref<1x100x128xf32, #tpu.memory_space<vmem>> -> memref<100x128xf32, #tpu.memory_space<vmem>>
      %dma_start3A_340 = arith.constant 0 : i32
      %dma_start3A_341 = tpu.memref_slice %arg7[%dma_start3A_333, %dma_start3A_334, %dma_start3A_340] : memref<2x10x100xi32, #tpu.memory_space<vmem>> -> memref<1x1x100xi32, #tpu.memory_space<vmem>>
      %dma_start3A_342 = tpu.memref_squeeze %dma_start3A_341 : memref<1x1x100xi32, #tpu.memory_space<vmem>> -> memref<100xi32, #tpu.memory_space<vmem>>
      %dma_start3A_343 = arith.constant 0 : i32
      %dma_start3A_344 = arith.constant 0 : i32
      %dma_start3A_345 = tpu.memref_slice %arg2[%dma_start3A_343, %dma_start3A_344] : memref<10000x128xf32, #tpu.memory_space<hbm>> -> memref<10000x128xf32, #tpu.memory_space<hbm>>
      tpu.enqueue_indirect_dma source(%dma_start3A_345 : memref<10000x128xf32, #tpu.memory_space<hbm>>) target(%dma_start3A_339 : memref<100x128xf32, #tpu.memory_space<vmem>>) offsets(%dma_start3A_342 : memref<100xi32, #tpu.memory_space<vmem>>) semaphore(%arg11 : memref<!tpu.dma_semaphore, #tpu.memory_space<semaphore_mem>>)
      %dma_start3A_346 = arith.constant 1 : i32
      %dma_start3A_347 = arith.constant 1 : i32
      %dma_start3A_348 = arith.constant 1 : i32
      %dma_start3A_349 = arith.constant 0 : i32
      %dma_start3A_350 = arith.constant 0 : i32
      %dma_start3A_351 = tpu.memref_slice %arg9[%dma_start3A_348, %dma_start3A_349, %dma_start3A_350] : memref<2x100x128xf32, #tpu.memory_space<vmem>> -> memref<1x100x128xf32, #tpu.memory_space<vmem>>
      %dma_start3A_352 = tpu.memref_squeeze %dma_start3A_351 : memref<1x100x128xf32, #tpu.memory_space<vmem>> -> memref<100x128xf32, #tpu.memory_space<vmem>>
      %dma_start3A_353 = arith.constant 0 : i32
      %dma_start3A_354 = tpu.memref_slice %arg7[%dma_start3A_346, %dma_start3A_347, %dma_start3A_353] : memref<2x10x100xi32, #tpu.memory_space<vmem>> -> memref<1x1x100xi32, #tpu.memory_space<vmem>>
      %dma_start3A_355 = tpu.memref_squeeze %dma_start3A_354 : memref<1x1x100xi32, #tpu.memory_space<vmem>> -> memref<100xi32, #tpu.memory_space<vmem>>
      %dma_start3A_356 = arith.constant 0 : i32
      %dma_start3A_357 = arith.constant 0 : i32
      %dma_start3A_358 = tpu.memref_slice %arg2[%dma_start3A_356, %dma_start3A_357] : memref<10000x128xf32, #tpu.memory_space<hbm>> -> memref<10000x128xf32, #tpu.memory_space<hbm>>
      tpu.enqueue_indirect_dma source(%dma_start3A_358 : memref<10000x128xf32, #tpu.memory_space<hbm>>) target(%dma_start3A_352 : memref<100x128xf32, #tpu.memory_space<vmem>>) offsets(%dma_start3A_355 : memref<100xi32, #tpu.memory_space<vmem>>) semaphore(%arg12 : memref<!tpu.dma_semaphore, #tpu.memory_space<semaphore_mem>>)
      %mul3A_359 = arith.constant 2 : i32
      %mul3A_360 = arith.muli %mul3A_359, %scan3A_214 : i32
      %add3A_361 = arith.constant 1 : i32
      %add3A_362 = arith.addi %mul3A_360, %add3A_361 : i32
      %scan3A_363 = arith.constant 0 : i32
      %scan3A_364 = arith.constant 0 : i32
      %scan3A_365 = arith.constant 4 : i32
      %scan3A_366 = arith.addi %scan3A_364, %scan3A_365 : i32
      %scan3A_367 = arith.constant 1 : i32
      scf.for %scan3A_503 = %scan3A_364 to %scan3A_366 step %scan3A_367  : i32 {
        %mul3A_504 = arith.constant 2 : i32
        %mul3A_505 = arith.muli %mul3A_504, %scan3A_503 : i32
        %add3A_506 = arith.constant 0 : i32
        %add3A_507 = arith.addi %mul3A_505, %add3A_506 : i32
        %dma_wait3A_508 = arith.constant 1 : i32
        %dma_wait3A_509 = arith.constant 0 : i32
        %dma_wait3A_510 = arith.constant 0 : i32
        %dma_wait3A_511 = arith.constant 0 : i32
        %dma_wait3A_512 = tpu.memref_slice %arg9[%dma_wait3A_509, %dma_wait3A_510, %dma_wait3A_511] : memref<2x100x128xf32, #tpu.memory_space<vmem>> -> memref<1x100x128xf32, #tpu.memory_space<vmem>>
        %dma_wait3A_513 = tpu.memref_squeeze %dma_wait3A_512 : memref<1x100x128xf32, #tpu.memory_space<vmem>> -> memref<100x128xf32, #tpu.memory_space<vmem>>
        %dma_wait3A_514 = arith.constant 0 : i32
        %dma_wait3A_515 = tpu.memref_slice %arg7[%dma_wait3A_508, %add3A_507, %dma_wait3A_514] : memref<2x10x100xi32, #tpu.memory_space<vmem>> -> memref<1x1x100xi32, #tpu.memory_space<vmem>>
        %dma_wait3A_516 = tpu.memref_squeeze %dma_wait3A_515 : memref<1x1x100xi32, #tpu.memory_space<vmem>> -> memref<100xi32, #tpu.memory_space<vmem>>
        %dma_wait3A_517 = arith.constant 0 : i32
        %dma_wait3A_518 = arith.constant 0 : i32
        %dma_wait3A_519 = tpu.memref_slice %arg2[%dma_wait3A_517, %dma_wait3A_518] : memref<10000x128xf32, #tpu.memory_space<hbm>> -> memref<10000x128xf32, #tpu.memory_space<hbm>>
        tpu.wait_indirect_dma semaphore(%arg11 : memref<!tpu.dma_semaphore, #tpu.memory_space<semaphore_mem>>) src(%dma_wait3A_519 : memref<10000x128xf32, #tpu.memory_space<hbm>>) dst(%dma_wait3A_513 : memref<100x128xf32, #tpu.memory_space<vmem>>)
        %run_scoped3A_520 = arith.constant 0 : i32
        %run_scoped3A_521 = arith.constant 1 : i32
        "tpu.region"() ({
          %run_scoped3A_568 = tpu.sem_alloc : memref<!tpu.dma_semaphore, #tpu.memory_space<semaphore_mem>>
          %dma_start3A_569 = arith.constant 0 : i32
          %dma_start3A_570 = arith.constant 0 : i32
          %dma_start3A_571 = tpu.memref_slice %arg9[%run_scoped3A_520, %dma_start3A_569, %dma_start3A_570] : memref<2x100x128xf32, #tpu.memory_space<vmem>> -> memref<1x100x128xf32, #tpu.memory_space<vmem>>
          %dma_start3A_572 = tpu.memref_squeeze %dma_start3A_571 : memref<1x100x128xf32, #tpu.memory_space<vmem>> -> memref<100x128xf32, #tpu.memory_space<vmem>>
          %dma_start3A_573 = arith.constant 0 : i32
          %dma_start3A_574 = tpu.memref_slice %arg8[%run_scoped3A_521, %add3A_507, %dma_start3A_573] : memref<2x10x100xi32, #tpu.memory_space<vmem>> -> memref<1x1x100xi32, #tpu.memory_space<vmem>>
          %dma_start3A_575 = tpu.memref_squeeze %dma_start3A_574 : memref<1x1x100xi32, #tpu.memory_space<vmem>> -> memref<100xi32, #tpu.memory_space<vmem>>
          %dma_start3A_576 = arith.constant 0 : i32
          %dma_start3A_577 = arith.constant 0 : i32
          %dma_start3A_578 = tpu.memref_slice %arg10[%dma_start3A_576, %dma_start3A_577] : memref<10112x128xf32, #tpu.memory_space<vmem_shared>> -> memref<10112x128xf32, #tpu.memory_space<vmem_shared>>
          tpu.enqueue_indirect_dma source(%dma_start3A_572 : memref<100x128xf32, #tpu.memory_space<vmem>>) target(%dma_start3A_578 : memref<10112x128xf32, #tpu.memory_space<vmem_shared>>) offsets(%dma_start3A_575 : memref<100xi32, #tpu.memory_space<vmem>>) semaphore(%run_scoped3A_568 : memref<!tpu.dma_semaphore, #tpu.memory_space<semaphore_mem>>) {add = true}
          %dma_wait3A_579 = arith.constant 0 : i32
          %dma_wait3A_580 = arith.constant 0 : i32
          %dma_wait3A_581 = tpu.memref_slice %arg9[%run_scoped3A_520, %dma_wait3A_579, %dma_wait3A_580] : memref<2x100x128xf32, #tpu.memory_space<vmem>> -> memref<1x100x128xf32, #tpu.memory_space<vmem>>
          %dma_wait3A_582 = tpu.memref_squeeze %dma_wait3A_581 : memref<1x100x128xf32, #tpu.memory_space<vmem>> -> memref<100x128xf32, #tpu.memory_space<vmem>>
          %dma_wait3A_583 = arith.constant 0 : i32
          %dma_wait3A_584 = tpu.memref_slice %arg8[%run_scoped3A_521, %add3A_507, %dma_wait3A_583] : memref<2x10x100xi32, #tpu.memory_space<vmem>> -> memref<1x1x100xi32, #tpu.memory_space<vmem>>
          %dma_wait3A_585 = tpu.memref_squeeze %dma_wait3A_584 : memref<1x1x100xi32, #tpu.memory_space<vmem>> -> memref<100xi32, #tpu.memory_space<vmem>>
          %dma_wait3A_586 = arith.constant 0 : i32
          %dma_wait3A_587 = arith.constant 0 : i32
          %dma_wait3A_588 = tpu.memref_slice %arg10[%dma_wait3A_586, %dma_wait3A_587] : memref<10112x128xf32, #tpu.memory_space<vmem_shared>> -> memref<10112x128xf32, #tpu.memory_space<vmem_shared>>
          tpu.wait_indirect_dma semaphore(%run_scoped3A_568 : memref<!tpu.dma_semaphore, #tpu.memory_space<semaphore_mem>>) src(%dma_wait3A_582 : memref<100x128xf32, #tpu.memory_space<vmem>>) dst(%dma_wait3A_588 : memref<10112x128xf32, #tpu.memory_space<vmem_shared>>)
          tpu.yield
        }) : () -> ()
        %add3A_522 = arith.constant 2 : i32
        %add3A_523 = arith.addi %add3A_507, %add3A_522 : i32
        %dma_start3A_524 = arith.constant 1 : i32
        %dma_start3A_525 = arith.constant 0 : i32
        %dma_start3A_526 = arith.constant 0 : i32
        %dma_start3A_527 = arith.constant 0 : i32
        %dma_start3A_528 = tpu.memref_slice %arg9[%dma_start3A_525, %dma_start3A_526, %dma_start3A_527] : memref<2x100x128xf32, #tpu.memory_space<vmem>> -> memref<1x100x128xf32, #tpu.memory_space<vmem>>
        %dma_start3A_529 = tpu.memref_squeeze %dma_start3A_528 : memref<1x100x128xf32, #tpu.memory_space<vmem>> -> memref<100x128xf32, #tpu.memory_space<vmem>>
        %dma_start3A_530 = arith.constant 0 : i32
        %dma_start3A_531 = tpu.memref_slice %arg7[%dma_start3A_524, %add3A_523, %dma_start3A_530] : memref<2x10x100xi32, #tpu.memory_space<vmem>> -> memref<1x1x100xi32, #tpu.memory_space<vmem>>
        %dma_start3A_532 = tpu.memref_squeeze %dma_start3A_531 : memref<1x1x100xi32, #tpu.memory_space<vmem>> -> memref<100xi32, #tpu.memory_space<vmem>>
        %dma_start3A_533 = arith.constant 0 : i32
        %dma_start3A_534 = arith.constant 0 : i32
        %dma_start3A_535 = tpu.memref_slice %arg2[%dma_start3A_533, %dma_start3A_534] : memref<10000x128xf32, #tpu.memory_space<hbm>> -> memref<10000x128xf32, #tpu.memory_space<hbm>>
        tpu.enqueue_indirect_dma source(%dma_start3A_535 : memref<10000x128xf32, #tpu.memory_space<hbm>>) target(%dma_start3A_529 : memref<100x128xf32, #tpu.memory_space<vmem>>) offsets(%dma_start3A_532 : memref<100xi32, #tpu.memory_space<vmem>>) semaphore(%arg11 : memref<!tpu.dma_semaphore, #tpu.memory_space<semaphore_mem>>)
        %mul3A_536 = arith.constant 2 : i32
        %mul3A_537 = arith.muli %mul3A_536, %scan3A_503 : i32
        %add3A_538 = arith.constant 1 : i32
        %add3A_539 = arith.addi %mul3A_537, %add3A_538 : i32
        %dma_wait3A_540 = arith.constant 1 : i32
        %dma_wait3A_541 = arith.constant 1 : i32
        %dma_wait3A_542 = arith.constant 0 : i32
        %dma_wait3A_543 = arith.constant 0 : i32
        %dma_wait3A_544 = tpu.memref_slice %arg9[%dma_wait3A_541, %dma_wait3A_542, %dma_wait3A_543] : memref<2x100x128xf32, #tpu.memory_space<vmem>> -> memref<1x100x128xf32, #tpu.memory_space<vmem>>
        %dma_wait3A_545 = tpu.memref_squeeze %dma_wait3A_544 : memref<1x100x128xf32, #tpu.memory_space<vmem>> -> memref<100x128xf32, #tpu.memory_space<vmem>>
        %dma_wait3A_546 = arith.constant 0 : i32
        %dma_wait3A_547 = tpu.memref_slice %arg7[%dma_wait3A_540, %add3A_539, %dma_wait3A_546] : memref<2x10x100xi32, #tpu.memory_space<vmem>> -> memref<1x1x100xi32, #tpu.memory_space<vmem>>
        %dma_wait3A_548 = tpu.memref_squeeze %dma_wait3A_547 : memref<1x1x100xi32, #tpu.memory_space<vmem>> -> memref<100xi32, #tpu.memory_space<vmem>>
        %dma_wait3A_549 = arith.constant 0 : i32
        %dma_wait3A_550 = arith.constant 0 : i32
        %dma_wait3A_551 = tpu.memref_slice %arg2[%dma_wait3A_549, %dma_wait3A_550] : memref<10000x128xf32, #tpu.memory_space<hbm>> -> memref<10000x128xf32, #tpu.memory_space<hbm>>
        tpu.wait_indirect_dma semaphore(%arg12 : memref<!tpu.dma_semaphore, #tpu.memory_space<semaphore_mem>>) src(%dma_wait3A_551 : memref<10000x128xf32, #tpu.memory_space<hbm>>) dst(%dma_wait3A_545 : memref<100x128xf32, #tpu.memory_space<vmem>>)
        %run_scoped3A_552 = arith.constant 1 : i32
        %run_scoped3A_553 = arith.constant 1 : i32
        "tpu.region"() ({
          %run_scoped3A_568 = tpu.sem_alloc : memref<!tpu.dma_semaphore, #tpu.memory_space<semaphore_mem>>
          %dma_start3A_569 = arith.constant 0 : i32
          %dma_start3A_570 = arith.constant 0 : i32
          %dma_start3A_571 = tpu.memref_slice %arg9[%run_scoped3A_552, %dma_start3A_569, %dma_start3A_570] : memref<2x100x128xf32, #tpu.memory_space<vmem>> -> memref<1x100x128xf32, #tpu.memory_space<vmem>>
          %dma_start3A_572 = tpu.memref_squeeze %dma_start3A_571 : memref<1x100x128xf32, #tpu.memory_space<vmem>> -> memref<100x128xf32, #tpu.memory_space<vmem>>
          %dma_start3A_573 = arith.constant 0 : i32
          %dma_start3A_574 = tpu.memref_slice %arg8[%run_scoped3A_553, %add3A_539, %dma_start3A_573] : memref<2x10x100xi32, #tpu.memory_space<vmem>> -> memref<1x1x100xi32, #tpu.memory_space<vmem>>
          %dma_start3A_575 = tpu.memref_squeeze %dma_start3A_574 : memref<1x1x100xi32, #tpu.memory_space<vmem>> -> memref<100xi32, #tpu.memory_space<vmem>>
          %dma_start3A_576 = arith.constant 0 : i32
          %dma_start3A_577 = arith.constant 0 : i32
          %dma_start3A_578 = tpu.memref_slice %arg10[%dma_start3A_576, %dma_start3A_577] : memref<10112x128xf32, #tpu.memory_space<vmem_shared>> -> memref<10112x128xf32, #tpu.memory_space<vmem_shared>>
          tpu.enqueue_indirect_dma source(%dma_start3A_572 : memref<100x128xf32, #tpu.memory_space<vmem>>) target(%dma_start3A_578 : memref<10112x128xf32, #tpu.memory_space<vmem_shared>>) offsets(%dma_start3A_575 : memref<100xi32, #tpu.memory_space<vmem>>) semaphore(%run_scoped3A_568 : memref<!tpu.dma_semaphore, #tpu.memory_space<semaphore_mem>>) {add = true}
          %dma_wait3A_579 = arith.constant 0 : i32
          %dma_wait3A_580 = arith.constant 0 : i32
          %dma_wait3A_581 = tpu.memref_slice %arg9[%run_scoped3A_552, %dma_wait3A_579, %dma_wait3A_580] : memref<2x100x128xf32, #tpu.memory_space<vmem>> -> memref<1x100x128xf32, #tpu.memory_space<vmem>>
          %dma_wait3A_582 = tpu.memref_squeeze %dma_wait3A_581 : memref<1x100x128xf32, #tpu.memory_space<vmem>> -> memref<100x128xf32, #tpu.memory_space<vmem>>
          %dma_wait3A_583 = arith.constant 0 : i32
          %dma_wait3A_584 = tpu.memref_slice %arg8[%run_scoped3A_553, %add3A_539, %dma_wait3A_583] : memref<2x10x100xi32, #tpu.memory_space<vmem>> -> memref<1x1x100xi32, #tpu.memory_space<vmem>>
          %dma_wait3A_585 = tpu.memref_squeeze %dma_wait3A_584 : memref<1x1x100xi32, #tpu.memory_space<vmem>> -> memref<100xi32, #tpu.memory_space<vmem>>
          %dma_wait3A_586 = arith.constant 0 : i32
          %dma_wait3A_587 = arith.constant 0 : i32
          %dma_wait3A_588 = tpu.memref_slice %arg10[%dma_wait3A_586, %dma_wait3A_587] : memref<10112x128xf32, #tpu.memory_space<vmem_shared>> -> memref<10112x128xf32, #tpu.memory_space<vmem_shared>>
          tpu.wait_indirect_dma semaphore(%run_scoped3A_568 : memref<!tpu.dma_semaphore, #tpu.memory_space<semaphore_mem>>) src(%dma_wait3A_582 : memref<100x128xf32, #tpu.memory_space<vmem>>) dst(%dma_wait3A_588 : memref<10112x128xf32, #tpu.memory_space<vmem_shared>>)
          tpu.yield
        }) : () -> ()
        %add3A_554 = arith.constant 2 : i32
        %add3A_555 = arith.addi %add3A_539, %add3A_554 : i32
        %dma_start3A_556 = arith.constant 1 : i32
        %dma_start3A_557 = arith.constant 1 : i32
        %dma_start3A_558 = arith.constant 0 : i32
        %dma_start3A_559 = arith.constant 0 : i32
        %dma_start3A_560 = tpu.memref_slice %arg9[%dma_start3A_557, %dma_start3A_558, %dma_start3A_559] : memref<2x100x128xf32, #tpu.memory_space<vmem>> -> memref<1x100x128xf32, #tpu.memory_space<vmem>>
        %dma_start3A_561 = tpu.memref_squeeze %dma_start3A_560 : memref<1x100x128xf32, #tpu.memory_space<vmem>> -> memref<100x128xf32, #tpu.memory_space<vmem>>
        %dma_start3A_562 = arith.constant 0 : i32
        %dma_start3A_563 = tpu.memref_slice %arg7[%dma_start3A_556, %add3A_555, %dma_start3A_562] : memref<2x10x100xi32, #tpu.memory_space<vmem>> -> memref<1x1x100xi32, #tpu.memory_space<vmem>>
        %dma_start3A_564 = tpu.memref_squeeze %dma_start3A_563 : memref<1x1x100xi32, #tpu.memory_space<vmem>> -> memref<100xi32, #tpu.memory_space<vmem>>
        %dma_start3A_565 = arith.constant 0 : i32
        %dma_start3A_566 = arith.constant 0 : i32
        %dma_start3A_567 = tpu.memref_slice %arg2[%dma_start3A_565, %dma_start3A_566] : memref<10000x128xf32, #tpu.memory_space<hbm>> -> memref<10000x128xf32, #tpu.memory_space<hbm>>
        tpu.enqueue_indirect_dma source(%dma_start3A_567 : memref<10000x128xf32, #tpu.memory_space<hbm>>) target(%dma_start3A_561 : memref<100x128xf32, #tpu.memory_space<vmem>>) offsets(%dma_start3A_564 : memref<100xi32, #tpu.memory_space<vmem>>) semaphore(%arg12 : memref<!tpu.dma_semaphore, #tpu.memory_space<semaphore_mem>>)
      }
      %scan3A_368 = arith.constant 4 : i32
      %dma_wait3A_369 = arith.constant 1 : i32
      %dma_wait3A_370 = arith.constant 8 : i32
      %dma_wait3A_371 = arith.constant 0 : i32
      %dma_wait3A_372 = arith.constant 0 : i32
      %dma_wait3A_373 = arith.constant 0 : i32
      %dma_wait3A_374 = tpu.memref_slice %arg9[%dma_wait3A_371, %dma_wait3A_372, %dma_wait3A_373] : memref<2x100x128xf32, #tpu.memory_space<vmem>> -> memref<1x100x128xf32, #tpu.memory_space<vmem>>
      %dma_wait3A_375 = tpu.memref_squeeze %dma_wait3A_374 : memref<1x100x128xf32, #tpu.memory_space<vmem>> -> memref<100x128xf32, #tpu.memory_space<vmem>>
      %dma_wait3A_376 = arith.constant 0 : i32
      %dma_wait3A_377 = tpu.memref_slice %arg7[%dma_wait3A_369, %dma_wait3A_370, %dma_wait3A_376] : memref<2x10x100xi32, #tpu.memory_space<vmem>> -> memref<1x1x100xi32, #tpu.memory_space<vmem>>
      %dma_wait3A_378 = tpu.memref_squeeze %dma_wait3A_377 : memref<1x1x100xi32, #tpu.memory_space<vmem>> -> memref<100xi32, #tpu.memory_space<vmem>>
      %dma_wait3A_379 = arith.constant 0 : i32
      %dma_wait3A_380 = arith.constant 0 : i32
      %dma_wait3A_381 = tpu.memref_slice %arg2[%dma_wait3A_379, %dma_wait3A_380] : memref<10000x128xf32, #tpu.memory_space<hbm>> -> memref<10000x128xf32, #tpu.memory_space<hbm>>
      tpu.wait_indirect_dma semaphore(%arg11 : memref<!tpu.dma_semaphore, #tpu.memory_space<semaphore_mem>>) src(%dma_wait3A_381 : memref<10000x128xf32, #tpu.memory_space<hbm>>) dst(%dma_wait3A_375 : memref<100x128xf32, #tpu.memory_space<vmem>>)
      %run_scoped3A_382 = arith.constant 0 : i32
      %run_scoped3A_383 = arith.constant 1 : i32
      %run_scoped3A_384 = arith.constant 8 : i32
      "tpu.region"() ({
        %run_scoped3A_503 = tpu.sem_alloc : memref<!tpu.dma_semaphore, #tpu.memory_space<semaphore_mem>>
        %dma_start3A_504 = arith.constant 0 : i32
        %dma_start3A_505 = arith.constant 0 : i32
        %dma_start3A_506 = tpu.memref_slice %arg9[%run_scoped3A_382, %dma_start3A_504, %dma_start3A_505] : memref<2x100x128xf32, #tpu.memory_space<vmem>> -> memref<1x100x128xf32, #tpu.memory_space<vmem>>
        %dma_start3A_507 = tpu.memref_squeeze %dma_start3A_506 : memref<1x100x128xf32, #tpu.memory_space<vmem>> -> memref<100x128xf32, #tpu.memory_space<vmem>>
        %dma_start3A_508 = arith.constant 0 : i32
        %dma_start3A_509 = tpu.memref_slice %arg8[%run_scoped3A_383, %run_scoped3A_384, %dma_start3A_508] : memref<2x10x100xi32, #tpu.memory_space<vmem>> -> memref<1x1x100xi32, #tpu.memory_space<vmem>>
        %dma_start3A_510 = tpu.memref_squeeze %dma_start3A_509 : memref<1x1x100xi32, #tpu.memory_space<vmem>> -> memref<100xi32, #tpu.memory_space<vmem>>
        %dma_start3A_511 = arith.constant 0 : i32
        %dma_start3A_512 = arith.constant 0 : i32
        %dma_start3A_513 = tpu.memref_slice %arg10[%dma_start3A_511, %dma_start3A_512] : memref<10112x128xf32, #tpu.memory_space<vmem_shared>> -> memref<10112x128xf32, #tpu.memory_space<vmem_shared>>
        tpu.enqueue_indirect_dma source(%dma_start3A_507 : memref<100x128xf32, #tpu.memory_space<vmem>>) target(%dma_start3A_513 : memref<10112x128xf32, #tpu.memory_space<vmem_shared>>) offsets(%dma_start3A_510 : memref<100xi32, #tpu.memory_space<vmem>>) semaphore(%run_scoped3A_503 : memref<!tpu.dma_semaphore, #tpu.memory_space<semaphore_mem>>) {add = true}
        %dma_wait3A_514 = arith.constant 0 : i32
        %dma_wait3A_515 = arith.constant 0 : i32
        %dma_wait3A_516 = tpu.memref_slice %arg9[%run_scoped3A_382, %dma_wait3A_514, %dma_wait3A_515] : memref<2x100x128xf32, #tpu.memory_space<vmem>> -> memref<1x100x128xf32, #tpu.memory_space<vmem>>
        %dma_wait3A_517 = tpu.memref_squeeze %dma_wait3A_516 : memref<1x100x128xf32, #tpu.memory_space<vmem>> -> memref<100x128xf32, #tpu.memory_space<vmem>>
        %dma_wait3A_518 = arith.constant 0 : i32
        %dma_wait3A_519 = tpu.memref_slice %arg8[%run_scoped3A_383, %run_scoped3A_384, %dma_wait3A_518] : memref<2x10x100xi32, #tpu.memory_space<vmem>> -> memref<1x1x100xi32, #tpu.memory_space<vmem>>
        %dma_wait3A_520 = tpu.memref_squeeze %dma_wait3A_519 : memref<1x1x100xi32, #tpu.memory_space<vmem>> -> memref<100xi32, #tpu.memory_space<vmem>>
        %dma_wait3A_521 = arith.constant 0 : i32
        %dma_wait3A_522 = arith.constant 0 : i32
        %dma_wait3A_523 = tpu.memref_slice %arg10[%dma_wait3A_521, %dma_wait3A_522] : memref<10112x128xf32, #tpu.memory_space<vmem_shared>> -> memref<10112x128xf32, #tpu.memory_space<vmem_shared>>
        tpu.wait_indirect_dma semaphore(%run_scoped3A_503 : memref<!tpu.dma_semaphore, #tpu.memory_space<semaphore_mem>>) src(%dma_wait3A_517 : memref<100x128xf32, #tpu.memory_space<vmem>>) dst(%dma_wait3A_523 : memref<10112x128xf32, #tpu.memory_space<vmem_shared>>)
        tpu.yield
      }) : () -> ()
      %dma_wait3A_385 = arith.constant 1 : i32
      %dma_wait3A_386 = arith.constant 9 : i32
      %dma_wait3A_387 = arith.constant 1 : i32
      %dma_wait3A_388 = arith.constant 0 : i32
      %dma_wait3A_389 = arith.constant 0 : i32
      %dma_wait3A_390 = tpu.memref_slice %arg9[%dma_wait3A_387, %dma_wait3A_388, %dma_wait3A_389] : memref<2x100x128xf32, #tpu.memory_space<vmem>> -> memref<1x100x128xf32, #tpu.memory_space<vmem>>
      %dma_wait3A_391 = tpu.memref_squeeze %dma_wait3A_390 : memref<1x100x128xf32, #tpu.memory_space<vmem>> -> memref<100x128xf32, #tpu.memory_space<vmem>>
      %dma_wait3A_392 = arith.constant 0 : i32
      %dma_wait3A_393 = tpu.memref_slice %arg7[%dma_wait3A_385, %dma_wait3A_386, %dma_wait3A_392] : memref<2x10x100xi32, #tpu.memory_space<vmem>> -> memref<1x1x100xi32, #tpu.memory_space<vmem>>
      %dma_wait3A_394 = tpu.memref_squeeze %dma_wait3A_393 : memref<1x1x100xi32, #tpu.memory_space<vmem>> -> memref<100xi32, #tpu.memory_space<vmem>>
      %dma_wait3A_395 = arith.constant 0 : i32
      %dma_wait3A_396 = arith.constant 0 : i32
      %dma_wait3A_397 = tpu.memref_slice %arg2[%dma_wait3A_395, %dma_wait3A_396] : memref<10000x128xf32, #tpu.memory_space<hbm>> -> memref<10000x128xf32, #tpu.memory_space<hbm>>
      tpu.wait_indirect_dma semaphore(%arg12 : memref<!tpu.dma_semaphore, #tpu.memory_space<semaphore_mem>>) src(%dma_wait3A_397 : memref<10000x128xf32, #tpu.memory_space<hbm>>) dst(%dma_wait3A_391 : memref<100x128xf32, #tpu.memory_space<vmem>>)
      %run_scoped3A_398 = arith.constant 1 : i32
      %run_scoped3A_399 = arith.constant 1 : i32
      %run_scoped3A_400 = arith.constant 9 : i32
      "tpu.region"() ({
        %run_scoped3A_503 = tpu.sem_alloc : memref<!tpu.dma_semaphore, #tpu.memory_space<semaphore_mem>>
        %dma_start3A_504 = arith.constant 0 : i32
        %dma_start3A_505 = arith.constant 0 : i32
        %dma_start3A_506 = tpu.memref_slice %arg9[%run_scoped3A_398, %dma_start3A_504, %dma_start3A_505] : memref<2x100x128xf32, #tpu.memory_space<vmem>> -> memref<1x100x128xf32, #tpu.memory_space<vmem>>
        %dma_start3A_507 = tpu.memref_squeeze %dma_start3A_506 : memref<1x100x128xf32, #tpu.memory_space<vmem>> -> memref<100x128xf32, #tpu.memory_space<vmem>>
        %dma_start3A_508 = arith.constant 0 : i32
        %dma_start3A_509 = tpu.memref_slice %arg8[%run_scoped3A_399, %run_scoped3A_400, %dma_start3A_508] : memref<2x10x100xi32, #tpu.memory_space<vmem>> -> memref<1x1x100xi32, #tpu.memory_space<vmem>>
        %dma_start3A_510 = tpu.memref_squeeze %dma_start3A_509 : memref<1x1x100xi32, #tpu.memory_space<vmem>> -> memref<100xi32, #tpu.memory_space<vmem>>
        %dma_start3A_511 = arith.constant 0 : i32
        %dma_start3A_512 = arith.constant 0 : i32
        %dma_start3A_513 = tpu.memref_slice %arg10[%dma_start3A_511, %dma_start3A_512] : memref<10112x128xf32, #tpu.memory_space<vmem_shared>> -> memref<10112x128xf32, #tpu.memory_space<vmem_shared>>
        tpu.enqueue_indirect_dma source(%dma_start3A_507 : memref<100x128xf32, #tpu.memory_space<vmem>>) target(%dma_start3A_513 : memref<10112x128xf32, #tpu.memory_space<vmem_shared>>) offsets(%dma_start3A_510 : memref<100xi32, #tpu.memory_space<vmem>>) semaphore(%run_scoped3A_503 : memref<!tpu.dma_semaphore, #tpu.memory_space<semaphore_mem>>) {add = true}
        %dma_wait3A_514 = arith.constant 0 : i32
        %dma_wait3A_515 = arith.constant 0 : i32
        %dma_wait3A_516 = tpu.memref_slice %arg9[%run_scoped3A_398, %dma_wait3A_514, %dma_wait3A_515] : memref<2x100x128xf32, #tpu.memory_space<vmem>> -> memref<1x100x128xf32, #tpu.memory_space<vmem>>
        %dma_wait3A_517 = tpu.memref_squeeze %dma_wait3A_516 : memref<1x100x128xf32, #tpu.memory_space<vmem>> -> memref<100x128xf32, #tpu.memory_space<vmem>>
        %dma_wait3A_518 = arith.constant 0 : i32
        %dma_wait3A_519 = tpu.memref_slice %arg8[%run_scoped3A_399, %run_scoped3A_400, %dma_wait3A_518] : memref<2x10x100xi32, #tpu.memory_space<vmem>> -> memref<1x1x100xi32, #tpu.memory_space<vmem>>
        %dma_wait3A_520 = tpu.memref_squeeze %dma_wait3A_519 : memref<1x1x100xi32, #tpu.memory_space<vmem>> -> memref<100xi32, #tpu.memory_space<vmem>>
        %dma_wait3A_521 = arith.constant 0 : i32
        %dma_wait3A_522 = arith.constant 0 : i32
        %dma_wait3A_523 = tpu.memref_slice %arg10[%dma_wait3A_521, %dma_wait3A_522] : memref<10112x128xf32, #tpu.memory_space<vmem_shared>> -> memref<10112x128xf32, #tpu.memory_space<vmem_shared>>
        tpu.wait_indirect_dma semaphore(%run_scoped3A_503 : memref<!tpu.dma_semaphore, #tpu.memory_space<semaphore_mem>>) src(%dma_wait3A_517 : memref<100x128xf32, #tpu.memory_space<vmem>>) dst(%dma_wait3A_523 : memref<10112x128xf32, #tpu.memory_space<vmem_shared>>)
        tpu.yield
      }) : () -> ()
      %add3A_401 = arith.constant 2 : i32
      %add3A_402 = arith.addi %add3A_362, %add3A_401 : i32
      %dma_start3A_403 = arith.constant 1 : i32
      %dma_start3A_404 = arith.constant 0 : i32
      %dma_start3A_405 = arith.constant 0 : i32
      %dma_start3A_406 = tpu.memref_slice %arg7[%dma_start3A_403, %dma_start3A_404, %dma_start3A_405] : memref<2x10x100xi32, #tpu.memory_space<vmem>> -> memref<1x10x100xi32, #tpu.memory_space<vmem>>
      %dma_start3A_407 = tpu.memref_squeeze %dma_start3A_406 : memref<1x10x100xi32, #tpu.memory_space<vmem>> -> memref<10x100xi32, #tpu.memory_space<vmem>>
      %dma_start3A_408 = arith.constant 0 : i32
      %dma_start3A_409 = arith.constant 0 : i32
      %dma_start3A_410 = tpu.memref_slice %arg3[%add3A, %add3A_402, %dma_start3A_408, %dma_start3A_409] : memref<32x10x10x100xi32, #tpu.memory_space<hbm>> -> memref<1x1x10x100xi32, #tpu.memory_space<hbm>>
      %dma_start3A_411 = tpu.memref_squeeze %dma_start3A_410 : memref<1x1x10x100xi32, #tpu.memory_space<hbm>> -> memref<10x100xi32, #tpu.memory_space<hbm>>
      %dma_start3A_412 = arith.constant 0 : i32
      %dma_start3A_413 = arith.constant 0 : i32
      %dma_start3A_414 = tpu.memref_slice %arg7[%dma_start3A_403, %dma_start3A_412, %dma_start3A_413] : memref<2x10x100xi32, #tpu.memory_space<vmem>> -> memref<1x10x100xi32, #tpu.memory_space<vmem>>
      %dma_start3A_415 = tpu.memref_squeeze %dma_start3A_414 : memref<1x10x100xi32, #tpu.memory_space<vmem>> -> memref<10x100xi32, #tpu.memory_space<vmem>>
      %dma_start3A_416 = arith.constant 0 : i32
      %dma_start3A_417 = arith.constant 0 : i32
      %dma_start3A_418 = tpu.memref_slice %arg3[%add3A, %add3A_402, %dma_start3A_416, %dma_start3A_417] : memref<32x10x10x100xi32, #tpu.memory_space<hbm>> -> memref<1x1x10x100xi32, #tpu.memory_space<hbm>>
      %dma_start3A_419 = tpu.memref_squeeze %dma_start3A_418 : memref<1x1x10x100xi32, #tpu.memory_space<hbm>> -> memref<10x100xi32, #tpu.memory_space<hbm>>
      tpu.enqueue_dma source(%dma_start3A_419 : memref<10x100xi32, #tpu.memory_space<hbm>>) target(%dma_start3A_415 : memref<10x100xi32, #tpu.memory_space<vmem>>) target_semaphore(%arg14 : memref<!tpu.dma_semaphore, #tpu.memory_space<semaphore_mem>>)
      %add3A_420 = arith.constant 2 : i32
      %add3A_421 = arith.addi %add3A_362, %add3A_420 : i32
      %dma_start3A_422 = arith.constant 1 : i32
      %dma_start3A_423 = arith.constant 0 : i32
      %dma_start3A_424 = arith.constant 0 : i32
      %dma_start3A_425 = tpu.memref_slice %arg8[%dma_start3A_422, %dma_start3A_423, %dma_start3A_424] : memref<2x10x100xi32, #tpu.memory_space<vmem>> -> memref<1x10x100xi32, #tpu.memory_space<vmem>>
      %dma_start3A_426 = tpu.memref_squeeze %dma_start3A_425 : memref<1x10x100xi32, #tpu.memory_space<vmem>> -> memref<10x100xi32, #tpu.memory_space<vmem>>
      %dma_start3A_427 = arith.constant 0 : i32
      %dma_start3A_428 = arith.constant 0 : i32
      %dma_start3A_429 = tpu.memref_slice %arg4[%add3A, %add3A_421, %dma_start3A_427, %dma_start3A_428] : memref<32x10x10x100xi32, #tpu.memory_space<hbm>> -> memref<1x1x10x100xi32, #tpu.memory_space<hbm>>
      %dma_start3A_430 = tpu.memref_squeeze %dma_start3A_429 : memref<1x1x10x100xi32, #tpu.memory_space<hbm>> -> memref<10x100xi32, #tpu.memory_space<hbm>>
      %dma_start3A_431 = arith.constant 0 : i32
      %dma_start3A_432 = arith.constant 0 : i32
      %dma_start3A_433 = tpu.memref_slice %arg8[%dma_start3A_422, %dma_start3A_431, %dma_start3A_432] : memref<2x10x100xi32, #tpu.memory_space<vmem>> -> memref<1x10x100xi32, #tpu.memory_space<vmem>>
      %dma_start3A_434 = tpu.memref_squeeze %dma_start3A_433 : memref<1x10x100xi32, #tpu.memory_space<vmem>> -> memref<10x100xi32, #tpu.memory_space<vmem>>
      %dma_start3A_435 = arith.constant 0 : i32
      %dma_start3A_436 = arith.constant 0 : i32
      %dma_start3A_437 = tpu.memref_slice %arg4[%add3A, %add3A_421, %dma_start3A_435, %dma_start3A_436] : memref<32x10x10x100xi32, #tpu.memory_space<hbm>> -> memref<1x1x10x100xi32, #tpu.memory_space<hbm>>
      %dma_start3A_438 = tpu.memref_squeeze %dma_start3A_437 : memref<1x1x10x100xi32, #tpu.memory_space<hbm>> -> memref<10x100xi32, #tpu.memory_space<hbm>>
      tpu.enqueue_dma source(%dma_start3A_438 : memref<10x100xi32, #tpu.memory_space<hbm>>) target(%dma_start3A_434 : memref<10x100xi32, #tpu.memory_space<vmem>>) target_semaphore(%arg14 : memref<!tpu.dma_semaphore, #tpu.memory_space<semaphore_mem>>)
      %add3A_439 = arith.constant 1 : i32
      %add3A_440 = arith.addi %add3A_362, %add3A_439 : i32
      %dma_wait3A_441 = arith.constant 0 : i32
      %dma_wait3A_442 = arith.constant 0 : i32
      %dma_wait3A_443 = arith.constant 0 : i32
      %dma_wait3A_444 = tpu.memref_slice %arg7[%dma_wait3A_441, %dma_wait3A_442, %dma_wait3A_443] : memref<2x10x100xi32, #tpu.memory_space<vmem>> -> memref<1x10x100xi32, #tpu.memory_space<vmem>>
      %dma_wait3A_445 = tpu.memref_squeeze %dma_wait3A_444 : memref<1x10x100xi32, #tpu.memory_space<vmem>> -> memref<10x100xi32, #tpu.memory_space<vmem>>
      %dma_wait3A_446 = arith.constant 0 : i32
      %dma_wait3A_447 = arith.constant 0 : i32
      %dma_wait3A_448 = tpu.memref_slice %arg3[%add3A, %add3A_440, %dma_wait3A_446, %dma_wait3A_447] : memref<32x10x10x100xi32, #tpu.memory_space<hbm>> -> memref<1x1x10x100xi32, #tpu.memory_space<hbm>>
      %dma_wait3A_449 = tpu.memref_squeeze %dma_wait3A_448 : memref<1x1x10x100xi32, #tpu.memory_space<hbm>> -> memref<10x100xi32, #tpu.memory_space<hbm>>
      %dma_wait3A_450 = arith.constant 0 : i32
      %dma_wait3A_451 = arith.constant 0 : i32
      %dma_wait3A_452 = tpu.memref_slice %arg7[%dma_wait3A_441, %dma_wait3A_450, %dma_wait3A_451] : memref<2x10x100xi32, #tpu.memory_space<vmem>> -> memref<1x10x100xi32, #tpu.memory_space<vmem>>
      %dma_wait3A_453 = tpu.memref_squeeze %dma_wait3A_452 : memref<1x10x100xi32, #tpu.memory_space<vmem>> -> memref<10x100xi32, #tpu.memory_space<vmem>>
      %dma_wait3A_454 = arith.constant 0 : i32
      %dma_wait3A_455 = arith.constant 0 : i32
      %dma_wait3A_456 = tpu.memref_slice %arg3[%add3A, %add3A_440, %dma_wait3A_454, %dma_wait3A_455] : memref<32x10x10x100xi32, #tpu.memory_space<hbm>> -> memref<1x1x10x100xi32, #tpu.memory_space<hbm>>
      %dma_wait3A_457 = tpu.memref_squeeze %dma_wait3A_456 : memref<1x1x10x100xi32, #tpu.memory_space<hbm>> -> memref<10x100xi32, #tpu.memory_space<hbm>>
      tpu.wait_dma2 semaphore(%arg13 : memref<!tpu.dma_semaphore, #tpu.memory_space<semaphore_mem>>) src(%dma_wait3A_457 : memref<10x100xi32, #tpu.memory_space<hbm>>) dst(%dma_wait3A_453 : memref<10x100xi32, #tpu.memory_space<vmem>>)
      %add3A_458 = arith.constant 1 : i32
      %add3A_459 = arith.addi %add3A_362, %add3A_458 : i32
      %dma_wait3A_460 = arith.constant 0 : i32
      %dma_wait3A_461 = arith.constant 0 : i32
      %dma_wait3A_462 = arith.constant 0 : i32
      %dma_wait3A_463 = tpu.memref_slice %arg8[%dma_wait3A_460, %dma_wait3A_461, %dma_wait3A_462] : memref<2x10x100xi32, #tpu.memory_space<vmem>> -> memref<1x10x100xi32, #tpu.memory_space<vmem>>
      %dma_wait3A_464 = tpu.memref_squeeze %dma_wait3A_463 : memref<1x10x100xi32, #tpu.memory_space<vmem>> -> memref<10x100xi32, #tpu.memory_space<vmem>>
      %dma_wait3A_465 = arith.constant 0 : i32
      %dma_wait3A_466 = arith.constant 0 : i32
      %dma_wait3A_467 = tpu.memref_slice %arg4[%add3A, %add3A_459, %dma_wait3A_465, %dma_wait3A_466] : memref<32x10x10x100xi32, #tpu.memory_space<hbm>> -> memref<1x1x10x100xi32, #tpu.memory_space<hbm>>
      %dma_wait3A_468 = tpu.memref_squeeze %dma_wait3A_467 : memref<1x1x10x100xi32, #tpu.memory_space<hbm>> -> memref<10x100xi32, #tpu.memory_space<hbm>>
      %dma_wait3A_469 = arith.constant 0 : i32
      %dma_wait3A_470 = arith.constant 0 : i32
      %dma_wait3A_471 = tpu.memref_slice %arg8[%dma_wait3A_460, %dma_wait3A_469, %dma_wait3A_470] : memref<2x10x100xi32, #tpu.memory_space<vmem>> -> memref<1x10x100xi32, #tpu.memory_space<vmem>>
      %dma_wait3A_472 = tpu.memref_squeeze %dma_wait3A_471 : memref<1x10x100xi32, #tpu.memory_space<vmem>> -> memref<10x100xi32, #tpu.memory_space<vmem>>
      %dma_wait3A_473 = arith.constant 0 : i32
      %dma_wait3A_474 = arith.constant 0 : i32
      %dma_wait3A_475 = tpu.memref_slice %arg4[%add3A, %add3A_459, %dma_wait3A_473, %dma_wait3A_474] : memref<32x10x10x100xi32, #tpu.memory_space<hbm>> -> memref<1x1x10x100xi32, #tpu.memory_space<hbm>>
      %dma_wait3A_476 = tpu.memref_squeeze %dma_wait3A_475 : memref<1x1x10x100xi32, #tpu.memory_space<hbm>> -> memref<10x100xi32, #tpu.memory_space<hbm>>
      tpu.wait_dma2 semaphore(%arg13 : memref<!tpu.dma_semaphore, #tpu.memory_space<semaphore_mem>>) src(%dma_wait3A_476 : memref<10x100xi32, #tpu.memory_space<hbm>>) dst(%dma_wait3A_472 : memref<10x100xi32, #tpu.memory_space<vmem>>)
      %dma_start3A_477 = arith.constant 0 : i32
      %dma_start3A_478 = arith.constant 0 : i32
      %dma_start3A_479 = arith.constant 0 : i32
      %dma_start3A_480 = arith.constant 0 : i32
      %dma_start3A_481 = arith.constant 0 : i32
      %dma_start3A_482 = tpu.memref_slice %arg9[%dma_start3A_479, %dma_start3A_480, %dma_start3A_481] : memref<2x100x128xf32, #tpu.memory_space<vmem>> -> memref<1x100x128xf32, #tpu.memory_space<vmem>>
      %dma_start3A_483 = tpu.memref_squeeze %dma_start3A_482 : memref<1x100x128xf32, #tpu.memory_space<vmem>> -> memref<100x128xf32, #tpu.memory_space<vmem>>
      %dma_start3A_484 = arith.constant 0 : i32
      %dma_start3A_485 = tpu.memref_slice %arg7[%dma_start3A_477, %dma_start3A_478, %dma_start3A_484] : memref<2x10x100xi32, #tpu.memory_space<vmem>> -> memref<1x1x100xi32, #tpu.memory_space<vmem>>
      %dma_start3A_486 = tpu.memref_squeeze %dma_start3A_485 : memref<1x1x100xi32, #tpu.memory_space<vmem>> -> memref<100xi32, #tpu.memory_space<vmem>>
      %dma_start3A_487 = arith.constant 0 : i32
      %dma_start3A_488 = arith.constant 0 : i32
      %dma_start3A_489 = tpu.memref_slice %arg2[%dma_start3A_487, %dma_start3A_488] : memref<10000x128xf32, #tpu.memory_space<hbm>> -> memref<10000x128xf32, #tpu.memory_space<hbm>>
      tpu.enqueue_indirect_dma source(%dma_start3A_489 : memref<10000x128xf32, #tpu.memory_space<hbm>>) target(%dma_start3A_483 : memref<100x128xf32, #tpu.memory_space<vmem>>) offsets(%dma_start3A_486 : memref<100xi32, #tpu.memory_space<vmem>>) semaphore(%arg11 : memref<!tpu.dma_semaphore, #tpu.memory_space<semaphore_mem>>)
      %dma_start3A_490 = arith.constant 0 : i32
      %dma_start3A_491 = arith.constant 1 : i32
      %dma_start3A_492 = arith.constant 1 : i32
      %dma_start3A_493 = arith.constant 0 : i32
      %dma_start3A_494 = arith.constant 0 : i32
      %dma_start3A_495 = tpu.memref_slice %arg9[%dma_start3A_492, %dma_start3A_493, %dma_start3A_494] : memref<2x100x128xf32, #tpu.memory_space<vmem>> -> memref<1x100x128xf32, #tpu.memory_space<vmem>>
      %dma_start3A_496 = tpu.memref_squeeze %dma_start3A_495 : memref<1x100x128xf32, #tpu.memory_space<vmem>> -> memref<100x128xf32, #tpu.memory_space<vmem>>
      %dma_start3A_497 = arith.constant 0 : i32
      %dma_start3A_498 = tpu.memref_slice %arg7[%dma_start3A_490, %dma_start3A_491, %dma_start3A_497] : memref<2x10x100xi32, #tpu.memory_space<vmem>> -> memref<1x1x100xi32, #tpu.memory_space<vmem>>
      %dma_start3A_499 = tpu.memref_squeeze %dma_start3A_498 : memref<1x1x100xi32, #tpu.memory_space<vmem>> -> memref<100xi32, #tpu.memory_space<vmem>>
      %dma_start3A_500 = arith.constant 0 : i32
      %dma_start3A_501 = arith.constant 0 : i32
      %dma_start3A_502 = tpu.memref_slice %arg2[%dma_start3A_500, %dma_start3A_501] : memref<10000x128xf32, #tpu.memory_space<hbm>> -> memref<10000x128xf32, #tpu.memory_space<hbm>>
      tpu.enqueue_indirect_dma source(%dma_start3A_502 : memref<10000x128xf32, #tpu.memory_space<hbm>>) target(%dma_start3A_496 : memref<100x128xf32, #tpu.memory_space<vmem>>) offsets(%dma_start3A_499 : memref<100xi32, #tpu.memory_space<vmem>>) semaphore(%arg12 : memref<!tpu.dma_semaphore, #tpu.memory_space<semaphore_mem>>)
    }
    %scan3A_71 = arith.constant 4 : i32
    %scan3A_72 = arith.constant 0 : i32
    %scan3A_73 = arith.constant 0 : i32
    %scan3A_74 = arith.constant 4 : i32
    %scan3A_75 = arith.addi %scan3A_73, %scan3A_74 : i32
    %scan3A_76 = arith.constant 1 : i32
    scf.for %scan3A_214 = %scan3A_73 to %scan3A_75 step %scan3A_76  : i32 {
      %mul3A_215 = arith.constant 2 : i32
      %mul3A_216 = arith.muli %mul3A_215, %scan3A_214 : i32
      %add3A_217 = arith.constant 0 : i32
      %add3A_218 = arith.addi %mul3A_216, %add3A_217 : i32
      %dma_wait3A_219 = arith.constant 0 : i32
      %dma_wait3A_220 = arith.constant 0 : i32
      %dma_wait3A_221 = arith.constant 0 : i32
      %dma_wait3A_222 = arith.constant 0 : i32
      %dma_wait3A_223 = tpu.memref_slice %arg9[%dma_wait3A_220, %dma_wait3A_221, %dma_wait3A_222] : memref<2x100x128xf32, #tpu.memory_space<vmem>> -> memref<1x100x128xf32, #tpu.memory_space<vmem>>
      %dma_wait3A_224 = tpu.memref_squeeze %dma_wait3A_223 : memref<1x100x128xf32, #tpu.memory_space<vmem>> -> memref<100x128xf32, #tpu.memory_space<vmem>>
      %dma_wait3A_225 = arith.constant 0 : i32
      %dma_wait3A_226 = tpu.memref_slice %arg7[%dma_wait3A_219, %add3A_218, %dma_wait3A_225] : memref<2x10x100xi32, #tpu.memory_space<vmem>> -> memref<1x1x100xi32, #tpu.memory_space<vmem>>
      %dma_wait3A_227 = tpu.memref_squeeze %dma_wait3A_226 : memref<1x1x100xi32, #tpu.memory_space<vmem>> -> memref<100xi32, #tpu.memory_space<vmem>>
      %dma_wait3A_228 = arith.constant 0 : i32
      %dma_wait3A_229 = arith.constant 0 : i32
      %dma_wait3A_230 = tpu.memref_slice %arg2[%dma_wait3A_228, %dma_wait3A_229] : memref<10000x128xf32, #tpu.memory_space<hbm>> -> memref<10000x128xf32, #tpu.memory_space<hbm>>
      tpu.wait_indirect_dma semaphore(%arg11 : memref<!tpu.dma_semaphore, #tpu.memory_space<semaphore_mem>>) src(%dma_wait3A_230 : memref<10000x128xf32, #tpu.memory_space<hbm>>) dst(%dma_wait3A_224 : memref<100x128xf32, #tpu.memory_space<vmem>>)
      %run_scoped3A_231 = arith.constant 0 : i32
      %run_scoped3A_232 = arith.constant 0 : i32
      "tpu.region"() ({
        %run_scoped3A_279 = tpu.sem_alloc : memref<!tpu.dma_semaphore, #tpu.memory_space<semaphore_mem>>
        %dma_start3A_280 = arith.constant 0 : i32
        %dma_start3A_281 = arith.constant 0 : i32
        %dma_start3A_282 = tpu.memref_slice %arg9[%run_scoped3A_231, %dma_start3A_280, %dma_start3A_281] : memref<2x100x128xf32, #tpu.memory_space<vmem>> -> memref<1x100x128xf32, #tpu.memory_space<vmem>>
        %dma_start3A_283 = tpu.memref_squeeze %dma_start3A_282 : memref<1x100x128xf32, #tpu.memory_space<vmem>> -> memref<100x128xf32, #tpu.memory_space<vmem>>
        %dma_start3A_284 = arith.constant 0 : i32
        %dma_start3A_285 = tpu.memref_slice %arg8[%run_scoped3A_232, %add3A_218, %dma_start3A_284] : memref<2x10x100xi32, #tpu.memory_space<vmem>> -> memref<1x1x100xi32, #tpu.memory_space<vmem>>
        %dma_start3A_286 = tpu.memref_squeeze %dma_start3A_285 : memref<1x1x100xi32, #tpu.memory_space<vmem>> -> memref<100xi32, #tpu.memory_space<vmem>>
        %dma_start3A_287 = arith.constant 0 : i32
        %dma_start3A_288 = arith.constant 0 : i32
        %dma_start3A_289 = tpu.memref_slice %arg10[%dma_start3A_287, %dma_start3A_288] : memref<10112x128xf32, #tpu.memory_space<vmem_shared>> -> memref<10112x128xf32, #tpu.memory_space<vmem_shared>>
        tpu.enqueue_indirect_dma source(%dma_start3A_283 : memref<100x128xf32, #tpu.memory_space<vmem>>) target(%dma_start3A_289 : memref<10112x128xf32, #tpu.memory_space<vmem_shared>>) offsets(%dma_start3A_286 : memref<100xi32, #tpu.memory_space<vmem>>) semaphore(%run_scoped3A_279 : memref<!tpu.dma_semaphore, #tpu.memory_space<semaphore_mem>>) {add = true}
        %dma_wait3A_290 = arith.constant 0 : i32
        %dma_wait3A_291 = arith.constant 0 : i32
        %dma_wait3A_292 = tpu.memref_slice %arg9[%run_scoped3A_231, %dma_wait3A_290, %dma_wait3A_291] : memref<2x100x128xf32, #tpu.memory_space<vmem>> -> memref<1x100x128xf32, #tpu.memory_space<vmem>>
        %dma_wait3A_293 = tpu.memref_squeeze %dma_wait3A_292 : memref<1x100x128xf32, #tpu.memory_space<vmem>> -> memref<100x128xf32, #tpu.memory_space<vmem>>
        %dma_wait3A_294 = arith.constant 0 : i32
        %dma_wait3A_295 = tpu.memref_slice %arg8[%run_scoped3A_232, %add3A_218, %dma_wait3A_294] : memref<2x10x100xi32, #tpu.memory_space<vmem>> -> memref<1x1x100xi32, #tpu.memory_space<vmem>>
        %dma_wait3A_296 = tpu.memref_squeeze %dma_wait3A_295 : memref<1x1x100xi32, #tpu.memory_space<vmem>> -> memref<100xi32, #tpu.memory_space<vmem>>
        %dma_wait3A_297 = arith.constant 0 : i32
        %dma_wait3A_298 = arith.constant 0 : i32
        %dma_wait3A_299 = tpu.memref_slice %arg10[%dma_wait3A_297, %dma_wait3A_298] : memref<10112x128xf32, #tpu.memory_space<vmem_shared>> -> memref<10112x128xf32, #tpu.memory_space<vmem_shared>>
        tpu.wait_indirect_dma semaphore(%run_scoped3A_279 : memref<!tpu.dma_semaphore, #tpu.memory_space<semaphore_mem>>) src(%dma_wait3A_293 : memref<100x128xf32, #tpu.memory_space<vmem>>) dst(%dma_wait3A_299 : memref<10112x128xf32, #tpu.memory_space<vmem_shared>>)
        tpu.yield
      }) : () -> ()
      %add3A_233 = arith.constant 2 : i32
      %add3A_234 = arith.addi %add3A_218, %add3A_233 : i32
      %dma_start3A_235 = arith.constant 0 : i32
      %dma_start3A_236 = arith.constant 0 : i32
      %dma_start3A_237 = arith.constant 0 : i32
      %dma_start3A_238 = arith.constant 0 : i32
      %dma_start3A_239 = tpu.memref_slice %arg9[%dma_start3A_236, %dma_start3A_237, %dma_start3A_238] : memref<2x100x128xf32, #tpu.memory_space<vmem>> -> memref<1x100x128xf32, #tpu.memory_space<vmem>>
      %dma_start3A_240 = tpu.memref_squeeze %dma_start3A_239 : memref<1x100x128xf32, #tpu.memory_space<vmem>> -> memref<100x128xf32, #tpu.memory_space<vmem>>
      %dma_start3A_241 = arith.constant 0 : i32
      %dma_start3A_242 = tpu.memref_slice %arg7[%dma_start3A_235, %add3A_234, %dma_start3A_241] : memref<2x10x100xi32, #tpu.memory_space<vmem>> -> memref<1x1x100xi32, #tpu.memory_space<vmem>>
      %dma_start3A_243 = tpu.memref_squeeze %dma_start3A_242 : memref<1x1x100xi32, #tpu.memory_space<vmem>> -> memref<100xi32, #tpu.memory_space<vmem>>
      %dma_start3A_244 = arith.constant 0 : i32
      %dma_start3A_245 = arith.constant 0 : i32
      %dma_start3A_246 = tpu.memref_slice %arg2[%dma_start3A_244, %dma_start3A_245] : memref<10000x128xf32, #tpu.memory_space<hbm>> -> memref<10000x128xf32, #tpu.memory_space<hbm>>
      tpu.enqueue_indirect_dma source(%dma_start3A_246 : memref<10000x128xf32, #tpu.memory_space<hbm>>) target(%dma_start3A_240 : memref<100x128xf32, #tpu.memory_space<vmem>>) offsets(%dma_start3A_243 : memref<100xi32, #tpu.memory_space<vmem>>) semaphore(%arg11 : memref<!tpu.dma_semaphore, #tpu.memory_space<semaphore_mem>>)
      %mul3A_247 = arith.constant 2 : i32
      %mul3A_248 = arith.muli %mul3A_247, %scan3A_214 : i32
      %add3A_249 = arith.constant 1 : i32
      %add3A_250 = arith.addi %mul3A_248, %add3A_249 : i32
      %dma_wait3A_251 = arith.constant 0 : i32
      %dma_wait3A_252 = arith.constant 1 : i32
      %dma_wait3A_253 = arith.constant 0 : i32
      %dma_wait3A_254 = arith.constant 0 : i32
      %dma_wait3A_255 = tpu.memref_slice %arg9[%dma_wait3A_252, %dma_wait3A_253, %dma_wait3A_254] : memref<2x100x128xf32, #tpu.memory_space<vmem>> -> memref<1x100x128xf32, #tpu.memory_space<vmem>>
      %dma_wait3A_256 = tpu.memref_squeeze %dma_wait3A_255 : memref<1x100x128xf32, #tpu.memory_space<vmem>> -> memref<100x128xf32, #tpu.memory_space<vmem>>
      %dma_wait3A_257 = arith.constant 0 : i32
      %dma_wait3A_258 = tpu.memref_slice %arg7[%dma_wait3A_251, %add3A_250, %dma_wait3A_257] : memref<2x10x100xi32, #tpu.memory_space<vmem>> -> memref<1x1x100xi32, #tpu.memory_space<vmem>>
      %dma_wait3A_259 = tpu.memref_squeeze %dma_wait3A_258 : memref<1x1x100xi32, #tpu.memory_space<vmem>> -> memref<100xi32, #tpu.memory_space<vmem>>
      %dma_wait3A_260 = arith.constant 0 : i32
      %dma_wait3A_261 = arith.constant 0 : i32
      %dma_wait3A_262 = tpu.memref_slice %arg2[%dma_wait3A_260, %dma_wait3A_261] : memref<10000x128xf32, #tpu.memory_space<hbm>> -> memref<10000x128xf32, #tpu.memory_space<hbm>>
      tpu.wait_indirect_dma semaphore(%arg12 : memref<!tpu.dma_semaphore, #tpu.memory_space<semaphore_mem>>) src(%dma_wait3A_262 : memref<10000x128xf32, #tpu.memory_space<hbm>>) dst(%dma_wait3A_256 : memref<100x128xf32, #tpu.memory_space<vmem>>)
      %run_scoped3A_263 = arith.constant 1 : i32
      %run_scoped3A_264 = arith.constant 0 : i32
      "tpu.region"() ({
        %run_scoped3A_279 = tpu.sem_alloc : memref<!tpu.dma_semaphore, #tpu.memory_space<semaphore_mem>>
        %dma_start3A_280 = arith.constant 0 : i32
        %dma_start3A_281 = arith.constant 0 : i32
        %dma_start3A_282 = tpu.memref_slice %arg9[%run_scoped3A_263, %dma_start3A_280, %dma_start3A_281] : memref<2x100x128xf32, #tpu.memory_space<vmem>> -> memref<1x100x128xf32, #tpu.memory_space<vmem>>
        %dma_start3A_283 = tpu.memref_squeeze %dma_start3A_282 : memref<1x100x128xf32, #tpu.memory_space<vmem>> -> memref<100x128xf32, #tpu.memory_space<vmem>>
        %dma_start3A_284 = arith.constant 0 : i32
        %dma_start3A_285 = tpu.memref_slice %arg8[%run_scoped3A_264, %add3A_250, %dma_start3A_284] : memref<2x10x100xi32, #tpu.memory_space<vmem>> -> memref<1x1x100xi32, #tpu.memory_space<vmem>>
        %dma_start3A_286 = tpu.memref_squeeze %dma_start3A_285 : memref<1x1x100xi32, #tpu.memory_space<vmem>> -> memref<100xi32, #tpu.memory_space<vmem>>
        %dma_start3A_287 = arith.constant 0 : i32
        %dma_start3A_288 = arith.constant 0 : i32
        %dma_start3A_289 = tpu.memref_slice %arg10[%dma_start3A_287, %dma_start3A_288] : memref<10112x128xf32, #tpu.memory_space<vmem_shared>> -> memref<10112x128xf32, #tpu.memory_space<vmem_shared>>
        tpu.enqueue_indirect_dma source(%dma_start3A_283 : memref<100x128xf32, #tpu.memory_space<vmem>>) target(%dma_start3A_289 : memref<10112x128xf32, #tpu.memory_space<vmem_shared>>) offsets(%dma_start3A_286 : memref<100xi32, #tpu.memory_space<vmem>>) semaphore(%run_scoped3A_279 : memref<!tpu.dma_semaphore, #tpu.memory_space<semaphore_mem>>) {add = true}
        %dma_wait3A_290 = arith.constant 0 : i32
        %dma_wait3A_291 = arith.constant 0 : i32
        %dma_wait3A_292 = tpu.memref_slice %arg9[%run_scoped3A_263, %dma_wait3A_290, %dma_wait3A_291] : memref<2x100x128xf32, #tpu.memory_space<vmem>> -> memref<1x100x128xf32, #tpu.memory_space<vmem>>
        %dma_wait3A_293 = tpu.memref_squeeze %dma_wait3A_292 : memref<1x100x128xf32, #tpu.memory_space<vmem>> -> memref<100x128xf32, #tpu.memory_space<vmem>>
        %dma_wait3A_294 = arith.constant 0 : i32
        %dma_wait3A_295 = tpu.memref_slice %arg8[%run_scoped3A_264, %add3A_250, %dma_wait3A_294] : memref<2x10x100xi32, #tpu.memory_space<vmem>> -> memref<1x1x100xi32, #tpu.memory_space<vmem>>
        %dma_wait3A_296 = tpu.memref_squeeze %dma_wait3A_295 : memref<1x1x100xi32, #tpu.memory_space<vmem>> -> memref<100xi32, #tpu.memory_space<vmem>>
        %dma_wait3A_297 = arith.constant 0 : i32
        %dma_wait3A_298 = arith.constant 0 : i32
        %dma_wait3A_299 = tpu.memref_slice %arg10[%dma_wait3A_297, %dma_wait3A_298] : memref<10112x128xf32, #tpu.memory_space<vmem_shared>> -> memref<10112x128xf32, #tpu.memory_space<vmem_shared>>
        tpu.wait_indirect_dma semaphore(%run_scoped3A_279 : memref<!tpu.dma_semaphore, #tpu.memory_space<semaphore_mem>>) src(%dma_wait3A_293 : memref<100x128xf32, #tpu.memory_space<vmem>>) dst(%dma_wait3A_299 : memref<10112x128xf32, #tpu.memory_space<vmem_shared>>)
        tpu.yield
      }) : () -> ()
      %add3A_265 = arith.constant 2 : i32
      %add3A_266 = arith.addi %add3A_250, %add3A_265 : i32
      %dma_start3A_267 = arith.constant 0 : i32
      %dma_start3A_268 = arith.constant 1 : i32
      %dma_start3A_269 = arith.constant 0 : i32
      %dma_start3A_270 = arith.constant 0 : i32
      %dma_start3A_271 = tpu.memref_slice %arg9[%dma_start3A_268, %dma_start3A_269, %dma_start3A_270] : memref<2x100x128xf32, #tpu.memory_space<vmem>> -> memref<1x100x128xf32, #tpu.memory_space<vmem>>
      %dma_start3A_272 = tpu.memref_squeeze %dma_start3A_271 : memref<1x100x128xf32, #tpu.memory_space<vmem>> -> memref<100x128xf32, #tpu.memory_space<vmem>>
      %dma_start3A_273 = arith.constant 0 : i32
      %dma_start3A_274 = tpu.memref_slice %arg7[%dma_start3A_267, %add3A_266, %dma_start3A_273] : memref<2x10x100xi32, #tpu.memory_space<vmem>> -> memref<1x1x100xi32, #tpu.memory_space<vmem>>
      %dma_start3A_275 = tpu.memref_squeeze %dma_start3A_274 : memref<1x1x100xi32, #tpu.memory_space<vmem>> -> memref<100xi32, #tpu.memory_space<vmem>>
      %dma_start3A_276 = arith.constant 0 : i32
      %dma_start3A_277 = arith.constant 0 : i32
      %dma_start3A_278 = tpu.memref_slice %arg2[%dma_start3A_276, %dma_start3A_277] : memref<10000x128xf32, #tpu.memory_space<hbm>> -> memref<10000x128xf32, #tpu.memory_space<hbm>>
      tpu.enqueue_indirect_dma source(%dma_start3A_278 : memref<10000x128xf32, #tpu.memory_space<hbm>>) target(%dma_start3A_272 : memref<100x128xf32, #tpu.memory_space<vmem>>) offsets(%dma_start3A_275 : memref<100xi32, #tpu.memory_space<vmem>>) semaphore(%arg12 : memref<!tpu.dma_semaphore, #tpu.memory_space<semaphore_mem>>)
    }
    %scan3A_77 = arith.constant 4 : i32
    %dma_wait3A = arith.constant 0 : i32
    %dma_wait3A_78 = arith.constant 8 : i32
    %dma_wait3A_79 = arith.constant 0 : i32
    %dma_wait3A_80 = arith.constant 0 : i32
    %dma_wait3A_81 = arith.constant 0 : i32
    %dma_wait3A_82 = tpu.memref_slice %arg9[%dma_wait3A_79, %dma_wait3A_80, %dma_wait3A_81] : memref<2x100x128xf32, #tpu.memory_space<vmem>> -> memref<1x100x128xf32, #tpu.memory_space<vmem>>
    %dma_wait3A_83 = tpu.memref_squeeze %dma_wait3A_82 : memref<1x100x128xf32, #tpu.memory_space<vmem>> -> memref<100x128xf32, #tpu.memory_space<vmem>>
    %dma_wait3A_84 = arith.constant 0 : i32
    %dma_wait3A_85 = tpu.memref_slice %arg7[%dma_wait3A, %dma_wait3A_78, %dma_wait3A_84] : memref<2x10x100xi32, #tpu.memory_space<vmem>> -> memref<1x1x100xi32, #tpu.memory_space<vmem>>
    %dma_wait3A_86 = tpu.memref_squeeze %dma_wait3A_85 : memref<1x1x100xi32, #tpu.memory_space<vmem>> -> memref<100xi32, #tpu.memory_space<vmem>>
    %dma_wait3A_87 = arith.constant 0 : i32
    %dma_wait3A_88 = arith.constant 0 : i32
    %dma_wait3A_89 = tpu.memref_slice %arg2[%dma_wait3A_87, %dma_wait3A_88] : memref<10000x128xf32, #tpu.memory_space<hbm>> -> memref<10000x128xf32, #tpu.memory_space<hbm>>
    tpu.wait_indirect_dma semaphore(%arg11 : memref<!tpu.dma_semaphore, #tpu.memory_space<semaphore_mem>>) src(%dma_wait3A_89 : memref<10000x128xf32, #tpu.memory_space<hbm>>) dst(%dma_wait3A_83 : memref<100x128xf32, #tpu.memory_space<vmem>>)
    %run_scoped3A_90 = arith.constant 0 : i32
    %run_scoped3A_91 = arith.constant 0 : i32
    %run_scoped3A_92 = arith.constant 8 : i32
    "tpu.region"() ({
      %run_scoped3A_214 = tpu.sem_alloc : memref<!tpu.dma_semaphore, #tpu.memory_space<semaphore_mem>>
      %dma_start3A_215 = arith.constant 0 : i32
      %dma_start3A_216 = arith.constant 0 : i32
      %dma_start3A_217 = tpu.memref_slice %arg9[%run_scoped3A_90, %dma_start3A_215, %dma_start3A_216] : memref<2x100x128xf32, #tpu.memory_space<vmem>> -> memref<1x100x128xf32, #tpu.memory_space<vmem>>
      %dma_start3A_218 = tpu.memref_squeeze %dma_start3A_217 : memref<1x100x128xf32, #tpu.memory_space<vmem>> -> memref<100x128xf32, #tpu.memory_space<vmem>>
      %dma_start3A_219 = arith.constant 0 : i32
      %dma_start3A_220 = tpu.memref_slice %arg8[%run_scoped3A_91, %run_scoped3A_92, %dma_start3A_219] : memref<2x10x100xi32, #tpu.memory_space<vmem>> -> memref<1x1x100xi32, #tpu.memory_space<vmem>>
      %dma_start3A_221 = tpu.memref_squeeze %dma_start3A_220 : memref<1x1x100xi32, #tpu.memory_space<vmem>> -> memref<100xi32, #tpu.memory_space<vmem>>
      %dma_start3A_222 = arith.constant 0 : i32
      %dma_start3A_223 = arith.constant 0 : i32
      %dma_start3A_224 = tpu.memref_slice %arg10[%dma_start3A_222, %dma_start3A_223] : memref<10112x128xf32, #tpu.memory_space<vmem_shared>> -> memref<10112x128xf32, #tpu.memory_space<vmem_shared>>
      tpu.enqueue_indirect_dma source(%dma_start3A_218 : memref<100x128xf32, #tpu.memory_space<vmem>>) target(%dma_start3A_224 : memref<10112x128xf32, #tpu.memory_space<vmem_shared>>) offsets(%dma_start3A_221 : memref<100xi32, #tpu.memory_space<vmem>>) semaphore(%run_scoped3A_214 : memref<!tpu.dma_semaphore, #tpu.memory_space<semaphore_mem>>) {add = true}
      %dma_wait3A_225 = arith.constant 0 : i32
      %dma_wait3A_226 = arith.constant 0 : i32
      %dma_wait3A_227 = tpu.memref_slice %arg9[%run_scoped3A_90, %dma_wait3A_225, %dma_wait3A_226] : memref<2x100x128xf32, #tpu.memory_space<vmem>> -> memref<1x100x128xf32, #tpu.memory_space<vmem>>
      %dma_wait3A_228 = tpu.memref_squeeze %dma_wait3A_227 : memref<1x100x128xf32, #tpu.memory_space<vmem>> -> memref<100x128xf32, #tpu.memory_space<vmem>>
      %dma_wait3A_229 = arith.constant 0 : i32
      %dma_wait3A_230 = tpu.memref_slice %arg8[%run_scoped3A_91, %run_scoped3A_92, %dma_wait3A_229] : memref<2x10x100xi32, #tpu.memory_space<vmem>> -> memref<1x1x100xi32, #tpu.memory_space<vmem>>
      %dma_wait3A_231 = tpu.memref_squeeze %dma_wait3A_230 : memref<1x1x100xi32, #tpu.memory_space<vmem>> -> memref<100xi32, #tpu.memory_space<vmem>>
      %dma_wait3A_232 = arith.constant 0 : i32
      %dma_wait3A_233 = arith.constant 0 : i32
      %dma_wait3A_234 = tpu.memref_slice %arg10[%dma_wait3A_232, %dma_wait3A_233] : memref<10112x128xf32, #tpu.memory_space<vmem_shared>> -> memref<10112x128xf32, #tpu.memory_space<vmem_shared>>
      tpu.wait_indirect_dma semaphore(%run_scoped3A_214 : memref<!tpu.dma_semaphore, #tpu.memory_space<semaphore_mem>>) src(%dma_wait3A_228 : memref<100x128xf32, #tpu.memory_space<vmem>>) dst(%dma_wait3A_234 : memref<10112x128xf32, #tpu.memory_space<vmem_shared>>)
      tpu.yield
    }) : () -> ()
    %dma_wait3A_93 = arith.constant 0 : i32
    %dma_wait3A_94 = arith.constant 9 : i32
    %dma_wait3A_95 = arith.constant 1 : i32
    %dma_wait3A_96 = arith.constant 0 : i32
    %dma_wait3A_97 = arith.constant 0 : i32
    %dma_wait3A_98 = tpu.memref_slice %arg9[%dma_wait3A_95, %dma_wait3A_96, %dma_wait3A_97] : memref<2x100x128xf32, #tpu.memory_space<vmem>> -> memref<1x100x128xf32, #tpu.memory_space<vmem>>
    %dma_wait3A_99 = tpu.memref_squeeze %dma_wait3A_98 : memref<1x100x128xf32, #tpu.memory_space<vmem>> -> memref<100x128xf32, #tpu.memory_space<vmem>>
    %dma_wait3A_100 = arith.constant 0 : i32
    %dma_wait3A_101 = tpu.memref_slice %arg7[%dma_wait3A_93, %dma_wait3A_94, %dma_wait3A_100] : memref<2x10x100xi32, #tpu.memory_space<vmem>> -> memref<1x1x100xi32, #tpu.memory_space<vmem>>
    %dma_wait3A_102 = tpu.memref_squeeze %dma_wait3A_101 : memref<1x1x100xi32, #tpu.memory_space<vmem>> -> memref<100xi32, #tpu.memory_space<vmem>>
    %dma_wait3A_103 = arith.constant 0 : i32
    %dma_wait3A_104 = arith.constant 0 : i32
    %dma_wait3A_105 = tpu.memref_slice %arg2[%dma_wait3A_103, %dma_wait3A_104] : memref<10000x128xf32, #tpu.memory_space<hbm>> -> memref<10000x128xf32, #tpu.memory_space<hbm>>
    tpu.wait_indirect_dma semaphore(%arg12 : memref<!tpu.dma_semaphore, #tpu.memory_space<semaphore_mem>>) src(%dma_wait3A_105 : memref<10000x128xf32, #tpu.memory_space<hbm>>) dst(%dma_wait3A_99 : memref<100x128xf32, #tpu.memory_space<vmem>>)
    %run_scoped3A_106 = arith.constant 1 : i32
    %run_scoped3A_107 = arith.constant 0 : i32
    %run_scoped3A_108 = arith.constant 9 : i32
    "tpu.region"() ({
      %run_scoped3A_214 = tpu.sem_alloc : memref<!tpu.dma_semaphore, #tpu.memory_space<semaphore_mem>>
      %dma_start3A_215 = arith.constant 0 : i32
      %dma_start3A_216 = arith.constant 0 : i32
      %dma_start3A_217 = tpu.memref_slice %arg9[%run_scoped3A_106, %dma_start3A_215, %dma_start3A_216] : memref<2x100x128xf32, #tpu.memory_space<vmem>> -> memref<1x100x128xf32, #tpu.memory_space<vmem>>
      %dma_start3A_218 = tpu.memref_squeeze %dma_start3A_217 : memref<1x100x128xf32, #tpu.memory_space<vmem>> -> memref<100x128xf32, #tpu.memory_space<vmem>>
      %dma_start3A_219 = arith.constant 0 : i32
      %dma_start3A_220 = tpu.memref_slice %arg8[%run_scoped3A_107, %run_scoped3A_108, %dma_start3A_219] : memref<2x10x100xi32, #tpu.memory_space<vmem>> -> memref<1x1x100xi32, #tpu.memory_space<vmem>>
      %dma_start3A_221 = tpu.memref_squeeze %dma_start3A_220 : memref<1x1x100xi32, #tpu.memory_space<vmem>> -> memref<100xi32, #tpu.memory_space<vmem>>
      %dma_start3A_222 = arith.constant 0 : i32
      %dma_start3A_223 = arith.constant 0 : i32
      %dma_start3A_224 = tpu.memref_slice %arg10[%dma_start3A_222, %dma_start3A_223] : memref<10112x128xf32, #tpu.memory_space<vmem_shared>> -> memref<10112x128xf32, #tpu.memory_space<vmem_shared>>
      tpu.enqueue_indirect_dma source(%dma_start3A_218 : memref<100x128xf32, #tpu.memory_space<vmem>>) target(%dma_start3A_224 : memref<10112x128xf32, #tpu.memory_space<vmem_shared>>) offsets(%dma_start3A_221 : memref<100xi32, #tpu.memory_space<vmem>>) semaphore(%run_scoped3A_214 : memref<!tpu.dma_semaphore, #tpu.memory_space<semaphore_mem>>) {add = true}
      %dma_wait3A_225 = arith.constant 0 : i32
      %dma_wait3A_226 = arith.constant 0 : i32
      %dma_wait3A_227 = tpu.memref_slice %arg9[%run_scoped3A_106, %dma_wait3A_225, %dma_wait3A_226] : memref<2x100x128xf32, #tpu.memory_space<vmem>> -> memref<1x100x128xf32, #tpu.memory_space<vmem>>
      %dma_wait3A_228 = tpu.memref_squeeze %dma_wait3A_227 : memref<1x100x128xf32, #tpu.memory_space<vmem>> -> memref<100x128xf32, #tpu.memory_space<vmem>>
      %dma_wait3A_229 = arith.constant 0 : i32
      %dma_wait3A_230 = tpu.memref_slice %arg8[%run_scoped3A_107, %run_scoped3A_108, %dma_wait3A_229] : memref<2x10x100xi32, #tpu.memory_space<vmem>> -> memref<1x1x100xi32, #tpu.memory_space<vmem>>
      %dma_wait3A_231 = tpu.memref_squeeze %dma_wait3A_230 : memref<1x1x100xi32, #tpu.memory_space<vmem>> -> memref<100xi32, #tpu.memory_space<vmem>>
      %dma_wait3A_232 = arith.constant 0 : i32
      %dma_wait3A_233 = arith.constant 0 : i32
      %dma_wait3A_234 = tpu.memref_slice %arg10[%dma_wait3A_232, %dma_wait3A_233] : memref<10112x128xf32, #tpu.memory_space<vmem_shared>> -> memref<10112x128xf32, #tpu.memory_space<vmem_shared>>
      tpu.wait_indirect_dma semaphore(%run_scoped3A_214 : memref<!tpu.dma_semaphore, #tpu.memory_space<semaphore_mem>>) src(%dma_wait3A_228 : memref<100x128xf32, #tpu.memory_space<vmem>>) dst(%dma_wait3A_234 : memref<10112x128xf32, #tpu.memory_space<vmem_shared>>)
      tpu.yield
    }) : () -> ()
    %dma_wait3A_109 = arith.constant 9 : i32
    %dma_wait3A_110 = arith.constant 1 : i32
    %dma_wait3A_111 = arith.constant 0 : i32
    %dma_wait3A_112 = arith.constant 0 : i32
    %dma_wait3A_113 = tpu.memref_slice %arg7[%dma_wait3A_110, %dma_wait3A_111, %dma_wait3A_112] : memref<2x10x100xi32, #tpu.memory_space<vmem>> -> memref<1x10x100xi32, #tpu.memory_space<vmem>>
    %dma_wait3A_114 = tpu.memref_squeeze %dma_wait3A_113 : memref<1x10x100xi32, #tpu.memory_space<vmem>> -> memref<10x100xi32, #tpu.memory_space<vmem>>
    %dma_wait3A_115 = arith.constant 0 : i32
    %dma_wait3A_116 = arith.constant 0 : i32
    %dma_wait3A_117 = tpu.memref_slice %arg3[%add3A, %dma_wait3A_109, %dma_wait3A_115, %dma_wait3A_116] : memref<32x10x10x100xi32, #tpu.memory_space<hbm>> -> memref<1x1x10x100xi32, #tpu.memory_space<hbm>>
    %dma_wait3A_118 = tpu.memref_squeeze %dma_wait3A_117 : memref<1x1x10x100xi32, #tpu.memory_space<hbm>> -> memref<10x100xi32, #tpu.memory_space<hbm>>
    %dma_wait3A_119 = arith.constant 0 : i32
    %dma_wait3A_120 = arith.constant 0 : i32
    %dma_wait3A_121 = tpu.memref_slice %arg7[%dma_wait3A_110, %dma_wait3A_119, %dma_wait3A_120] : memref<2x10x100xi32, #tpu.memory_space<vmem>> -> memref<1x10x100xi32, #tpu.memory_space<vmem>>
    %dma_wait3A_122 = tpu.memref_squeeze %dma_wait3A_121 : memref<1x10x100xi32, #tpu.memory_space<vmem>> -> memref<10x100xi32, #tpu.memory_space<vmem>>
    %dma_wait3A_123 = arith.constant 0 : i32
    %dma_wait3A_124 = arith.constant 0 : i32
    %dma_wait3A_125 = tpu.memref_slice %arg3[%add3A, %dma_wait3A_109, %dma_wait3A_123, %dma_wait3A_124] : memref<32x10x10x100xi32, #tpu.memory_space<hbm>> -> memref<1x1x10x100xi32, #tpu.memory_space<hbm>>
    %dma_wait3A_126 = tpu.memref_squeeze %dma_wait3A_125 : memref<1x1x10x100xi32, #tpu.memory_space<hbm>> -> memref<10x100xi32, #tpu.memory_space<hbm>>
    tpu.wait_dma2 semaphore(%arg14 : memref<!tpu.dma_semaphore, #tpu.memory_space<semaphore_mem>>) src(%dma_wait3A_126 : memref<10x100xi32, #tpu.memory_space<hbm>>) dst(%dma_wait3A_122 : memref<10x100xi32, #tpu.memory_space<vmem>>)
    %dma_wait3A_127 = arith.constant 9 : i32
    %dma_wait3A_128 = arith.constant 1 : i32
    %dma_wait3A_129 = arith.constant 0 : i32
    %dma_wait3A_130 = arith.constant 0 : i32
    %dma_wait3A_131 = tpu.memref_slice %arg8[%dma_wait3A_128, %dma_wait3A_129, %dma_wait3A_130] : memref<2x10x100xi32, #tpu.memory_space<vmem>> -> memref<1x10x100xi32, #tpu.memory_space<vmem>>
    %dma_wait3A_132 = tpu.memref_squeeze %dma_wait3A_131 : memref<1x10x100xi32, #tpu.memory_space<vmem>> -> memref<10x100xi32, #tpu.memory_space<vmem>>
    %dma_wait3A_133 = arith.constant 0 : i32
    %dma_wait3A_134 = arith.constant 0 : i32
    %dma_wait3A_135 = tpu.memref_slice %arg4[%add3A, %dma_wait3A_127, %dma_wait3A_133, %dma_wait3A_134] : memref<32x10x10x100xi32, #tpu.memory_space<hbm>> -> memref<1x1x10x100xi32, #tpu.memory_space<hbm>>
    %dma_wait3A_136 = tpu.memref_squeeze %dma_wait3A_135 : memref<1x1x10x100xi32, #tpu.memory_space<hbm>> -> memref<10x100xi32, #tpu.memory_space<hbm>>
    %dma_wait3A_137 = arith.constant 0 : i32
    %dma_wait3A_138 = arith.constant 0 : i32
    %dma_wait3A_139 = tpu.memref_slice %arg8[%dma_wait3A_128, %dma_wait3A_137, %dma_wait3A_138] : memref<2x10x100xi32, #tpu.memory_space<vmem>> -> memref<1x10x100xi32, #tpu.memory_space<vmem>>
    %dma_wait3A_140 = tpu.memref_squeeze %dma_wait3A_139 : memref<1x10x100xi32, #tpu.memory_space<vmem>> -> memref<10x100xi32, #tpu.memory_space<vmem>>
    %dma_wait3A_141 = arith.constant 0 : i32
    %dma_wait3A_142 = arith.constant 0 : i32
    %dma_wait3A_143 = tpu.memref_slice %arg4[%add3A, %dma_wait3A_127, %dma_wait3A_141, %dma_wait3A_142] : memref<32x10x10x100xi32, #tpu.memory_space<hbm>> -> memref<1x1x10x100xi32, #tpu.memory_space<hbm>>
    %dma_wait3A_144 = tpu.memref_squeeze %dma_wait3A_143 : memref<1x1x10x100xi32, #tpu.memory_space<hbm>> -> memref<10x100xi32, #tpu.memory_space<hbm>>
    tpu.wait_dma2 semaphore(%arg14 : memref<!tpu.dma_semaphore, #tpu.memory_space<semaphore_mem>>) src(%dma_wait3A_144 : memref<10x100xi32, #tpu.memory_space<hbm>>) dst(%dma_wait3A_140 : memref<10x100xi32, #tpu.memory_space<vmem>>)
    %dma_start3A_145 = arith.constant 1 : i32
    %dma_start3A_146 = arith.constant 0 : i32
    %dma_start3A_147 = arith.constant 0 : i32
    %dma_start3A_148 = arith.constant 0 : i32
    %dma_start3A_149 = arith.constant 0 : i32
    %dma_start3A_150 = tpu.memref_slice %arg9[%dma_start3A_147, %dma_start3A_148, %dma_start3A_149] : memref<2x100x128xf32, #tpu.memory_space<vmem>> -> memref<1x100x128xf32, #tpu.memory_space<vmem>>
    %dma_start3A_151 = tpu.memref_squeeze %dma_start3A_150 : memref<1x100x128xf32, #tpu.memory_space<vmem>> -> memref<100x128xf32, #tpu.memory_space<vmem>>
    %dma_start3A_152 = arith.constant 0 : i32
    %dma_start3A_153 = tpu.memref_slice %arg7[%dma_start3A_145, %dma_start3A_146, %dma_start3A_152] : memref<2x10x100xi32, #tpu.memory_space<vmem>> -> memref<1x1x100xi32, #tpu.memory_space<vmem>>
    %dma_start3A_154 = tpu.memref_squeeze %dma_start3A_153 : memref<1x1x100xi32, #tpu.memory_space<vmem>> -> memref<100xi32, #tpu.memory_space<vmem>>
    %dma_start3A_155 = arith.constant 0 : i32
    %dma_start3A_156 = arith.constant 0 : i32
    %dma_start3A_157 = tpu.memref_slice %arg2[%dma_start3A_155, %dma_start3A_156] : memref<10000x128xf32, #tpu.memory_space<hbm>> -> memref<10000x128xf32, #tpu.memory_space<hbm>>
    tpu.enqueue_indirect_dma source(%dma_start3A_157 : memref<10000x128xf32, #tpu.memory_space<hbm>>) target(%dma_start3A_151 : memref<100x128xf32, #tpu.memory_space<vmem>>) offsets(%dma_start3A_154 : memref<100xi32, #tpu.memory_space<vmem>>) semaphore(%arg11 : memref<!tpu.dma_semaphore, #tpu.memory_space<semaphore_mem>>)
    %dma_start3A_158 = arith.constant 1 : i32
    %dma_start3A_159 = arith.constant 1 : i32
    %dma_start3A_160 = arith.constant 1 : i32
    %dma_start3A_161 = arith.constant 0 : i32
    %dma_start3A_162 = arith.constant 0 : i32
    %dma_start3A_163 = tpu.memref_slice %arg9[%dma_start3A_160, %dma_start3A_161, %dma_start3A_162] : memref<2x100x128xf32, #tpu.memory_space<vmem>> -> memref<1x100x128xf32, #tpu.memory_space<vmem>>
    %dma_start3A_164 = tpu.memref_squeeze %dma_start3A_163 : memref<1x100x128xf32, #tpu.memory_space<vmem>> -> memref<100x128xf32, #tpu.memory_space<vmem>>
    %dma_start3A_165 = arith.constant 0 : i32
    %dma_start3A_166 = tpu.memref_slice %arg7[%dma_start3A_158, %dma_start3A_159, %dma_start3A_165] : memref<2x10x100xi32, #tpu.memory_space<vmem>> -> memref<1x1x100xi32, #tpu.memory_space<vmem>>
    %dma_start3A_167 = tpu.memref_squeeze %dma_start3A_166 : memref<1x1x100xi32, #tpu.memory_space<vmem>> -> memref<100xi32, #tpu.memory_space<vmem>>
    %dma_start3A_168 = arith.constant 0 : i32
    %dma_start3A_169 = arith.constant 0 : i32
    %dma_start3A_170 = tpu.memref_slice %arg2[%dma_start3A_168, %dma_start3A_169] : memref<10000x128xf32, #tpu.memory_space<hbm>> -> memref<10000x128xf32, #tpu.memory_space<hbm>>
    tpu.enqueue_indirect_dma source(%dma_start3A_170 : memref<10000x128xf32, #tpu.memory_space<hbm>>) target(%dma_start3A_164 : memref<100x128xf32, #tpu.memory_space<vmem>>) offsets(%dma_start3A_167 : memref<100xi32, #tpu.memory_space<vmem>>) semaphore(%arg12 : memref<!tpu.dma_semaphore, #tpu.memory_space<semaphore_mem>>)
    %scan3A_171 = arith.constant 0 : i32
    %scan3A_172 = arith.constant 0 : i32
    %scan3A_173 = arith.constant 4 : i32
    %scan3A_174 = arith.addi %scan3A_172, %scan3A_173 : i32
    %scan3A_175 = arith.constant 1 : i32
    scf.for %scan3A_214 = %scan3A_172 to %scan3A_174 step %scan3A_175  : i32 {
      %mul3A_215 = arith.constant 2 : i32
      %mul3A_216 = arith.muli %mul3A_215, %scan3A_214 : i32
      %add3A_217 = arith.constant 0 : i32
      %add3A_218 = arith.addi %mul3A_216, %add3A_217 : i32
      %dma_wait3A_219 = arith.constant 1 : i32
      %dma_wait3A_220 = arith.constant 0 : i32
      %dma_wait3A_221 = arith.constant 0 : i32
      %dma_wait3A_222 = arith.constant 0 : i32
      %dma_wait3A_223 = tpu.memref_slice %arg9[%dma_wait3A_220, %dma_wait3A_221, %dma_wait3A_222] : memref<2x100x128xf32, #tpu.memory_space<vmem>> -> memref<1x100x128xf32, #tpu.memory_space<vmem>>
      %dma_wait3A_224 = tpu.memref_squeeze %dma_wait3A_223 : memref<1x100x128xf32, #tpu.memory_space<vmem>> -> memref<100x128xf32, #tpu.memory_space<vmem>>
      %dma_wait3A_225 = arith.constant 0 : i32
      %dma_wait3A_226 = tpu.memref_slice %arg7[%dma_wait3A_219, %add3A_218, %dma_wait3A_225] : memref<2x10x100xi32, #tpu.memory_space<vmem>> -> memref<1x1x100xi32, #tpu.memory_space<vmem>>
      %dma_wait3A_227 = tpu.memref_squeeze %dma_wait3A_226 : memref<1x1x100xi32, #tpu.memory_space<vmem>> -> memref<100xi32, #tpu.memory_space<vmem>>
      %dma_wait3A_228 = arith.constant 0 : i32
      %dma_wait3A_229 = arith.constant 0 : i32
      %dma_wait3A_230 = tpu.memref_slice %arg2[%dma_wait3A_228, %dma_wait3A_229] : memref<10000x128xf32, #tpu.memory_space<hbm>> -> memref<10000x128xf32, #tpu.memory_space<hbm>>
      tpu.wait_indirect_dma semaphore(%arg11 : memref<!tpu.dma_semaphore, #tpu.memory_space<semaphore_mem>>) src(%dma_wait3A_230 : memref<10000x128xf32, #tpu.memory_space<hbm>>) dst(%dma_wait3A_224 : memref<100x128xf32, #tpu.memory_space<vmem>>)
      %run_scoped3A_231 = arith.constant 0 : i32
      %run_scoped3A_232 = arith.constant 1 : i32
      "tpu.region"() ({
        %run_scoped3A_279 = tpu.sem_alloc : memref<!tpu.dma_semaphore, #tpu.memory_space<semaphore_mem>>
        %dma_start3A_280 = arith.constant 0 : i32
        %dma_start3A_281 = arith.constant 0 : i32
        %dma_start3A_282 = tpu.memref_slice %arg9[%run_scoped3A_231, %dma_start3A_280, %dma_start3A_281] : memref<2x100x128xf32, #tpu.memory_space<vmem>> -> memref<1x100x128xf32, #tpu.memory_space<vmem>>
        %dma_start3A_283 = tpu.memref_squeeze %dma_start3A_282 : memref<1x100x128xf32, #tpu.memory_space<vmem>> -> memref<100x128xf32, #tpu.memory_space<vmem>>
        %dma_start3A_284 = arith.constant 0 : i32
        %dma_start3A_285 = tpu.memref_slice %arg8[%run_scoped3A_232, %add3A_218, %dma_start3A_284] : memref<2x10x100xi32, #tpu.memory_space<vmem>> -> memref<1x1x100xi32, #tpu.memory_space<vmem>>
        %dma_start3A_286 = tpu.memref_squeeze %dma_start3A_285 : memref<1x1x100xi32, #tpu.memory_space<vmem>> -> memref<100xi32, #tpu.memory_space<vmem>>
        %dma_start3A_287 = arith.constant 0 : i32
        %dma_start3A_288 = arith.constant 0 : i32
        %dma_start3A_289 = tpu.memref_slice %arg10[%dma_start3A_287, %dma_start3A_288] : memref<10112x128xf32, #tpu.memory_space<vmem_shared>> -> memref<10112x128xf32, #tpu.memory_space<vmem_shared>>
        tpu.enqueue_indirect_dma source(%dma_start3A_283 : memref<100x128xf32, #tpu.memory_space<vmem>>) target(%dma_start3A_289 : memref<10112x128xf32, #tpu.memory_space<vmem_shared>>) offsets(%dma_start3A_286 : memref<100xi32, #tpu.memory_space<vmem>>) semaphore(%run_scoped3A_279 : memref<!tpu.dma_semaphore, #tpu.memory_space<semaphore_mem>>) {add = true}
        %dma_wait3A_290 = arith.constant 0 : i32
        %dma_wait3A_291 = arith.constant 0 : i32
        %dma_wait3A_292 = tpu.memref_slice %arg9[%run_scoped3A_231, %dma_wait3A_290, %dma_wait3A_291] : memref<2x100x128xf32, #tpu.memory_space<vmem>> -> memref<1x100x128xf32, #tpu.memory_space<vmem>>
        %dma_wait3A_293 = tpu.memref_squeeze %dma_wait3A_292 : memref<1x100x128xf32, #tpu.memory_space<vmem>> -> memref<100x128xf32, #tpu.memory_space<vmem>>
        %dma_wait3A_294 = arith.constant 0 : i32
        %dma_wait3A_295 = tpu.memref_slice %arg8[%run_scoped3A_232, %add3A_218, %dma_wait3A_294] : memref<2x10x100xi32, #tpu.memory_space<vmem>> -> memref<1x1x100xi32, #tpu.memory_space<vmem>>
        %dma_wait3A_296 = tpu.memref_squeeze %dma_wait3A_295 : memref<1x1x100xi32, #tpu.memory_space<vmem>> -> memref<100xi32, #tpu.memory_space<vmem>>
        %dma_wait3A_297 = arith.constant 0 : i32
        %dma_wait3A_298 = arith.constant 0 : i32
        %dma_wait3A_299 = tpu.memref_slice %arg10[%dma_wait3A_297, %dma_wait3A_298] : memref<10112x128xf32, #tpu.memory_space<vmem_shared>> -> memref<10112x128xf32, #tpu.memory_space<vmem_shared>>
        tpu.wait_indirect_dma semaphore(%run_scoped3A_279 : memref<!tpu.dma_semaphore, #tpu.memory_space<semaphore_mem>>) src(%dma_wait3A_293 : memref<100x128xf32, #tpu.memory_space<vmem>>) dst(%dma_wait3A_299 : memref<10112x128xf32, #tpu.memory_space<vmem_shared>>)
        tpu.yield
      }) : () -> ()
      %add3A_233 = arith.constant 2 : i32
      %add3A_234 = arith.addi %add3A_218, %add3A_233 : i32
      %dma_start3A_235 = arith.constant 1 : i32
      %dma_start3A_236 = arith.constant 0 : i32
      %dma_start3A_237 = arith.constant 0 : i32
      %dma_start3A_238 = arith.constant 0 : i32
      %dma_start3A_239 = tpu.memref_slice %arg9[%dma_start3A_236, %dma_start3A_237, %dma_start3A_238] : memref<2x100x128xf32, #tpu.memory_space<vmem>> -> memref<1x100x128xf32, #tpu.memory_space<vmem>>
      %dma_start3A_240 = tpu.memref_squeeze %dma_start3A_239 : memref<1x100x128xf32, #tpu.memory_space<vmem>> -> memref<100x128xf32, #tpu.memory_space<vmem>>
      %dma_start3A_241 = arith.constant 0 : i32
      %dma_start3A_242 = tpu.memref_slice %arg7[%dma_start3A_235, %add3A_234, %dma_start3A_241] : memref<2x10x100xi32, #tpu.memory_space<vmem>> -> memref<1x1x100xi32, #tpu.memory_space<vmem>>
      %dma_start3A_243 = tpu.memref_squeeze %dma_start3A_242 : memref<1x1x100xi32, #tpu.memory_space<vmem>> -> memref<100xi32, #tpu.memory_space<vmem>>
      %dma_start3A_244 = arith.constant 0 : i32
      %dma_start3A_245 = arith.constant 0 : i32
      %dma_start3A_246 = tpu.memref_slice %arg2[%dma_start3A_244, %dma_start3A_245] : memref<10000x128xf32, #tpu.memory_space<hbm>> -> memref<10000x128xf32, #tpu.memory_space<hbm>>
      tpu.enqueue_indirect_dma source(%dma_start3A_246 : memref<10000x128xf32, #tpu.memory_space<hbm>>) target(%dma_start3A_240 : memref<100x128xf32, #tpu.memory_space<vmem>>) offsets(%dma_start3A_243 : memref<100xi32, #tpu.memory_space<vmem>>) semaphore(%arg11 : memref<!tpu.dma_semaphore, #tpu.memory_space<semaphore_mem>>)
      %mul3A_247 = arith.constant 2 : i32
      %mul3A_248 = arith.muli %mul3A_247, %scan3A_214 : i32
      %add3A_249 = arith.constant 1 : i32
      %add3A_250 = arith.addi %mul3A_248, %add3A_249 : i32
      %dma_wait3A_251 = arith.constant 1 : i32
      %dma_wait3A_252 = arith.constant 1 : i32
      %dma_wait3A_253 = arith.constant 0 : i32
      %dma_wait3A_254 = arith.constant 0 : i32
      %dma_wait3A_255 = tpu.memref_slice %arg9[%dma_wait3A_252, %dma_wait3A_253, %dma_wait3A_254] : memref<2x100x128xf32, #tpu.memory_space<vmem>> -> memref<1x100x128xf32, #tpu.memory_space<vmem>>
      %dma_wait3A_256 = tpu.memref_squeeze %dma_wait3A_255 : memref<1x100x128xf32, #tpu.memory_space<vmem>> -> memref<100x128xf32, #tpu.memory_space<vmem>>
      %dma_wait3A_257 = arith.constant 0 : i32
      %dma_wait3A_258 = tpu.memref_slice %arg7[%dma_wait3A_251, %add3A_250, %dma_wait3A_257] : memref<2x10x100xi32, #tpu.memory_space<vmem>> -> memref<1x1x100xi32, #tpu.memory_space<vmem>>
      %dma_wait3A_259 = tpu.memref_squeeze %dma_wait3A_258 : memref<1x1x100xi32, #tpu.memory_space<vmem>> -> memref<100xi32, #tpu.memory_space<vmem>>
      %dma_wait3A_260 = arith.constant 0 : i32
      %dma_wait3A_261 = arith.constant 0 : i32
      %dma_wait3A_262 = tpu.memref_slice %arg2[%dma_wait3A_260, %dma_wait3A_261] : memref<10000x128xf32, #tpu.memory_space<hbm>> -> memref<10000x128xf32, #tpu.memory_space<hbm>>
      tpu.wait_indirect_dma semaphore(%arg12 : memref<!tpu.dma_semaphore, #tpu.memory_space<semaphore_mem>>) src(%dma_wait3A_262 : memref<10000x128xf32, #tpu.memory_space<hbm>>) dst(%dma_wait3A_256 : memref<100x128xf32, #tpu.memory_space<vmem>>)
      %run_scoped3A_263 = arith.constant 1 : i32
      %run_scoped3A_264 = arith.constant 1 : i32
      "tpu.region"() ({
        %run_scoped3A_279 = tpu.sem_alloc : memref<!tpu.dma_semaphore, #tpu.memory_space<semaphore_mem>>
        %dma_start3A_280 = arith.constant 0 : i32
        %dma_start3A_281 = arith.constant 0 : i32
        %dma_start3A_282 = tpu.memref_slice %arg9[%run_scoped3A_263, %dma_start3A_280, %dma_start3A_281] : memref<2x100x128xf32, #tpu.memory_space<vmem>> -> memref<1x100x128xf32, #tpu.memory_space<vmem>>
        %dma_start3A_283 = tpu.memref_squeeze %dma_start3A_282 : memref<1x100x128xf32, #tpu.memory_space<vmem>> -> memref<100x128xf32, #tpu.memory_space<vmem>>
        %dma_start3A_284 = arith.constant 0 : i32
        %dma_start3A_285 = tpu.memref_slice %arg8[%run_scoped3A_264, %add3A_250, %dma_start3A_284] : memref<2x10x100xi32, #tpu.memory_space<vmem>> -> memref<1x1x100xi32, #tpu.memory_space<vmem>>
        %dma_start3A_286 = tpu.memref_squeeze %dma_start3A_285 : memref<1x1x100xi32, #tpu.memory_space<vmem>> -> memref<100xi32, #tpu.memory_space<vmem>>
        %dma_start3A_287 = arith.constant 0 : i32
        %dma_start3A_288 = arith.constant 0 : i32
        %dma_start3A_289 = tpu.memref_slice %arg10[%dma_start3A_287, %dma_start3A_288] : memref<10112x128xf32, #tpu.memory_space<vmem_shared>> -> memref<10112x128xf32, #tpu.memory_space<vmem_shared>>
        tpu.enqueue_indirect_dma source(%dma_start3A_283 : memref<100x128xf32, #tpu.memory_space<vmem>>) target(%dma_start3A_289 : memref<10112x128xf32, #tpu.memory_space<vmem_shared>>) offsets(%dma_start3A_286 : memref<100xi32, #tpu.memory_space<vmem>>) semaphore(%run_scoped3A_279 : memref<!tpu.dma_semaphore, #tpu.memory_space<semaphore_mem>>) {add = true}
        %dma_wait3A_290 = arith.constant 0 : i32
        %dma_wait3A_291 = arith.constant 0 : i32
        %dma_wait3A_292 = tpu.memref_slice %arg9[%run_scoped3A_263, %dma_wait3A_290, %dma_wait3A_291] : memref<2x100x128xf32, #tpu.memory_space<vmem>> -> memref<1x100x128xf32, #tpu.memory_space<vmem>>
        %dma_wait3A_293 = tpu.memref_squeeze %dma_wait3A_292 : memref<1x100x128xf32, #tpu.memory_space<vmem>> -> memref<100x128xf32, #tpu.memory_space<vmem>>
        %dma_wait3A_294 = arith.constant 0 : i32
        %dma_wait3A_295 = tpu.memref_slice %arg8[%run_scoped3A_264, %add3A_250, %dma_wait3A_294] : memref<2x10x100xi32, #tpu.memory_space<vmem>> -> memref<1x1x100xi32, #tpu.memory_space<vmem>>
        %dma_wait3A_296 = tpu.memref_squeeze %dma_wait3A_295 : memref<1x1x100xi32, #tpu.memory_space<vmem>> -> memref<100xi32, #tpu.memory_space<vmem>>
        %dma_wait3A_297 = arith.constant 0 : i32
        %dma_wait3A_298 = arith.constant 0 : i32
        %dma_wait3A_299 = tpu.memref_slice %arg10[%dma_wait3A_297, %dma_wait3A_298] : memref<10112x128xf32, #tpu.memory_space<vmem_shared>> -> memref<10112x128xf32, #tpu.memory_space<vmem_shared>>
        tpu.wait_indirect_dma semaphore(%run_scoped3A_279 : memref<!tpu.dma_semaphore, #tpu.memory_space<semaphore_mem>>) src(%dma_wait3A_293 : memref<100x128xf32, #tpu.memory_space<vmem>>) dst(%dma_wait3A_299 : memref<10112x128xf32, #tpu.memory_space<vmem_shared>>)
        tpu.yield
      }) : () -> ()
      %add3A_265 = arith.constant 2 : i32
      %add3A_266 = arith.addi %add3A_250, %add3A_265 : i32
      %dma_start3A_267 = arith.constant 1 : i32
      %dma_start3A_268 = arith.constant 1 : i32
      %dma_start3A_269 = arith.constant 0 : i32
      %dma_start3A_270 = arith.constant 0 : i32
      %dma_start3A_271 = tpu.memref_slice %arg9[%dma_start3A_268, %dma_start3A_269, %dma_start3A_270] : memref<2x100x128xf32, #tpu.memory_space<vmem>> -> memref<1x100x128xf32, #tpu.memory_space<vmem>>
      %dma_start3A_272 = tpu.memref_squeeze %dma_start3A_271 : memref<1x100x128xf32, #tpu.memory_space<vmem>> -> memref<100x128xf32, #tpu.memory_space<vmem>>
      %dma_start3A_273 = arith.constant 0 : i32
      %dma_start3A_274 = tpu.memref_slice %arg7[%dma_start3A_267, %add3A_266, %dma_start3A_273] : memref<2x10x100xi32, #tpu.memory_space<vmem>> -> memref<1x1x100xi32, #tpu.memory_space<vmem>>
      %dma_start3A_275 = tpu.memref_squeeze %dma_start3A_274 : memref<1x1x100xi32, #tpu.memory_space<vmem>> -> memref<100xi32, #tpu.memory_space<vmem>>
      %dma_start3A_276 = arith.constant 0 : i32
      %dma_start3A_277 = arith.constant 0 : i32
      %dma_start3A_278 = tpu.memref_slice %arg2[%dma_start3A_276, %dma_start3A_277] : memref<10000x128xf32, #tpu.memory_space<hbm>> -> memref<10000x128xf32, #tpu.memory_space<hbm>>
      tpu.enqueue_indirect_dma source(%dma_start3A_278 : memref<10000x128xf32, #tpu.memory_space<hbm>>) target(%dma_start3A_272 : memref<100x128xf32, #tpu.memory_space<vmem>>) offsets(%dma_start3A_275 : memref<100xi32, #tpu.memory_space<vmem>>) semaphore(%arg12 : memref<!tpu.dma_semaphore, #tpu.memory_space<semaphore_mem>>)
    }
    %scan3A_176 = arith.constant 4 : i32
    %dma_wait3A_177 = arith.constant 1 : i32
    %dma_wait3A_178 = arith.constant 8 : i32
    %dma_wait3A_179 = arith.constant 0 : i32
    %dma_wait3A_180 = arith.constant 0 : i32
    %dma_wait3A_181 = arith.constant 0 : i32
    %dma_wait3A_182 = tpu.memref_slice %arg9[%dma_wait3A_179, %dma_wait3A_180, %dma_wait3A_181] : memref<2x100x128xf32, #tpu.memory_space<vmem>> -> memref<1x100x128xf32, #tpu.memory_space<vmem>>
    %dma_wait3A_183 = tpu.memref_squeeze %dma_wait3A_182 : memref<1x100x128xf32, #tpu.memory_space<vmem>> -> memref<100x128xf32, #tpu.memory_space<vmem>>
    %dma_wait3A_184 = arith.constant 0 : i32
    %dma_wait3A_185 = tpu.memref_slice %arg7[%dma_wait3A_177, %dma_wait3A_178, %dma_wait3A_184] : memref<2x10x100xi32, #tpu.memory_space<vmem>> -> memref<1x1x100xi32, #tpu.memory_space<vmem>>
    %dma_wait3A_186 = tpu.memref_squeeze %dma_wait3A_185 : memref<1x1x100xi32, #tpu.memory_space<vmem>> -> memref<100xi32, #tpu.memory_space<vmem>>
    %dma_wait3A_187 = arith.constant 0 : i32
    %dma_wait3A_188 = arith.constant 0 : i32
    %dma_wait3A_189 = tpu.memref_slice %arg2[%dma_wait3A_187, %dma_wait3A_188] : memref<10000x128xf32, #tpu.memory_space<hbm>> -> memref<10000x128xf32, #tpu.memory_space<hbm>>
    tpu.wait_indirect_dma semaphore(%arg11 : memref<!tpu.dma_semaphore, #tpu.memory_space<semaphore_mem>>) src(%dma_wait3A_189 : memref<10000x128xf32, #tpu.memory_space<hbm>>) dst(%dma_wait3A_183 : memref<100x128xf32, #tpu.memory_space<vmem>>)
    %run_scoped3A_190 = arith.constant 0 : i32
    %run_scoped3A_191 = arith.constant 1 : i32
    %run_scoped3A_192 = arith.constant 8 : i32
    "tpu.region"() ({
      %run_scoped3A_214 = tpu.sem_alloc : memref<!tpu.dma_semaphore, #tpu.memory_space<semaphore_mem>>
      %dma_start3A_215 = arith.constant 0 : i32
      %dma_start3A_216 = arith.constant 0 : i32
      %dma_start3A_217 = tpu.memref_slice %arg9[%run_scoped3A_190, %dma_start3A_215, %dma_start3A_216] : memref<2x100x128xf32, #tpu.memory_space<vmem>> -> memref<1x100x128xf32, #tpu.memory_space<vmem>>
      %dma_start3A_218 = tpu.memref_squeeze %dma_start3A_217 : memref<1x100x128xf32, #tpu.memory_space<vmem>> -> memref<100x128xf32, #tpu.memory_space<vmem>>
      %dma_start3A_219 = arith.constant 0 : i32
      %dma_start3A_220 = tpu.memref_slice %arg8[%run_scoped3A_191, %run_scoped3A_192, %dma_start3A_219] : memref<2x10x100xi32, #tpu.memory_space<vmem>> -> memref<1x1x100xi32, #tpu.memory_space<vmem>>
      %dma_start3A_221 = tpu.memref_squeeze %dma_start3A_220 : memref<1x1x100xi32, #tpu.memory_space<vmem>> -> memref<100xi32, #tpu.memory_space<vmem>>
      %dma_start3A_222 = arith.constant 0 : i32
      %dma_start3A_223 = arith.constant 0 : i32
      %dma_start3A_224 = tpu.memref_slice %arg10[%dma_start3A_222, %dma_start3A_223] : memref<10112x128xf32, #tpu.memory_space<vmem_shared>> -> memref<10112x128xf32, #tpu.memory_space<vmem_shared>>
      tpu.enqueue_indirect_dma source(%dma_start3A_218 : memref<100x128xf32, #tpu.memory_space<vmem>>) target(%dma_start3A_224 : memref<10112x128xf32, #tpu.memory_space<vmem_shared>>) offsets(%dma_start3A_221 : memref<100xi32, #tpu.memory_space<vmem>>) semaphore(%run_scoped3A_214 : memref<!tpu.dma_semaphore, #tpu.memory_space<semaphore_mem>>) {add = true}
      %dma_wait3A_225 = arith.constant 0 : i32
      %dma_wait3A_226 = arith.constant 0 : i32
      %dma_wait3A_227 = tpu.memref_slice %arg9[%run_scoped3A_190, %dma_wait3A_225, %dma_wait3A_226] : memref<2x100x128xf32, #tpu.memory_space<vmem>> -> memref<1x100x128xf32, #tpu.memory_space<vmem>>
      %dma_wait3A_228 = tpu.memref_squeeze %dma_wait3A_227 : memref<1x100x128xf32, #tpu.memory_space<vmem>> -> memref<100x128xf32, #tpu.memory_space<vmem>>
      %dma_wait3A_229 = arith.constant 0 : i32
      %dma_wait3A_230 = tpu.memref_slice %arg8[%run_scoped3A_191, %run_scoped3A_192, %dma_wait3A_229] : memref<2x10x100xi32, #tpu.memory_space<vmem>> -> memref<1x1x100xi32, #tpu.memory_space<vmem>>
      %dma_wait3A_231 = tpu.memref_squeeze %dma_wait3A_230 : memref<1x1x100xi32, #tpu.memory_space<vmem>> -> memref<100xi32, #tpu.memory_space<vmem>>
      %dma_wait3A_232 = arith.constant 0 : i32
      %dma_wait3A_233 = arith.constant 0 : i32
      %dma_wait3A_234 = tpu.memref_slice %arg10[%dma_wait3A_232, %dma_wait3A_233] : memref<10112x128xf32, #tpu.memory_space<vmem_shared>> -> memref<10112x128xf32, #tpu.memory_space<vmem_shared>>
      tpu.wait_indirect_dma semaphore(%run_scoped3A_214 : memref<!tpu.dma_semaphore, #tpu.memory_space<semaphore_mem>>) src(%dma_wait3A_228 : memref<100x128xf32, #tpu.memory_space<vmem>>) dst(%dma_wait3A_234 : memref<10112x128xf32, #tpu.memory_space<vmem_shared>>)
      tpu.yield
    }) : () -> ()
    %dma_wait3A_193 = arith.constant 1 : i32
    %dma_wait3A_194 = arith.constant 9 : i32
    %dma_wait3A_195 = arith.constant 1 : i32
    %dma_wait3A_196 = arith.constant 0 : i32
    %dma_wait3A_197 = arith.constant 0 : i32
    %dma_wait3A_198 = tpu.memref_slice %arg9[%dma_wait3A_195, %dma_wait3A_196, %dma_wait3A_197] : memref<2x100x128xf32, #tpu.memory_space<vmem>> -> memref<1x100x128xf32, #tpu.memory_space<vmem>>
    %dma_wait3A_199 = tpu.memref_squeeze %dma_wait3A_198 : memref<1x100x128xf32, #tpu.memory_space<vmem>> -> memref<100x128xf32, #tpu.memory_space<vmem>>
    %dma_wait3A_200 = arith.constant 0 : i32
    %dma_wait3A_201 = tpu.memref_slice %arg7[%dma_wait3A_193, %dma_wait3A_194, %dma_wait3A_200] : memref<2x10x100xi32, #tpu.memory_space<vmem>> -> memref<1x1x100xi32, #tpu.memory_space<vmem>>
    %dma_wait3A_202 = tpu.memref_squeeze %dma_wait3A_201 : memref<1x1x100xi32, #tpu.memory_space<vmem>> -> memref<100xi32, #tpu.memory_space<vmem>>
    %dma_wait3A_203 = arith.constant 0 : i32
    %dma_wait3A_204 = arith.constant 0 : i32
    %dma_wait3A_205 = tpu.memref_slice %arg2[%dma_wait3A_203, %dma_wait3A_204] : memref<10000x128xf32, #tpu.memory_space<hbm>> -> memref<10000x128xf32, #tpu.memory_space<hbm>>
    tpu.wait_indirect_dma semaphore(%arg12 : memref<!tpu.dma_semaphore, #tpu.memory_space<semaphore_mem>>) src(%dma_wait3A_205 : memref<10000x128xf32, #tpu.memory_space<hbm>>) dst(%dma_wait3A_199 : memref<100x128xf32, #tpu.memory_space<vmem>>)
    %run_scoped3A_206 = arith.constant 1 : i32
    %run_scoped3A_207 = arith.constant 1 : i32
    %run_scoped3A_208 = arith.constant 9 : i32
    "tpu.region"() ({
      %run_scoped3A_214 = tpu.sem_alloc : memref<!tpu.dma_semaphore, #tpu.memory_space<semaphore_mem>>
      %dma_start3A_215 = arith.constant 0 : i32
      %dma_start3A_216 = arith.constant 0 : i32
      %dma_start3A_217 = tpu.memref_slice %arg9[%run_scoped3A_206, %dma_start3A_215, %dma_start3A_216] : memref<2x100x128xf32, #tpu.memory_space<vmem>> -> memref<1x100x128xf32, #tpu.memory_space<vmem>>
      %dma_start3A_218 = tpu.memref_squeeze %dma_start3A_217 : memref<1x100x128xf32, #tpu.memory_space<vmem>> -> memref<100x128xf32, #tpu.memory_space<vmem>>
      %dma_start3A_219 = arith.constant 0 : i32
      %dma_start3A_220 = tpu.memref_slice %arg8[%run_scoped3A_207, %run_scoped3A_208, %dma_start3A_219] : memref<2x10x100xi32, #tpu.memory_space<vmem>> -> memref<1x1x100xi32, #tpu.memory_space<vmem>>
      %dma_start3A_221 = tpu.memref_squeeze %dma_start3A_220 : memref<1x1x100xi32, #tpu.memory_space<vmem>> -> memref<100xi32, #tpu.memory_space<vmem>>
      %dma_start3A_222 = arith.constant 0 : i32
      %dma_start3A_223 = arith.constant 0 : i32
      %dma_start3A_224 = tpu.memref_slice %arg10[%dma_start3A_222, %dma_start3A_223] : memref<10112x128xf32, #tpu.memory_space<vmem_shared>> -> memref<10112x128xf32, #tpu.memory_space<vmem_shared>>
      tpu.enqueue_indirect_dma source(%dma_start3A_218 : memref<100x128xf32, #tpu.memory_space<vmem>>) target(%dma_start3A_224 : memref<10112x128xf32, #tpu.memory_space<vmem_shared>>) offsets(%dma_start3A_221 : memref<100xi32, #tpu.memory_space<vmem>>) semaphore(%run_scoped3A_214 : memref<!tpu.dma_semaphore, #tpu.memory_space<semaphore_mem>>) {add = true}
      %dma_wait3A_225 = arith.constant 0 : i32
      %dma_wait3A_226 = arith.constant 0 : i32
      %dma_wait3A_227 = tpu.memref_slice %arg9[%run_scoped3A_206, %dma_wait3A_225, %dma_wait3A_226] : memref<2x100x128xf32, #tpu.memory_space<vmem>> -> memref<1x100x128xf32, #tpu.memory_space<vmem>>
      %dma_wait3A_228 = tpu.memref_squeeze %dma_wait3A_227 : memref<1x100x128xf32, #tpu.memory_space<vmem>> -> memref<100x128xf32, #tpu.memory_space<vmem>>
      %dma_wait3A_229 = arith.constant 0 : i32
      %dma_wait3A_230 = tpu.memref_slice %arg8[%run_scoped3A_207, %run_scoped3A_208, %dma_wait3A_229] : memref<2x10x100xi32, #tpu.memory_space<vmem>> -> memref<1x1x100xi32, #tpu.memory_space<vmem>>
      %dma_wait3A_231 = tpu.memref_squeeze %dma_wait3A_230 : memref<1x1x100xi32, #tpu.memory_space<vmem>> -> memref<100xi32, #tpu.memory_space<vmem>>
      %dma_wait3A_232 = arith.constant 0 : i32
      %dma_wait3A_233 = arith.constant 0 : i32
      %dma_wait3A_234 = tpu.memref_slice %arg10[%dma_wait3A_232, %dma_wait3A_233] : memref<10112x128xf32, #tpu.memory_space<vmem_shared>> -> memref<10112x128xf32, #tpu.memory_space<vmem_shared>>
      tpu.wait_indirect_dma semaphore(%run_scoped3A_214 : memref<!tpu.dma_semaphore, #tpu.memory_space<semaphore_mem>>) src(%dma_wait3A_228 : memref<100x128xf32, #tpu.memory_space<vmem>>) dst(%dma_wait3A_234 : memref<10112x128xf32, #tpu.memory_space<vmem_shared>>)
      tpu.yield
    }) : () -> ()
    %barrier3A_209 = arith.constant 0 : index
    tpu.barrier barrier_id(%barrier3A_209)
    %mul3A_210 = arith.constant 632 : i32
    %mul3A_211 = arith.muli %arg1, %mul3A_210 : i32
    %mul3A_212 = arith.constant 632 : i32
    %mul3A_213 = arith.muli %arg1, %mul3A_212 : i32
    "tpu.region"() ({
      %run_scoped3A_214 = tpu.sem_alloc : memref<!tpu.dma_semaphore, #tpu.memory_space<semaphore_mem>>
      %dma_start3A_215 = arith.constant 0 : i32
      %dma_start3A_216 = tpu.memref_slice %arg6[%arg0, %mul3A_213, %dma_start3A_215] : memref<2x10112x128xf32, #tpu.memory_space<hbm>> -> memref<1x632x128xf32, #tpu.memory_space<hbm>>
      %dma_start3A_217 = tpu.memref_squeeze %dma_start3A_216 : memref<1x632x128xf32, #tpu.memory_space<hbm>> -> memref<632x128xf32, #tpu.memory_space<hbm>>
      %dma_start3A_218 = arith.constant 0 : i32
      %dma_start3A_219 = tpu.memref_slice %arg10[%mul3A_211, %dma_start3A_218] : memref<10112x128xf32, #tpu.memory_space<vmem_shared>> -> memref<632x128xf32, #tpu.memory_space<vmem_shared>>
      tpu.enqueue_dma source(%dma_start3A_219 : memref<632x128xf32, #tpu.memory_space<vmem_shared>>) target(%dma_start3A_217 : memref<632x128xf32, #tpu.memory_space<hbm>>) target_semaphore(%run_scoped3A_214 : memref<!tpu.dma_semaphore, #tpu.memory_space<semaphore_mem>>)
      %dma_wait3A_220 = arith.constant 0 : i32
      %dma_wait3A_221 = tpu.memref_slice %arg6[%arg0, %mul3A_213, %dma_wait3A_220] : memref<2x10112x128xf32, #tpu.memory_space<hbm>> -> memref<1x632x128xf32, #tpu.memory_space<hbm>>
      %dma_wait3A_222 = tpu.memref_squeeze %dma_wait3A_221 : memref<1x632x128xf32, #tpu.memory_space<hbm>> -> memref<632x128xf32, #tpu.memory_space<hbm>>
      %dma_wait3A_223 = arith.constant 0 : i32
      %dma_wait3A_224 = tpu.memref_slice %arg10[%mul3A_211, %dma_wait3A_223] : memref<10112x128xf32, #tpu.memory_space<vmem_shared>> -> memref<632x128xf32, #tpu.memory_space<vmem_shared>>
      tpu.wait_dma2 semaphore(%run_scoped3A_214 : memref<!tpu.dma_semaphore, #tpu.memory_space<semaphore_mem>>) src(%dma_wait3A_224 : memref<632x128xf32, #tpu.memory_space<vmem_shared>>) dst(%dma_wait3A_222 : memref<632x128xf32, #tpu.memory_space<hbm>>)
      tpu.yield
    }) : () -> ()
    return
  }
}

module attributes {stable_mosaic.version = 14 : i64} {
  func.func @_tc_finish_body(%arg0: i32, %arg1: memref<2x5000x128xf32, #tpu.memory_space<vmem>>, %arg2: memref<5000x128xf32, #tpu.memory_space<vmem>>, %arg3: memref<128x128xf32, #tpu.memory_space<vmem>>, %arg4: memref<1x128xf32, #tpu.memory_space<vmem>>, %arg5: memref<128x128xf32, #tpu.memory_space<vmem>>, %arg6: memref<5000x128xf32, #tpu.memory_space<vmem>>) attributes {dimension_semantics = [#tpu.dimension_semantics<arbitrary>], iteration_bounds = array<i64: 2>, scalar_prefetch = 0 : i64, scratch_operands = 0 : i64, tpu.core_type = #tpu.core_type<tc>, window_params = [{transform_indices = @transform_0, window_bounds = array<i64: 2, 5000, 128>}, {transform_indices = @transform_1, window_bounds = array<i64: 5000, 128>}, {pipeline_mode = #tpu.pipeline_mode<synchronous>, transform_indices = @transform_2, window_bounds = array<i64: 128, 128>}, {pipeline_mode = #tpu.pipeline_mode<synchronous>, transform_indices = @transform_3, window_bounds = array<i64: 1, 128>}, {pipeline_mode = #tpu.pipeline_mode<synchronous>, transform_indices = @transform_4, window_bounds = array<i64: 128, 128>}, {transform_indices = @transform_5, window_bounds = array<i64: 5000, 128>}]} {
    %get3A = arith.constant 0 : index
    %get3A_0 = arith.constant 0 : index
    %get3A_1 = arith.constant 0 : index
    %get3A_2 = vector.load %arg1[%get3A, %get3A_0, %get3A_1] : memref<2x5000x128xf32, #tpu.memory_space<vmem>>, vector<1x5000x128xf32>
    %get3A_3 = vector.shape_cast %get3A_2 : vector<1x5000x128xf32> to vector<5000x128xf32>
    %get3A_4 = arith.constant 1 : index
    %get3A_5 = arith.constant 0 : index
    %get3A_6 = arith.constant 0 : index
    %get3A_7 = vector.load %arg1[%get3A_4, %get3A_5, %get3A_6] : memref<2x5000x128xf32, #tpu.memory_space<vmem>>, vector<1x5000x128xf32>
    %get3A_8 = vector.shape_cast %get3A_7 : vector<1x5000x128xf32> to vector<5000x128xf32>
    %add3A = arith.addf %get3A_3, %get3A_8 : vector<5000x128xf32>
    %get3A_9 = arith.constant 0 : index
    %get3A_10 = arith.constant 0 : index
    %get3A_11 = vector.load %arg5[%get3A_9, %get3A_10] : memref<128x128xf32, #tpu.memory_space<vmem>>, vector<128x128xf32>
    %dot_general3A = arith.constant dense<0.000000e+00> : vector<5000x128xf32>
    %dot_general3A_12 = tpu.matmul %add3A, %get3A_11, %dot_general3A {dimension_numbers = #tpu.dot_dimension_numbers<[1], [1], [0], [0], [0, 0, 1, 0], [], []>, transpose_lhs_hint = false} : vector<5000x128xf32>, vector<128x128xf32>, vector<5000x128xf32> -> vector<5000x128xf32>
    %get3A_13 = arith.constant 0 : index
    %get3A_14 = arith.constant 0 : index
    %get3A_15 = vector.load %arg2[%get3A_13, %get3A_14] : memref<5000x128xf32, #tpu.memory_space<vmem>>, vector<5000x128xf32>
    %get3A_16 = arith.constant 0 : index
    %get3A_17 = arith.constant 0 : index
    %get3A_18 = vector.load %arg3[%get3A_16, %get3A_17] : memref<128x128xf32, #tpu.memory_space<vmem>>, vector<128x128xf32>
    %dot_general3A_19 = arith.constant dense<0.000000e+00> : vector<5000x128xf32>
    %dot_general3A_20 = tpu.matmul %get3A_15, %get3A_18, %dot_general3A_19 {dimension_numbers = #tpu.dot_dimension_numbers<[1], [1], [0], [0], [0, 0, 1, 0], [], []>, transpose_lhs_hint = false} : vector<5000x128xf32>, vector<128x128xf32>, vector<5000x128xf32> -> vector<5000x128xf32>
    %add3A_21 = arith.addf %dot_general3A_12, %dot_general3A_20 : vector<5000x128xf32>
    %get3A_22 = arith.constant 0 : index
    %get3A_23 = arith.constant 0 : index
    %get3A_24 = vector.load %arg4[%get3A_22, %get3A_23] : memref<1x128xf32, #tpu.memory_space<vmem>>, vector<1x128xf32>
    %add3A_25 = vector.broadcast %get3A_24 : vector<1x128xf32> to vector<5000x128xf32>
    %add3A_26 = arith.addf %add3A_21, %add3A_25 : vector<5000x128xf32>
    %max3A = arith.constant 0.000000e+00 : f32
    %max3A_27 = vector.broadcast %max3A : f32 to vector<5000x128xf32>
    %max3A_28 = arith.maximumf %add3A_26, %max3A_27 : vector<5000x128xf32>
    %swap3A = arith.constant 0 : index
    %swap3A_29 = arith.constant 0 : index
    %swap3A_30 = vector.load %arg6[%swap3A, %swap3A_29] : memref<5000x128xf32, #tpu.memory_space<vmem>>, vector<5000x128xf32>
    tpu.vector_store %arg6[%swap3A, %swap3A_29], %max3A_28 {strides = array<i32>} : memref<5000x128xf32, #tpu.memory_space<vmem>>, vector<5000x128xf32>,
    return
  }
  func.func @transform_0(%arg0: i32) -> (i32, i32, i32) {
    %c0_i32 = arith.constant 0 : i32
    %c0_i32_0 = arith.constant 0 : i32
    %c0_i32_1 = arith.constant 0 : i32
    return %c0_i32, %arg0, %c0_i32_0 : i32, i32, i32
  }
  func.func @transform_1(%arg0: i32) -> (i32, i32) {
    %c0_i32 = arith.constant 0 : i32
    %c0_i32_0 = arith.constant 0 : i32
    return %arg0, %c0_i32 : i32, i32
  }
  func.func @transform_2(%arg0: i32) -> (i32, i32) {
    %c0_i32 = arith.constant 0 : i32
    %c0_i32_0 = arith.constant 0 : i32
    %c0_i32_1 = arith.constant 0 : i32
    return %c0_i32, %c0_i32_0 : i32, i32
  }
  func.func @transform_3(%arg0: i32) -> (i32, i32) {
    %c0_i32 = arith.constant 0 : i32
    %c0_i32_0 = arith.constant 0 : i32
    %c0_i32_1 = arith.constant 0 : i32
    return %c0_i32, %c0_i32_0 : i32, i32
  }
  func.func @transform_4(%arg0: i32) -> (i32, i32) {
    %c0_i32 = arith.constant 0 : i32
    %c0_i32_0 = arith.constant 0 : i32
    %c0_i32_1 = arith.constant 0 : i32
    return %c0_i32, %c0_i32_0 : i32, i32
  }
  func.func @transform_5(%arg0: i32) -> (i32, i32) {
    %c0_i32 = arith.constant 0 : i32
    %c0_i32_0 = arith.constant 0 : i32
    return %arg0, %c0_i32 : i32, i32
  }
}

</mosaic_0001>

<sc_bundles>
// kernel: kernel.4.cloned.1.call-start
scs
__scs_entry_jumppad:
0x0: {  	(pc) =	sbr.rel $0x88, $3  }
0x1: {  	(tag) =	ssettag $0x0;
	lr =	simm.s32 $0x1  }
0x2: {  	[smem:$0x3F9B] =	sst lr;
	_ =	strace $0xD0000000  }
0x3: {  	_ = 	snop  }
0x4: {  	_ = 	snop  }
0x5: {  	_ = 	snop  }
0x6: {  	_ = 	snop  }
0x7: {  	_ = 	snop  }
__scs_overlays_trampoline_lowered:
0x8: {  	[smem:$0x3FAA] =	sst s0  }
0x9: {  	[smem:$0x3FAB] =	sst s1  }
0xa: {  	[smem:$0x3FAC] =	sst s2  }
0xb: {  	[smem:$0x3FAD] =	sst s3  }
0xc: {  	[smem:$0x3FAE] =	sst s4  }
0xd: {  	[smem:$0x3FAF] =	sst s5  }
0xe: {  	[smem:$0x3FB0] =	sst s6  }
0xf: {  	[smem:$0x3FB1] =	sst s7  }
0x10: {  	[smem:$0x3FB2] =	sst s8  }
0x11: {  	[smem:$0x3FB3] =	sst s9;
	s0 =	simm.s32 @!p0 $0x0  }
0x12: {  	s1 =	sld [smem:$0x3F99];
	s0 =	simm.s32 @p0 $0x1  }
0x13: {  	[smem:$0x3FB4] =	sst s0;
	s0 =	simm.s32 @!p1 $0x0  }
0x14: {  	s2 =	sld [smem:$0x3F98];
	s0 =	simm.s32 @p1 $0x1  }
0x15: {  	[smem:$0x3FB5] =	sst s0;
	s0 =	simm.s32 @!p2 $0x0  }
0x16: {  	s3 =	sld [smem:$0x3FDB];
	s0 =	simm.s32 @p2 $0x1  }
0x17: {  	s4 =	simm.s32 $0x1BF5;
	[smem:$0x3FB7] =	sst s0  }
0x18: {  	s0 =	sld [smem:$0x3F9A];
	_ =	swait.ge [sflag:s4], $0x0  }
0x19: {  	s7 =	sld [smem:$0x3F9B]  }
0x1a: {  	s8 =	sadd.s32 $0xFFFFE003, lr  }
0x1b: {  	s9 =	sadd.s32 $0xFFFFFEF7, lr;
	s5 =	simm.s32 $0xFFFFFFFF;
	p2 =	slt.u32 s8, $0xFFFFF086  }
0x1c: {  	p1 =	slt.u32 s9, $0xF7A;
	s5 =	simm.s32 @!p2 $0x0  }
0x1d: {  	s5 =	simm.s32 @p1 $0x1;
	p0 =	seq.s32 s7, s2  }
0x1e: {  	s7 =	smul.u32 @!p0 $0xF7A, s2;
	p2 =	seq.s32 @!p0 s5, $0x0  }
0x1f: {  	s9 =	smul.u32 $0xF7A, s1;
	s8 =	simm.s32 @!p0 $0x1BF5;
	p2 =	por !p2, p0  }
0x20: {  	[sflag:s8] =	ssyncset.s32 @!p0 $0xFFFFF086;
	s6 =	sadd.s32 @!p0 s3, s7;
	s7 =	simm.s32 @!p0 $0x108  }
0x21: {  	s3 =	sadd.s32 s3, s9;
	s6 =	sadd.s32 @!p0 $0x88, s6;
	s7 =	simm.s32 @p2 $0x1082  }
0x22: {  	[simem:s7], [sflag:s8] =	dma.local @!p0 [hbm:s6], $0xF7A  }
0x23: {  	s9 =	sor.u32 $0xD0000000, s2;
	s6 =	simm.s32 $0x108;
	_ =	swait.ge @!p0 [sflag:s8], $0x0  }
0x24: {  	s3 =	sadd.s32 $0x88, s3;
	s6 =	simm.s32 @!p1 $0x1082;
	[sflag:s4] =	ssyncset.s32 $0xFFFFF086  }
0x25: {  	[simem:s6], [sflag:s4] =	dma.local [hbm:s3], $0xF7A  }
0x26: {  	[smem:$0x3F9B] =	sst s1;
	(tag) =	ssettag s2;
	_ =	strace s9  }
0x27: {  	s1 =	sld [smem:$0x3FAB]  }
0x28: {  	s2 =	sld [smem:$0x3FAC]  }
0x29: {  	s4 =	sld [smem:$0x3FAE]  }
0x2a: {  	p0 =	seq.s32 s5, $0x0;
	s5 =	sld [smem:$0x3FAF]  }
0x2b: {  	s6 =	sld [smem:$0x3FB0]  }
0x2c: {  	s7 =	sld [smem:$0x3FB1]  }
0x2d: {  	s3 =	simm.s32 $0x108;
	s8 =	sld [smem:$0x3FB2]  }
0x2e: {  	s3 =	simm.s32 @!p0 $0x1082;
	s9 =	sld [smem:$0x3FB3]  }
0x2f: {  	lr =	sadd.s32 s0, s3;
	s0 =	sld [smem:$0x3FAA]  }
0x30: {  	s3 =	sld [smem:$0x3FAD]  }
0x31: {  	[smem:$0x3FB6] =	sst s10  }
0x32: {  	s10 =	sld [smem:$0x3FB4];
	_ =	sdelay $0x3  }
0x33: {  	p0 =	seq.s32 s10, $0x1;
	s10 =	sld [smem:$0x3FB6];
	_ =	sdelay $0x3  }
0x34: {  	[smem:$0x3FB6] =	sst s10  }
0x35: {  	s10 =	sld [smem:$0x3FB5];
	_ =	sdelay $0x3  }
0x36: {  	p1 =	seq.s32 s10, $0x1;
	s10 =	sld [smem:$0x3FB6];
	_ =	sdelay $0x3  }
0x37: {  	[smem:$0x3FB6] =	sst s10  }
0x38: {  	s10 =	sld [smem:$0x3FB7]  }
0x39: {  	_ = 	snop;
	(pc) =	sbr.ind lr, $3  }
0x3a: {  	_ = 	snop  }
0x3b: {  	_ = 	snop  }
0x3c: {  	p2 =	seq.s32 s10, $0x1;
	s10 =	sld [smem:$0x3FB6]  }
0x3d: {  	_ =	shalt  }
0x3e: {  	_ =	shalt  }
0x3f: {  	_ =	shalt  }
0x40: {  	_ =	shalt  }
0x41: {  	_ =	shalt  }
0x42: {  	_ =	shalt  }
0x43: {  	_ =	shalt  }
0x44: {  	_ =	shalt  }
0x45: {  	_ =	shalt  }
0x46: {  	_ =	shalt  }
0x47: {  	_ =	shalt  }
0x48: {  	_ =	shalt  }
0x49: {  	_ =	shalt  }
0x4a: {  	_ =	shalt  }
0x4b: {  	_ =	shalt  }
0x4c: {  	_ =	shalt  }
0x4d: {  	_ =	shalt  }
0x4e: {  	_ =	shalt  }
0x4f: {  	_ =	shalt  }
0x50: {  	_ =	shalt  }
0x51: {  	_ =	shalt  }
0x52: {  	_ =	shalt  }
0x53: {  	_ =	shalt  }
0x54: {  	_ =	shalt  }
0x55: {  	_ =	shalt  }
0x56: {  	_ =	shalt  }
0x57: {  	_ =	shalt  }
0x58: {  	_ =	shalt  }
0x59: {  	_ =	shalt  }
0x5a: {  	_ =	shalt  }
0x5b: {  	_ =	shalt  }
0x5c: {  	_ =	shalt  }
0x5d: {  	_ =	shalt  }
0x5e: {  	_ =	shalt  }
0x5f: {  	_ =	shalt  }
0x60: {  	_ =	shalt  }
0x61: {  	_ =	shalt  }
0x62: {  	_ =	shalt  }
0x63: {  	_ =	shalt  }
0x64: {  	_ =	shalt  }
0x65: {  	_ =	shalt  }
0x66: {  	_ =	shalt  }
0x67: {  	_ =	shalt  }
0x68: {  	_ =	shalt  }
0x69: {  	_ =	shalt  }
0x6a: {  	_ =	shalt  }
0x6b: {  	_ =	shalt  }
0x6c: {  	_ =	shalt  }
0x6d: {  	_ =	shalt  }
0x6e: {  	_ =	shalt  }
0x6f: {  	_ =	shalt  }
0x70: {  	_ =	shalt  }
0x71: {  	_ =	shalt  }
0x72: {  	_ =	shalt  }
0x73: {  	_ =	shalt  }
0x74: {  	_ =	shalt  }
0x75: {  	_ =	shalt  }
0x76: {  	_ =	shalt  }
0x77: {  	_ =	shalt  }
0x78: {  	_ =	shalt  }
0x79: {  	_ =	shalt  }
0x7a: {  	_ =	shalt  }
0x7b: {  	_ =	shalt  }
0x7c: {  	_ =	shalt  }
0x7d: {  	_ =	shalt  }
0x7e: {  	_ =	shalt  }
0x7f: {  	_ =	shalt  }
0x80: {  	_ =	shalt  }
0x81: {  	_ =	shalt  }
0x82: {  	_ =	shalt  }
0x83: {  	_ =	shalt  }
0x84: {  	_ =	shalt  }
0x85: {  	_ =	shalt  }
0x86: {  	_ =	shalt  }
0x87: {  	_ =	shalt  }
.Lfunc_end0:
.L_simem_size_0:
called_computation_lowered:
.L_overlay_start_0:
0x88: {  	s2 =	sld [smem:$0x3FD9]  }
0x89: {  	s3 =	sld [smem:$0x3FFE];
	_ =	sdelay $0x1  }
0x8a: {  	s1 =	srdreg.scid  }
0x8b: {  	s0 =	sand.u32 $0x1, s1  }
0x8c: {  	s17 =	sshll.u32 s0, $0xA;
	s2 =	sadd.s32 s3, s2  }
0x8d: {  	s2 =	sadd.s32 s2, s17  }
0x8e: {  	[smem:$0x3FC2] =	sst s2  }
0x8f: {  	_ = 	snop  }
0x90: {  	s2 =	sld [smem:$0x3FC9]  }
0x91: {  	s18 =	sld [smem:$0x3FD0];
	(tm) =	ssettm $0x1  }
0x92: {  	s4 =	sld [smem:$0x3FFB];
	_ =	sdelay $0x3  }
0x93: {  	_ =	strace s4  }
0x94: {  	s4 =	sld [smem:$0x3FFC];
	_ =	sdelay $0x3  }
0x95: {  	_ =	strace s4  }
0x96: {  	s4 =	sld [smem:$0x3FFD];
	_ =	sdelay $0x3  }
0x97: {  	_ =	strace s4  }
0x98: {  	_ =	strace $0x8FFFFFFF  }
0x99: {  	s19 =	sld [smem:$0x3FDB];
	_ =	sdelay $0x1  }
0x9a: {  	s5 =	simm.s32 $_scs_section_size  }
0x9b: {  	s6 =	simm.s32 $_size__tile_overlayer_lowered;
	s7 =	simm.s32 $_tile_overlayer_lowered  }
0x9c: {  	s22 =	simm.s32 $0x1BFF;
	s21 =	sshll.u32 s7, $0x1;
	s4 =	sadd.s32 s5, s19  }
0x9d: {  	s8 =	simm.s32 $0x0;
	s20 =	sshll.u32 s6, $0x1;
	s6 =	sadd.s32 s21, s4  }
0x9e: {  	[timem:s8], [sflag:s22] =	dma.local [hbm:s6], s20  }
0x9f: {  	_ =	swait.ge [sflag:s22], s20  }
0xa0: {  	s5 =	ssub.s32 $0x0, s20;
	[sflag:s22] =	ssyncset.done $0x0  }
0xa1: {  	[sflag:s22] =	ssyncadd.s32 s5;
	_ =	sdelay $0x1  }
0xa2: {  	s23 =	simm.s32 $0x1B8B  }
0xa3: {  	_ =	swait.ge [sflag:s23], $0x1  }
0xa4: {  	[sflag:s23] =	ssyncset.done $0x0  }
0xa5: {  	s25 =	simm.s32 $0x1B8E;
	s24 =	sld [smem:$0x3FFE];
	[sflag:s23] =	ssyncadd.s32 $0xFFFFFFFF  }
0xa6: {  	s26 =	simm.s32 $execute0_lowered;
	[smem:$0x3FD2] =	sst s25  }
0xa7: {  	s6 =	sshll.u32 s26, $0x1;
	_ =	strace $0x80000046;
	[dreg:$0x1] =	wrdreg $0xFFFFFFFF  }
0xa8: {  	s28 =	simm.s32 $_size_execute0_lowered;
	s4 =	sadd.s32 s4, s6;
	[dreg:$0x0] =	wrdreg $0x0  }
0xa9: {  	s6 =	sshll.u32 s28, $0x1;
	[dreg:$0x2] =	wrdreg s4  }
0xaa: {  	[dreg:$0x3] =	wrdreg s6  }
0xab: {  	[dreg:$0x4] =	wrdreg $0xC0  }
0xac: {  	_ =	task [dreg:s8], $0x5FFFF  }
0xad: {  	[dreg:$0x1] =	wrdreg $0xFFFFFFFF  }
0xae: {  	[dreg:$0x0] =	wrdreg $0x60  }
0xaf: {  	[dreg:$0x2] =	wrdreg s2  }
0xb0: {  	[dreg:$0x3] =	wrdreg s18  }
0xb1: {  	[dreg:$0x4] =	wrdreg s24  }
0xb2: {  	[dreg:$0x5] =	wrdreg $0x88000  }
0xb3: {  	[dreg:$0x6] =	wrdreg $0x9  }
0xb4: {  	_ =	task.clear_ibuf [dreg:s8], $0x7FFFF;
	_ =	strace $0x90000046  }
0xb5: {  	s29 =	simm.s32 $0x9;
	_ =	strace $0x80000048  }
0xb6: {  	_ =	swait.ge [sflag:s29], $0x1  }
0xb7: {  	[sflag:s29] =	ssyncadd.s32 $0xFFFFFFFF  }
0xb8: {  	_ =	strace $0x90000048  }
0xb9: {  	_ =	sfence  }
0xba: {  	s30 =	sld [smem:$0x0];
	_ =	sdelay $0x2  }
0xbb: {  	s31 =	sshll.u32 s1, $0xD;
	s1 =	sshrl.u32 s1, $0x2  }
0xbc: {  	s3 =	sand.u32 $0x4000, s31;
	s1 =	sadd.s32 s1, s30  }
0xbd: {  	s0 =	sor.u32 s3, s0;
	s1 =	sshll.u32 s1, $0x11  }
0xbe: {  	s0 =	sor.u32 s1, s0  }
0xbf: {  	s0 =	sadd.s32 $0x8F2B, s0  }
0xc0: {  	[sflag:s0] =	ssyncadd.remote.s32 $0x1  }
0xc1: {  	_ =	sfence.sel $0xFFFF  }
0xc2: {  	[dreg:$0x0] =	wrdreg $0xFFFFFFFF;
	(pc) =	sbr.abs _section_cstart, $3  }
0xc3: {  	[dreg:$0x1] =	wrdreg $0xFFFFFFFF  }
0xc4: {  	_ =	task.clear_ibuf [dreg:s8], $0x2FFFF;
	_ =	strace $0x9FFFFFFF  }
0xc5: {  	(tm) =	ssettm $0x7FFFFFFF  }
tec
execute0_lowered:
.L_overlay_start_1:
0x0: {  	(tag) =	ssettag $0x1  }
0x1: {  	s1 =	rddreg [dreg:$0x0]  }
0x2: {  	s11 =	rddreg [dreg:$0x1]  }
0x3: {  	s0 =	rddreg [dreg:$0x2]  }
0x4: {  	s3 =	rddreg [dreg:$0x3];
	s2 =	srdreg.scid  }
0x5: {  	s5 =	simm.s32 $0x0;
	s12 =	stileid.u32;
	s28 =	simm.s32 $0x2  }
0x6: {  	s13 =	simm.s32 $0xB80;
	s14 =	simm.s32 $0x1B00;
	s29 =	simm.s32 $0x3  }
0x7: {  	s2 =	sand.u32 $0x1, s2;
	[smem:$0x7FF] =	sst s5;
	s7 =	smul.u32 $0x13C00, s12  }
0x8: {  	s6 =	sadd.s32 $0x1600, s0;
	s8 =	sshll.u32 s12, $0x1;
	s16 =	smul.u32 $0x4F000, s12  }
0x9: {  	s9 =	sadd.s32 $0x15600, s0;
	s18 =	smul.u32 $0xA000, s12;
	s19 =	sshll.u32 s12, $0x6  }
0xa: {  	s12 =	simm.s32 $0x1A80;
	s4 =	smul.u32 $0x13C000, s2;
	_ =	strace $0x80000047  }
0xb: {  	s15 =	sor.u32 s2, s8;
	[dreg:$0x7] =	wrdreg s9;
	s17 =	ssub.s32 $0x2, s2  }
0xc: {  	s2 =	smul.u32 $0x5000, s2;
	s30 =	sor.u32 $0x1C05, s19;
	s19 =	simm.s32 $0x800  }
0xd: {  	s10 =	sshrl.u32 s17, $0x1;
	s8 =	sshrl.u32 s16, $0x2;
	s16 =	simm.s32 $0xC80  }
0xe: {  	[dreg:$0x8] =	wrdreg s30;
	s4 =	sadd.s32 s7, s4;
	s7 =	smul.u32 $0x5000, s15  }
0xf: {  	s8 =	sadd.s32 s8, s3;
	s2 =	sadd.s32 s2, s18;
	s18 =	simm.s32 $0x1000  }
0x10: {  	s15 =	simm.s32 $0x1B80;
	s4 =	sshrl.u32 s4, $0x3;
	s22 =	sadd.s32 $0x1800, s2  }
0x11: {  	s31 =	sadd.s32 $0x1000, s2;
	s2 =	simm.s32 $0x1C00;
	s0 =	sadd.s32 s4, s0  }
0x12: {  	s4 =	ssub.s32 s17, s10;
	s7 =	sshrl.u32 s7, $0x3;
	s24 =	sshrl.u32 s22, $0x3  }
0x13: {  	[dreg:$0xf] =	wrdreg s31;
	s17 =	simm.s32 $0x5;
	s20 =	sadd.s32 s11, s7  }
0x14: {  	s21 =	sor.u32 $0x100, s7;
	s7 =	sadd.s32 s6, s7;
	[dreg:$0x9] =	wrdreg s20  }
0x15: {  	s22 =	simm.s32 $0x2000;
	s0 =	sadd.s32 $0x17E00, s0;
	[dreg:$0xa] =	wrdreg s7  }
0x16: {  	s10 =	simm.s32 $0x1A00;
	s4 =	smax.u32 s4, $0x1;
	[dreg:$0xd] =	wrdreg s0  }
0x17: {  	s25 =	sadd.s32 s24, s6;
	s26 =	sadd.s32 s24, s11;
	[dreg:$0xe] =	wrdreg s4  }
0x18: {  	s24 =	simm.s32 $0x5400;
	s23 =	sadd.s32 s11, s21;
	[dreg:$0x5] =	wrdreg s25  }
0x19: {  	s9 =	sadd.s32 s6, s21;
	s7 =	smov.u32 s11;
	[dreg:$0x6] =	wrdreg s26  }
0x1a: {  	s4 =	sshrl.u32 s8, $0x3;
	s20 =	simm.s32 $0x1800;
	s21 =	simm.s32 $0x64  }
0x1b: {  	s25 =	simm.s32 $0x1;
	s11 =	simm.s32 $0xB00;
	[dreg:$0xb] =	wrdreg s23  }
0x1c: {  	s8 =	simm.s32 $0xC00;
	s26 =	simm.s32 $0x1C80;
	[dreg:$0xc] =	wrdreg s9  }
0x1d: {  	s23 =	simm.s32 $0x4;
	s9 =	simm.s32 $0x0;
	[dreg:$0x10] =	wrdreg s4  }
.LBB2_1:
0x1e: {  	[dreg:$0x11] =	wrdreg s9  }
0x1f: {  	s0 =	rddreg [dreg:$0x7]  }
0x20: {  	[spmem:s4], [sflag:s30] =	dma.local [hbm:s0], $0x2780  }
0x21: {  	_ =	swait.ge [sflag:s17], $0x2780  }
0x22: {  	[sflag:s17] =	ssyncset.done $0x0  }
0x23: {  	s9 =	rddreg [dreg:$0x9];
	[sflag:s17] =	ssyncadd.s32 $0xFFFFD880  }
0x24: {  	[tilespmem:s5], [sflag:$0x5] =	stream.linear.gather [hbm4b:s9+s5], $0x500, $0x38;
	[tilespmem:$0x1C400] =	vst v63  }
0x25: {  	_ =	swait.ge [sflag:s17], $0x500  }
0x26: {  	[sflag:s17] =	ssyncset.done $0x0  }
0x27: {  	s4 =	rddreg [dreg:$0xa];
	[sflag:s17] =	ssyncadd.s32 $0xFFFFFB00  }
0x28: {  	[tilespmem:s18], [sflag:$0x5] =	stream.linear.gather [hbm4b:s4+s5], $0x500, $0x38;
	[tilespmem:$0x1C400] =	vst v63  }
0x29: {  	_ =	swait.ge [sflag:s17], $0x500  }
0x2a: {  	[sflag:s17] =	ssyncset.done $0x0  }
0x2b: {  	s9 =	rddreg [dreg:$0xb];
	[sflag:s17] =	ssyncadd.s32 $0xFFFFFB00  }
0x2c: {  	[tilespmem:s19], [sflag:$0x4] =	stream.linear.gather [hbm4b:s9+s5], $0x500, $0x38;
	[tilespmem:$0x1C400] =	vst v63  }
0x2d: {  	s4 =	rddreg [dreg:$0xc]  }
0x2e: {  	[tilespmem:s20], [sflag:$0x4] =	stream.linear.gather [hbm4b:s4+s5], $0x500, $0x38;
	[tilespmem:$0x1C400] =	vst v63  }
0x2f: {  	[bflag:$0x0] =	sbarrier.arrive $0xFFFF  }
0x30: {  	[tilespmem:s22], [sflag:$0x1] =	stream.indirect.gather [hbm4b:s1+s21], $0x80, s5, s21, $0xb8;
	[tilespmem:$0x1C400] =	vst v63  }
0x31: {  	s9 =	simm.s32 $0x80  }
0x32: {  	[tilespmem:s24], [sflag:$0x2] =	stream.indirect.gather [hbm4b:s1+s21], $0x80, s9, s21, $0xb8;
	[tilespmem:$0x1C400] =	vst v63  }
0x33: {  	_ =	swait.ge [sflag:s25], $0x3200  }
0x34: {  	[sflag:s25] =	ssyncset.done $0x0  }
0x35: {  	[sflag:s25] =	ssyncadd.s32 $0xFFFFCE00  }
0x36: {  	[spmem:s3] =	stream.indirect.scatter.add.f32 [tilespmem:s22], [sflag:$0x5], $0x80, s18, s21, $0xb8;
	[tilespmem:$0x1C400] =	vst v63  }
0x37: {  	_ =	swait.ge [sflag:s17], $0x3200  }
0x38: {  	[sflag:s17] =	ssyncset.done $0x0  }
0x39: {  	s4 =	simm.s32 $0x100;
	[sflag:s17] =	ssyncadd.s32 $0xFFFFCE00  }
0x3a: {  	[tilespmem:s22], [sflag:$0x1] =	stream.indirect.gather [hbm4b:s1+s21], $0x80, s4, s21, $0xb8;
	[tilespmem:$0x1C400] =	vst v63  }
0x3b: {  	_ =	swait.ge [sflag:s28], $0x3200  }
0x3c: {  	[sflag:s28] =	ssyncset.done $0x0  }
0x3d: {  	s9 =	simm.s32 $0x1080;
	[sflag:s28] =	ssyncadd.s32 $0xFFFFCE00  }
0x3e: {  	[spmem:s3] =	stream.indirect.scatter.add.f32 [tilespmem:s24], [sflag:$0x5], $0x80, s9, s21, $0xb8;
	[tilespmem:$0x1C400] =	vst v63  }
0x3f: {  	_ =	swait.ge [sflag:s17], $0x3200  }
0x40: {  	[sflag:s17] =	ssyncset.done $0x0  }
0x41: {  	s4 =	simm.s32 $0x180;
	[sflag:s17] =	ssyncadd.s32 $0xFFFFCE00  }
0x42: {  	[tilespmem:s24], [sflag:$0x2] =	stream.indirect.gather [hbm4b:s1+s21], $0x80, s4, s21, $0xb8;
	[tilespmem:$0x1C400] =	vst v63  }
0x43: {  	_ =	swait.ge [sflag:s25], $0x3200  }
0x44: {  	[sflag:s25] =	ssyncset.done $0x0  }
0x45: {  	s9 =	simm.s32 $0x1100;
	[sflag:s25] =	ssyncadd.s32 $0xFFFFCE00  }
0x46: {  	[spmem:s3] =	stream.indirect.scatter.add.f32 [tilespmem:s22], [sflag:$0x5], $0x80, s9, s21, $0xb8;
	[tilespmem:$0x1C400] =	vst v63  }
0x47: {  	_ =	swait.ge [sflag:s17], $0x3200  }
0x48: {  	[sflag:s17] =	ssyncset.done $0x0  }
0x49: {  	s4 =	simm.s32 $0x200;
	[sflag:s17] =	ssyncadd.s32 $0xFFFFCE00  }
0x4a: {  	[tilespmem:s22], [sflag:$0x1] =	stream.indirect.gather [hbm4b:s1+s21], $0x80, s4, s21, $0xb8;
	[tilespmem:$0x1C400] =	vst v63  }
0x4b: {  	_ =	swait.ge [sflag:s28], $0x3200  }
0x4c: {  	[sflag:s28] =	ssyncset.done $0x0  }
0x4d: {  	s9 =	simm.s32 $0x1180;
	[sflag:s28] =	ssyncadd.s32 $0xFFFFCE00  }
0x4e: {  	[spmem:s3] =	stream.indirect.scatter.add.f32 [tilespmem:s24], [sflag:$0x5], $0x80, s9, s21, $0xb8;
	[tilespmem:$0x1C400] =	vst v63  }
0x4f: {  	_ =	swait.ge [sflag:s17], $0x3200  }
0x50: {  	[sflag:s17] =	ssyncset.done $0x0  }
0x51: {  	s4 =	simm.s32 $0x280;
	[sflag:s17] =	ssyncadd.s32 $0xFFFFCE00  }
0x52: {  	[tilespmem:s24], [sflag:$0x2] =	stream.indirect.gather [hbm4b:s1+s21], $0x80, s4, s21, $0xb8;
	[tilespmem:$0x1C400] =	vst v63  }
0x53: {  	_ =	swait.ge [sflag:s25], $0x3200  }
0x54: {  	[sflag:s25] =	ssyncset.done $0x0  }
0x55: {  	s9 =	simm.s32 $0x1200;
	[sflag:s25] =	ssyncadd.s32 $0xFFFFCE00  }
0x56: {  	[spmem:s3] =	stream.indirect.scatter.add.f32 [tilespmem:s22], [sflag:$0x5], $0x80, s9, s21, $0xb8;
	[tilespmem:$0x1C400] =	vst v63  }
0x57: {  	_ =	swait.ge [sflag:s17], $0x3200  }
0x58: {  	[sflag:s17] =	ssyncset.done $0x0  }
0x59: {  	s4 =	simm.s32 $0x300;
	[sflag:s17] =	ssyncadd.s32 $0xFFFFCE00  }
0x5a: {  	[tilespmem:s22], [sflag:$0x1] =	stream.indirect.gather [hbm4b:s1+s21], $0x80, s4, s21, $0xb8;
	[tilespmem:$0x1C400] =	vst v63  }
0x5b: {  	_ =	swait.ge [sflag:s28], $0x3200  }
0x5c: {  	[sflag:s28] =	ssyncset.done $0x0  }
0x5d: {  	s9 =	simm.s32 $0x1280;
	[sflag:s28] =	ssyncadd.s32 $0xFFFFCE00  }
0x5e: {  	[spmem:s3] =	stream.indirect.scatter.add.f32 [tilespmem:s24], [sflag:$0x5], $0x80, s9, s21, $0xb8;
	[tilespmem:$0x1C400] =	vst v63  }
0x5f: {  	_ =	swait.ge [sflag:s17], $0x3200  }
0x60: {  	[sflag:s17] =	ssyncset.done $0x0  }
0x61: {  	s4 =	simm.s32 $0x380;
	[sflag:s17] =	ssyncadd.s32 $0xFFFFCE00  }
0x62: {  	[tilespmem:s24], [sflag:$0x2] =	stream.indirect.gather [hbm4b:s1+s21], $0x80, s4, s21, $0xb8;
	[tilespmem:$0x1C400] =	vst v63  }
0x63: {  	_ =	swait.ge [sflag:s25], $0x3200  }
0x64: {  	[sflag:s25] =	ssyncset.done $0x0  }
0x65: {  	s9 =	simm.s32 $0x1300;
	[sflag:s25] =	ssyncadd.s32 $0xFFFFCE00  }
0x66: {  	[spmem:s3] =	stream.indirect.scatter.add.f32 [tilespmem:s22], [sflag:$0x5], $0x80, s9, s21, $0xb8;
	[tilespmem:$0x1C400] =	vst v63  }
0x67: {  	_ =	swait.ge [sflag:s17], $0x3200  }
0x68: {  	[sflag:s17] =	ssyncset.done $0x0  }
0x69: {  	s4 =	simm.s32 $0x400;
	[sflag:s17] =	ssyncadd.s32 $0xFFFFCE00  }
0x6a: {  	[tilespmem:s22], [sflag:$0x1] =	stream.indirect.gather [hbm4b:s1+s21], $0x80, s4, s21, $0xb8;
	[tilespmem:$0x1C400] =	vst v63  }
0x6b: {  	_ =	swait.ge [sflag:s28], $0x3200  }
0x6c: {  	[sflag:s28] =	ssyncset.done $0x0  }
0x6d: {  	s9 =	simm.s32 $0x1380;
	[sflag:s28] =	ssyncadd.s32 $0xFFFFCE00  }
0x6e: {  	[spmem:s3] =	stream.indirect.scatter.add.f32 [tilespmem:s24], [sflag:$0x5], $0x80, s9, s21, $0xb8;
	[tilespmem:$0x1C400] =	vst v63  }
0x6f: {  	_ =	swait.ge [sflag:s17], $0x3200  }
0x70: {  	[sflag:s17] =	ssyncset.done $0x0  }
0x71: {  	s4 =	simm.s32 $0x480;
	[sflag:s17] =	ssyncadd.s32 $0xFFFFCE00  }
0x72: {  	[tilespmem:s24], [sflag:$0x2] =	stream.indirect.gather [hbm4b:s1+s21], $0x80, s4, s21, $0xb8;
	[tilespmem:$0x1C400] =	vst v63  }
0x73: {  	_ =	swait.ge [sflag:s25], $0x3200  }
0x74: {  	[sflag:s25] =	ssyncset.done $0x0  }
0x75: {  	s9 =	simm.s32 $0x1400;
	[sflag:s25] =	ssyncadd.s32 $0xFFFFCE00  }
0x76: {  	[spmem:s3] =	stream.indirect.scatter.add.f32 [tilespmem:s22], [sflag:$0x5], $0x80, s9, s21, $0xb8;
	[tilespmem:$0x1C400] =	vst v63  }
0x77: {  	_ =	swait.ge [sflag:s17], $0x3200  }
0x78: {  	[sflag:s17] =	ssyncset.done $0x0  }
0x79: {  	[sflag:s17] =	ssyncadd.s32 $0xFFFFCE00  }
0x7a: {  	_ =	swait.ge [sflag:s28], $0x3200  }
0x7b: {  	[sflag:s28] =	ssyncset.done $0x0  }
0x7c: {  	s4 =	simm.s32 $0x1480;
	[sflag:s28] =	ssyncadd.s32 $0xFFFFCE00  }
0x7d: {  	[spmem:s3] =	stream.indirect.scatter.add.f32 [tilespmem:s24], [sflag:$0x5], $0x80, s4, s21, $0xb8;
	[tilespmem:$0x1C400] =	vst v63  }
0x7e: {  	_ =	swait.ge [sflag:s17], $0x3200  }
0x7f: {  	s4 =	rddreg [dreg:$0xf]  }
0x80: {  	[sflag:s17] =	ssyncset.done $0x0;
	s9 =	sshrl.u32 s4, $0x3  }
0x81: {  	[sflag:s17] =	ssyncadd.s32 $0xFFFFCE00;
	s30 =	sadd.s32 s7, s9  }
0x82: {  	[tilespmem:s5], [sflag:$0x3] =	stream.linear.gather [hbm4b:s30+s5], $0x500, $0x38;
	[tilespmem:$0x1C400] =	vst v63  }
0x83: {  	s0 =	sadd.s32 s6, s9  }
0x84: {  	[tilespmem:s18], [sflag:$0x3] =	stream.linear.gather [hbm4b:s0+s5], $0x500, $0x38;
	[tilespmem:$0x1C400] =	vst v63  }
0x85: {  	_ =	swait.ge [sflag:s23], $0x500  }
0x86: {  	[sflag:s23] =	ssyncset.done $0x0  }
0x87: {  	[sflag:s23] =	ssyncadd.s32 $0xFFFFFB00  }
0x88: {  	_ =	swait.ge [sflag:s23], $0x500  }
0x89: {  	[sflag:s23] =	ssyncset.done $0x0  }
0x8a: {  	[sflag:s23] =	ssyncadd.s32 $0xFFFFFB00  }
0x8b: {  	[tilespmem:s22], [sflag:$0x1] =	stream.indirect.gather [hbm4b:s1+s21], $0x80, s19, s21, $0xb8;
	[tilespmem:$0x1C400] =	vst v63  }
0x8c: {  	s9 =	simm.s32 $0x880  }
0x8d: {  	[tilespmem:s24], [sflag:$0x2] =	stream.indirect.gather [hbm4b:s1+s21], $0x80, s9, s21, $0xb8;
	[tilespmem:$0x1C400] =	vst v63  }
0x8e: {  	_ =	swait.ge [sflag:s25], $0x3200  }
0x8f: {  	[sflag:s25] =	ssyncset.done $0x0  }
0x90: {  	[sflag:s25] =	ssyncadd.s32 $0xFFFFCE00  }
0x91: {  	[spmem:s3] =	stream.indirect.scatter.add.f32 [tilespmem:s22], [sflag:$0x5], $0x80, s20, s21, $0xb8;
	[tilespmem:$0x1C400] =	vst v63  }
0x92: {  	_ =	swait.ge [sflag:s17], $0x3200  }
0x93: {  	[sflag:s17] =	ssyncset.done $0x0  }
0x94: {  	s9 =	simm.s32 $0x900;
	[sflag:s17] =	ssyncadd.s32 $0xFFFFCE00  }
0x95: {  	[tilespmem:s22], [sflag:$0x1] =	stream.indirect.gather [hbm4b:s1+s21], $0x80, s9, s21, $0xb8;
	[tilespmem:$0x1C400] =	vst v63  }
0x96: {  	_ =	swait.ge [sflag:s28], $0x3200  }
0x97: {  	[sflag:s28] =	ssyncset.done $0x0  }
0x98: {  	s9 =	simm.s32 $0x1880;
	[sflag:s28] =	ssyncadd.s32 $0xFFFFCE00  }
0x99: {  	[spmem:s3] =	stream.indirect.scatter.add.f32 [tilespmem:s24], [sflag:$0x5], $0x80, s9, s21, $0xb8;
	[tilespmem:$0x1C400] =	vst v63  }
0x9a: {  	_ =	swait.ge [sflag:s17], $0x3200  }
0x9b: {  	[sflag:s17] =	ssyncset.done $0x0  }
0x9c: {  	s9 =	simm.s32 $0x980;
	[sflag:s17] =	ssyncadd.s32 $0xFFFFCE00  }
0x9d: {  	[tilespmem:s24], [sflag:$0x2] =	stream.indirect.gather [hbm4b:s1+s21], $0x80, s9, s21, $0xb8;
	[tilespmem:$0x1C400] =	vst v63  }
0x9e: {  	_ =	swait.ge [sflag:s25], $0x3200  }
0x9f: {  	[sflag:s25] =	ssyncset.done $0x0  }
0xa0: {  	s9 =	simm.s32 $0x1900;
	[sflag:s25] =	ssyncadd.s32 $0xFFFFCE00  }
0xa1: {  	[spmem:s3] =	stream.indirect.scatter.add.f32 [tilespmem:s22], [sflag:$0x5], $0x80, s9, s21, $0xb8;
	[tilespmem:$0x1C400] =	vst v63  }
0xa2: {  	_ =	swait.ge [sflag:s17], $0x3200  }
0xa3: {  	[sflag:s17] =	ssyncset.done $0x0  }
0xa4: {  	s9 =	simm.s32 $0xA00;
	[sflag:s17] =	ssyncadd.s32 $0xFFFFCE00  }
0xa5: {  	[tilespmem:s22], [sflag:$0x1] =	stream.indirect.gather [hbm4b:s1+s21], $0x80, s9, s21, $0xb8;
	[tilespmem:$0x1C400] =	vst v63  }
0xa6: {  	_ =	swait.ge [sflag:s28], $0x3200  }
0xa7: {  	[sflag:s28] =	ssyncset.done $0x0  }
0xa8: {  	s9 =	simm.s32 $0x1980;
	[sflag:s28] =	ssyncadd.s32 $0xFFFFCE00  }
0xa9: {  	[spmem:s3] =	stream.indirect.scatter.add.f32 [tilespmem:s24], [sflag:$0x5], $0x80, s9, s21, $0xb8;
	[tilespmem:$0x1C400] =	vst v63  }
0xaa: {  	_ =	swait.ge [sflag:s17], $0x3200  }
0xab: {  	[sflag:s17] =	ssyncset.done $0x0  }
0xac: {  	s9 =	simm.s32 $0xA80;
	[sflag:s17] =	ssyncadd.s32 $0xFFFFCE00  }
0xad: {  	[tilespmem:s24], [sflag:$0x2] =	stream.indirect.gather [hbm4b:s1+s21], $0x80, s9, s21, $0xb8;
	[tilespmem:$0x1C400] =	vst v63  }
0xae: {  	_ =	swait.ge [sflag:s25], $0x3200  }
0xaf: {  	[sflag:s25] =	ssyncset.done $0x0  }
0xb0: {  	[sflag:s25] =	ssyncadd.s32 $0xFFFFCE00  }
0xb1: {  	[spmem:s3] =	stream.indirect.scatter.add.f32 [tilespmem:s22], [sflag:$0x5], $0x80, s10, s21, $0xb8;
	[tilespmem:$0x1C400] =	vst v63  }
0xb2: {  	_ =	swait.ge [sflag:s17], $0x3200  }
0xb3: {  	[sflag:s17] =	ssyncset.done $0x0  }
0xb4: {  	[sflag:s17] =	ssyncadd.s32 $0xFFFFCE00  }
0xb5: {  	[tilespmem:s22], [sflag:$0x1] =	stream.indirect.gather [hbm4b:s1+s21], $0x80, s11, s21, $0xb8;
	[tilespmem:$0x1C400] =	vst v63  }
0xb6: {  	_ =	swait.ge [sflag:s28], $0x3200  }
0xb7: {  	[sflag:s28] =	ssyncset.done $0x0  }
0xb8: {  	[sflag:s28] =	ssyncadd.s32 $0xFFFFCE00  }
0xb9: {  	[spmem:s3] =	stream.indirect.scatter.add.f32 [tilespmem:s24], [sflag:$0x5], $0x80, s12, s21, $0xb8;
	[tilespmem:$0x1C400] =	vst v63  }
0xba: {  	_ =	swait.ge [sflag:s17], $0x3200  }
0xbb: {  	[sflag:s17] =	ssyncset.done $0x0  }
0xbc: {  	[sflag:s17] =	ssyncadd.s32 $0xFFFFCE00  }
0xbd: {  	[tilespmem:s24], [sflag:$0x2] =	stream.indirect.gather [hbm4b:s1+s21], $0x80, s13, s21, $0xb8;
	[tilespmem:$0x1C400] =	vst v63  }
0xbe: {  	_ =	swait.ge [sflag:s25], $0x3200  }
0xbf: {  	[sflag:s25] =	ssyncset.done $0x0  }
0xc0: {  	[sflag:s25] =	ssyncadd.s32 $0xFFFFCE00  }
0xc1: {  	[spmem:s3] =	stream.indirect.scatter.add.f32 [tilespmem:s22], [sflag:$0x5], $0x80, s14, s21, $0xb8;
	[tilespmem:$0x1C400] =	vst v63  }
0xc2: {  	_ =	swait.ge [sflag:s17], $0x3200  }
0xc3: {  	[sflag:s17] =	ssyncset.done $0x0  }
0xc4: {  	[sflag:s17] =	ssyncadd.s32 $0xFFFFCE00  }
0xc5: {  	[tilespmem:s22], [sflag:$0x1] =	stream.indirect.gather [hbm4b:s1+s21], $0x80, s8, s21, $0xb8;
	[tilespmem:$0x1C400] =	vst v63  }
0xc6: {  	_ =	swait.ge [sflag:s28], $0x3200  }
0xc7: {  	[sflag:s28] =	ssyncset.done $0x0  }
0xc8: {  	[sflag:s28] =	ssyncadd.s32 $0xFFFFCE00  }
0xc9: {  	[spmem:s3] =	stream.indirect.scatter.add.f32 [tilespmem:s24], [sflag:$0x5], $0x80, s15, s21, $0xb8;
	[tilespmem:$0x1C400] =	vst v63  }
0xca: {  	_ =	swait.ge [sflag:s17], $0x3200  }
0xcb: {  	[sflag:s17] =	ssyncset.done $0x0  }
0xcc: {  	[sflag:s17] =	ssyncadd.s32 $0xFFFFCE00  }
0xcd: {  	[tilespmem:s24], [sflag:$0x2] =	stream.indirect.gather [hbm4b:s1+s21], $0x80, s16, s21, $0xb8;
	[tilespmem:$0x1C400] =	vst v63  }
0xce: {  	_ =	swait.ge [sflag:s25], $0x3200  }
0xcf: {  	[sflag:s25] =	ssyncset.done $0x0  }
0xd0: {  	[sflag:s25] =	ssyncadd.s32 $0xFFFFCE00  }
0xd1: {  	[spmem:s3] =	stream.indirect.scatter.add.f32 [tilespmem:s22], [sflag:$0x5], $0x80, s2, s21, $0xb8;
	[tilespmem:$0x1C400] =	vst v63  }
0xd2: {  	_ =	swait.ge [sflag:s17], $0x3200  }
0xd3: {  	[sflag:s17] =	ssyncset.done $0x0  }
0xd4: {  	[sflag:s17] =	ssyncadd.s32 $0xFFFFCE00  }
0xd5: {  	_ =	swait.ge [sflag:s28], $0x3200  }
0xd6: {  	[sflag:s28] =	ssyncset.done $0x0  }
0xd7: {  	[sflag:s28] =	ssyncadd.s32 $0xFFFFCE00  }
0xd8: {  	[spmem:s3] =	stream.indirect.scatter.add.f32 [tilespmem:s24], [sflag:$0x5], $0x80, s26, s21, $0xb8;
	[tilespmem:$0x1C400] =	vst v63  }
0xd9: {  	_ =	swait.ge [sflag:s17], $0x3200  }
0xda: {  	s9 =	rddreg [dreg:$0x6];
	[sflag:s17] =	ssyncset.done $0x0  }
0xdb: {  	s30 =	rddreg [dreg:$0x5];
	[sflag:s17] =	ssyncadd.s32 $0xFFFFCE00;
	s0 =	sadd.s32 $0x0, s9  }
0xdc: {  	[tilespmem:s19], [sflag:$0x4] =	stream.linear.gather [hbm4b:s0+s5], $0x500, $0x38;
	[tilespmem:$0x1C400] =	vst v63  }
0xdd: {  	s9 =	sadd.s32 $0x0, s30  }
0xde: {  	[tilespmem:s20], [sflag:$0x4] =	stream.linear.gather [hbm4b:s9+s5], $0x500, $0x38;
	[tilespmem:$0x1C400] =	vst v63  }
0xdf: {  	_ =	swait.ge [sflag:s29], $0x500  }
0xe0: {  	[sflag:s29] =	ssyncset.done $0x0  }
0xe1: {  	[sflag:s29] =	ssyncadd.s32 $0xFFFFFB00  }
0xe2: {  	_ =	swait.ge [sflag:s29], $0x500  }
0xe3: {  	[sflag:s29] =	ssyncset.done $0x0  }
0xe4: {  	s31 =	sadd.s32 $0x1000, s4;
	s30 =	simm.s32 $0x200;
	[sflag:s29] =	ssyncadd.s32 $0xFFFFFB00  }
0xe5: {  	[tilespmem:s22], [sflag:$0x1] =	stream.indirect.gather [hbm4b:s1+s21], $0x80, s5, s21, $0xb8;
	[tilespmem:$0x1C400] =	vst v63  }
.LBB2_2:
0xe6: {  	s0 =	simm.s32 $0x80  }
0xe7: {  	[tilespmem:s24], [sflag:$0x2] =	stream.indirect.gather [hbm4b:s1+s21], $0x80, s0, s21, $0xb8;
	[tilespmem:$0x1C400] =	vst v63  }
0xe8: {  	_ =	swait.ge [sflag:s25], $0x3200  }
0xe9: {  	[sflag:s25] =	ssyncset.done $0x0  }
0xea: {  	[sflag:s25] =	ssyncadd.s32 $0xFFFFCE00  }
0xeb: {  	[spmem:s3] =	stream.indirect.scatter.add.f32 [tilespmem:s22], [sflag:$0x5], $0x80, s18, s21, $0xb8;
	[tilespmem:$0x1C400] =	vst v63  }
0xec: {  	_ =	swait.ge [sflag:s17], $0x3200  }
0xed: {  	[sflag:s17] =	ssyncset.done $0x0  }
0xee: {  	s4 =	simm.s32 $0x100;
	[sflag:s17] =	ssyncadd.s32 $0xFFFFCE00  }
0xef: {  	[tilespmem:s22], [sflag:$0x1] =	stream.indirect.gather [hbm4b:s1+s21], $0x80, s4, s21, $0xb8;
	[tilespmem:$0x1C400] =	vst v63  }
0xf0: {  	_ =	swait.ge [sflag:s28], $0x3200  }
0xf1: {  	[sflag:s28] =	ssyncset.done $0x0  }
0xf2: {  	s9 =	simm.s32 $0x1080;
	[sflag:s28] =	ssyncadd.s32 $0xFFFFCE00  }
0xf3: {  	[spmem:s3] =	stream.indirect.scatter.add.f32 [tilespmem:s24], [sflag:$0x5], $0x80, s9, s21, $0xb8;
	[tilespmem:$0x1C400] =	vst v63  }
0xf4: {  	_ =	swait.ge [sflag:s17], $0x3200  }
0xf5: {  	[sflag:s17] =	ssyncset.done $0x0  }
0xf6: {  	s9 =	simm.s32 $0x180;
	[sflag:s17] =	ssyncadd.s32 $0xFFFFCE00  }
0xf7: {  	[tilespmem:s24], [sflag:$0x2] =	stream.indirect.gather [hbm4b:s1+s21], $0x80, s9, s21, $0xb8;
	[tilespmem:$0x1C400] =	vst v63  }
0xf8: {  	_ =	swait.ge [sflag:s25], $0x3200  }
0xf9: {  	[sflag:s25] =	ssyncset.done $0x0  }
0xfa: {  	s9 =	simm.s32 $0x1100;
	[sflag:s25] =	ssyncadd.s32 $0xFFFFCE00  }
0xfb: {  	[spmem:s3] =	stream.indirect.scatter.add.f32 [tilespmem:s22], [sflag:$0x5], $0x80, s9, s21, $0xb8;
	[tilespmem:$0x1C400] =	vst v63  }
0xfc: {  	_ =	swait.ge [sflag:s17], $0x3200  }
0xfd: {  	[sflag:s17] =	ssyncset.done $0x0  }
0xfe: {  	s9 =	simm.s32 $0x200;
	[sflag:s17] =	ssyncadd.s32 $0xFFFFCE00  }
0xff: {  	[tilespmem:s22], [sflag:$0x1] =	stream.indirect.gather [hbm4b:s1+s21], $0x80, s9, s21, $0xb8;
	[tilespmem:$0x1C400] =	vst v63  }
0x100: {  	_ =	swait.ge [sflag:s28], $0x3200  }
0x101: {  	[sflag:s28] =	ssyncset.done $0x0  }
0x102: {  	s9 =	simm.s32 $0x1180;
	[sflag:s28] =	ssyncadd.s32 $0xFFFFCE00  }
0x103: {  	[spmem:s3] =	stream.indirect.scatter.add.f32 [tilespmem:s24], [sflag:$0x5], $0x80, s9, s21, $0xb8;
	[tilespmem:$0x1C400] =	vst v63  }
0x104: {  	_ =	swait.ge [sflag:s17], $0x3200  }
0x105: {  	[sflag:s17] =	ssyncset.done $0x0  }
0x106: {  	s9 =	simm.s32 $0x280;
	[sflag:s17] =	ssyncadd.s32 $0xFFFFCE00  }
0x107: {  	[tilespmem:s24], [sflag:$0x2] =	stream.indirect.gather [hbm4b:s1+s21], $0x80, s9, s21, $0xb8;
	[tilespmem:$0x1C400] =	vst v63  }
0x108: {  	_ =	swait.ge [sflag:s25], $0x3200  }
0x109: {  	[sflag:s25] =	ssyncset.done $0x0  }
0x10a: {  	s9 =	simm.s32 $0x1200;
	[sflag:s25] =	ssyncadd.s32 $0xFFFFCE00  }
0x10b: {  	[spmem:s3] =	stream.indirect.scatter.add.f32 [tilespmem:s22], [sflag:$0x5], $0x80, s9, s21, $0xb8;
	[tilespmem:$0x1C400] =	vst v63  }
0x10c: {  	_ =	swait.ge [sflag:s17], $0x3200  }
0x10d: {  	[sflag:s17] =	ssyncset.done $0x0  }
0x10e: {  	s9 =	simm.s32 $0x300;
	[sflag:s17] =	ssyncadd.s32 $0xFFFFCE00  }
0x10f: {  	[tilespmem:s22], [sflag:$0x1] =	stream.indirect.gather [hbm4b:s1+s21], $0x80, s9, s21, $0xb8;
	[tilespmem:$0x1C400] =	vst v63  }
0x110: {  	_ =	swait.ge [sflag:s28], $0x3200  }
0x111: {  	[sflag:s28] =	ssyncset.done $0x0  }
0x112: {  	s9 =	simm.s32 $0x1280;
	[sflag:s28] =	ssyncadd.s32 $0xFFFFCE00  }
0x113: {  	[spmem:s3] =	stream.indirect.scatter.add.f32 [tilespmem:s24], [sflag:$0x5], $0x80, s9, s21, $0xb8;
	[tilespmem:$0x1C400] =	vst v63  }
0x114: {  	_ =	swait.ge [sflag:s17], $0x3200  }
0x115: {  	[sflag:s17] =	ssyncset.done $0x0  }
0x116: {  	s9 =	simm.s32 $0x380;
	[sflag:s17] =	ssyncadd.s32 $0xFFFFCE00  }
0x117: {  	[tilespmem:s24], [sflag:$0x2] =	stream.indirect.gather [hbm4b:s1+s21], $0x80, s9, s21, $0xb8;
	[tilespmem:$0x1C400] =	vst v63  }
0x118: {  	_ =	swait.ge [sflag:s25], $0x3200  }
0x119: {  	[sflag:s25] =	ssyncset.done $0x0  }
0x11a: {  	s9 =	simm.s32 $0x1300;
	[sflag:s25] =	ssyncadd.s32 $0xFFFFCE00  }
0x11b: {  	[spmem:s3] =	stream.indirect.scatter.add.f32 [tilespmem:s22], [sflag:$0x5], $0x80, s9, s21, $0xb8;
	[tilespmem:$0x1C400] =	vst v63  }
0x11c: {  	_ =	swait.ge [sflag:s17], $0x3200  }
0x11d: {  	[sflag:s17] =	ssyncset.done $0x0  }
0x11e: {  	s9 =	simm.s32 $0x400;
	[sflag:s17] =	ssyncadd.s32 $0xFFFFCE00  }
0x11f: {  	[tilespmem:s22], [sflag:$0x1] =	stream.indirect.gather [hbm4b:s1+s21], $0x80, s9, s21, $0xb8;
	[tilespmem:$0x1C400] =	vst v63  }
0x120: {  	_ =	swait.ge [sflag:s28], $0x3200  }
0x121: {  	[sflag:s28] =	ssyncset.done $0x0  }
0x122: {  	s9 =	simm.s32 $0x1380;
	[sflag:s28] =	ssyncadd.s32 $0xFFFFCE00  }
0x123: {  	[spmem:s3] =	stream.indirect.scatter.add.f32 [tilespmem:s24], [sflag:$0x5], $0x80, s9, s21, $0xb8;
	[tilespmem:$0x1C400] =	vst v63  }
0x124: {  	_ =	swait.ge [sflag:s17], $0x3200  }
0x125: {  	[sflag:s17] =	ssyncset.done $0x0  }
0x126: {  	s9 =	simm.s32 $0x480;
	[sflag:s17] =	ssyncadd.s32 $0xFFFFCE00  }
0x127: {  	[tilespmem:s24], [sflag:$0x2] =	stream.indirect.gather [hbm4b:s1+s21], $0x80, s9, s21, $0xb8;
	[tilespmem:$0x1C400] =	vst v63  }
0x128: {  	_ =	swait.ge [sflag:s25], $0x3200  }
0x129: {  	[sflag:s25] =	ssyncset.done $0x0  }
0x12a: {  	s9 =	simm.s32 $0x1400;
	[sflag:s25] =	ssyncadd.s32 $0xFFFFCE00  }
0x12b: {  	[spmem:s3] =	stream.indirect.scatter.add.f32 [tilespmem:s22], [sflag:$0x5], $0x80, s9, s21, $0xb8;
	[tilespmem:$0x1C400] =	vst v63  }
0x12c: {  	_ =	swait.ge [sflag:s17], $0x3200  }
0x12d: {  	[sflag:s17] =	ssyncset.done $0x0  }
0x12e: {  	[sflag:s17] =	ssyncadd.s32 $0xFFFFCE00  }
0x12f: {  	_ =	swait.ge [sflag:s28], $0x3200  }
0x130: {  	[sflag:s28] =	ssyncset.done $0x0  }
0x131: {  	s9 =	simm.s32 $0x1480;
	[sflag:s28] =	ssyncadd.s32 $0xFFFFCE00  }
0x132: {  	[spmem:s3] =	stream.indirect.scatter.add.f32 [tilespmem:s24], [sflag:$0x5], $0x80, s9, s21, $0xb8;
	[tilespmem:$0x1C400] =	vst v63  }
0x133: {  	_ =	swait.ge [sflag:s17], $0x3200  }
0x134: {  	s4 =	sshrl.u32 s31, $0x3;
	[sflag:s17] =	ssyncset.done $0x0  }
0x135: {  	s9 =	smov.u32 s7;
	s7 =	sadd.s32 s7, s4;
	[sflag:s17] =	ssyncadd.s32 $0xFFFFCE00  }
0x136: {  	[tilespmem:s5], [sflag:$0x3] =	stream.linear.gather [hbm4b:s7+s5], $0x500, $0x38;
	[tilespmem:$0x1C400] =	vst v63  }
0x137: {  	s4 =	sadd.s32 s6, s4  }
0x138: {  	[tilespmem:s18], [sflag:$0x3] =	stream.linear.gather [hbm4b:s4+s5], $0x500, $0x38;
	[tilespmem:$0x1C400] =	vst v63  }
0x139: {  	_ =	swait.ge [sflag:s23], $0x500  }
0x13a: {  	[sflag:s23] =	ssyncset.done $0x0  }
0x13b: {  	[sflag:s23] =	ssyncadd.s32 $0xFFFFFB00  }
0x13c: {  	_ =	swait.ge [sflag:s23], $0x500  }
0x13d: {  	[sflag:s23] =	ssyncset.done $0x0  }
0x13e: {  	[sflag:s23] =	ssyncadd.s32 $0xFFFFFB00  }
0x13f: {  	[tilespmem:s22], [sflag:$0x1] =	stream.indirect.gather [hbm4b:s1+s21], $0x80, s19, s21, $0xb8;
	[tilespmem:$0x1C400] =	vst v63  }
0x140: {  	s7 =	simm.s32 $0x880  }
0x141: {  	[tilespmem:s24], [sflag:$0x2] =	stream.indirect.gather [hbm4b:s1+s21], $0x80, s7, s21, $0xb8;
	[tilespmem:$0x1C400] =	vst v63  }
0x142: {  	_ =	swait.ge [sflag:s25], $0x3200  }
0x143: {  	[sflag:s25] =	ssyncset.done $0x0  }
0x144: {  	[sflag:s25] =	ssyncadd.s32 $0xFFFFCE00  }
0x145: {  	[spmem:s3] =	stream.indirect.scatter.add.f32 [tilespmem:s22], [sflag:$0x5], $0x80, s20, s21, $0xb8;
	[tilespmem:$0x1C400] =	vst v63  }
0x146: {  	_ =	swait.ge [sflag:s17], $0x3200  }
0x147: {  	[sflag:s17] =	ssyncset.done $0x0  }
0x148: {  	s7 =	simm.s32 $0x900;
	[sflag:s17] =	ssyncadd.s32 $0xFFFFCE00  }
0x149: {  	[tilespmem:s22], [sflag:$0x1] =	stream.indirect.gather [hbm4b:s1+s21], $0x80, s7, s21, $0xb8;
	[tilespmem:$0x1C400] =	vst v63  }
0x14a: {  	_ =	swait.ge [sflag:s28], $0x3200  }
0x14b: {  	[sflag:s28] =	ssyncset.done $0x0  }
0x14c: {  	s7 =	simm.s32 $0x1880;
	[sflag:s28] =	ssyncadd.s32 $0xFFFFCE00  }
0x14d: {  	[spmem:s3] =	stream.indirect.scatter.add.f32 [tilespmem:s24], [sflag:$0x5], $0x80, s7, s21, $0xb8;
	[tilespmem:$0x1C400] =	vst v63  }
0x14e: {  	_ =	swait.ge [sflag:s17], $0x3200  }
0x14f: {  	[sflag:s17] =	ssyncset.done $0x0  }
0x150: {  	s7 =	simm.s32 $0x980;
	[sflag:s17] =	ssyncadd.s32 $0xFFFFCE00  }
0x151: {  	[tilespmem:s24], [sflag:$0x2] =	stream.indirect.gather [hbm4b:s1+s21], $0x80, s7, s21, $0xb8;
	[tilespmem:$0x1C400] =	vst v63  }
0x152: {  	_ =	swait.ge [sflag:s25], $0x3200  }
0x153: {  	[sflag:s25] =	ssyncset.done $0x0  }
0x154: {  	s7 =	simm.s32 $0x1900;
	[sflag:s25] =	ssyncadd.s32 $0xFFFFCE00  }
0x155: {  	[spmem:s3] =	stream.indirect.scatter.add.f32 [tilespmem:s22], [sflag:$0x5], $0x80, s7, s21, $0xb8;
	[tilespmem:$0x1C400] =	vst v63  }
0x156: {  	_ =	swait.ge [sflag:s17], $0x3200  }
0x157: {  	[sflag:s17] =	ssyncset.done $0x0  }
0x158: {  	s7 =	simm.s32 $0xA00;
	[sflag:s17] =	ssyncadd.s32 $0xFFFFCE00  }
0x159: {  	[tilespmem:s22], [sflag:$0x1] =	stream.indirect.gather [hbm4b:s1+s21], $0x80, s7, s21, $0xb8;
	[tilespmem:$0x1C400] =	vst v63  }
0x15a: {  	_ =	swait.ge [sflag:s28], $0x3200  }
0x15b: {  	[sflag:s28] =	ssyncset.done $0x0  }
0x15c: {  	s7 =	simm.s32 $0x1980;
	[sflag:s28] =	ssyncadd.s32 $0xFFFFCE00  }
0x15d: {  	[spmem:s3] =	stream.indirect.scatter.add.f32 [tilespmem:s24], [sflag:$0x5], $0x80, s7, s21, $0xb8;
	[tilespmem:$0x1C400] =	vst v63  }
0x15e: {  	_ =	swait.ge [sflag:s17], $0x3200  }
0x15f: {  	[sflag:s17] =	ssyncset.done $0x0  }
0x160: {  	s7 =	simm.s32 $0xA80;
	[sflag:s17] =	ssyncadd.s32 $0xFFFFCE00  }
0x161: {  	[tilespmem:s24], [sflag:$0x2] =	stream.indirect.gather [hbm4b:s1+s21], $0x80, s7, s21, $0xb8;
	[tilespmem:$0x1C400] =	vst v63  }
0x162: {  	_ =	swait.ge [sflag:s25], $0x3200  }
0x163: {  	[sflag:s25] =	ssyncset.done $0x0  }
0x164: {  	[sflag:s25] =	ssyncadd.s32 $0xFFFFCE00  }
0x165: {  	[spmem:s3] =	stream.indirect.scatter.add.f32 [tilespmem:s22], [sflag:$0x5], $0x80, s10, s21, $0xb8;
	[tilespmem:$0x1C400] =	vst v63  }
0x166: {  	_ =	swait.ge [sflag:s17], $0x3200  }
0x167: {  	[sflag:s17] =	ssyncset.done $0x0  }
0x168: {  	[sflag:s17] =	ssyncadd.s32 $0xFFFFCE00  }
0x169: {  	[tilespmem:s22], [sflag:$0x1] =	stream.indirect.gather [hbm4b:s1+s21], $0x80, s11, s21, $0xb8;
	[tilespmem:$0x1C400] =	vst v63  }
0x16a: {  	_ =	swait.ge [sflag:s28], $0x3200  }
0x16b: {  	[sflag:s28] =	ssyncset.done $0x0  }
0x16c: {  	[sflag:s28] =	ssyncadd.s32 $0xFFFFCE00  }
0x16d: {  	[spmem:s3] =	stream.indirect.scatter.add.f32 [tilespmem:s24], [sflag:$0x5], $0x80, s12, s21, $0xb8;
	[tilespmem:$0x1C400] =	vst v63  }
0x16e: {  	_ =	swait.ge [sflag:s17], $0x3200  }
0x16f: {  	[sflag:s17] =	ssyncset.done $0x0  }
0x170: {  	[sflag:s17] =	ssyncadd.s32 $0xFFFFCE00  }
0x171: {  	[tilespmem:s24], [sflag:$0x2] =	stream.indirect.gather [hbm4b:s1+s21], $0x80, s13, s21, $0xb8;
	[tilespmem:$0x1C400] =	vst v63  }
0x172: {  	_ =	swait.ge [sflag:s25], $0x3200  }
0x173: {  	[sflag:s25] =	ssyncset.done $0x0  }
0x174: {  	[sflag:s25] =	ssyncadd.s32 $0xFFFFCE00  }
0x175: {  	[spmem:s3] =	stream.indirect.scatter.add.f32 [tilespmem:s22], [sflag:$0x5], $0x80, s14, s21, $0xb8;
	[tilespmem:$0x1C400] =	vst v63  }
0x176: {  	_ =	swait.ge [sflag:s17], $0x3200  }
0x177: {  	[sflag:s17] =	ssyncset.done $0x0  }
0x178: {  	[sflag:s17] =	ssyncadd.s32 $0xFFFFCE00  }
0x179: {  	[tilespmem:s22], [sflag:$0x1] =	stream.indirect.gather [hbm4b:s1+s21], $0x80, s8, s21, $0xb8;
	[tilespmem:$0x1C400] =	vst v63  }
0x17a: {  	_ =	swait.ge [sflag:s28], $0x3200  }
0x17b: {  	[sflag:s28] =	ssyncset.done $0x0  }
0x17c: {  	[sflag:s28] =	ssyncadd.s32 $0xFFFFCE00  }
0x17d: {  	[spmem:s3] =	stream.indirect.scatter.add.f32 [tilespmem:s24], [sflag:$0x5], $0x80, s15, s21, $0xb8;
	[tilespmem:$0x1C400] =	vst v63  }
0x17e: {  	_ =	swait.ge [sflag:s17], $0x3200  }
0x17f: {  	[sflag:s17] =	ssyncset.done $0x0  }
0x180: {  	[sflag:s17] =	ssyncadd.s32 $0xFFFFCE00  }
0x181: {  	[tilespmem:s24], [sflag:$0x2] =	stream.indirect.gather [hbm4b:s1+s21], $0x80, s16, s21, $0xb8;
	[tilespmem:$0x1C400] =	vst v63  }
0x182: {  	_ =	swait.ge [sflag:s25], $0x3200  }
0x183: {  	[sflag:s25] =	ssyncset.done $0x0  }
0x184: {  	[sflag:s25] =	ssyncadd.s32 $0xFFFFCE00  }
0x185: {  	[spmem:s3] =	stream.indirect.scatter.add.f32 [tilespmem:s22], [sflag:$0x5], $0x80, s2, s21, $0xb8;
	[tilespmem:$0x1C400] =	vst v63  }
0x186: {  	_ =	swait.ge [sflag:s17], $0x3200  }
0x187: {  	[sflag:s17] =	ssyncset.done $0x0  }
0x188: {  	[sflag:s17] =	ssyncadd.s32 $0xFFFFCE00  }
0x189: {  	_ =	swait.ge [sflag:s28], $0x3200  }
0x18a: {  	[sflag:s28] =	ssyncset.done $0x0  }
0x18b: {  	[sflag:s28] =	ssyncadd.s32 $0xFFFFCE00  }
0x18c: {  	[spmem:s3] =	stream.indirect.scatter.add.f32 [tilespmem:s24], [sflag:$0x5], $0x80, s26, s21, $0xb8;
	[tilespmem:$0x1C400] =	vst v63  }
0x18d: {  	_ =	swait.ge [sflag:s17], $0x3200  }
0x18e: {  	s0 =	smov.u32 s30;
	s4 =	rddreg [dreg:$0x6];
	[sflag:s17] =	ssyncset.done $0x0  }
0x18f: {  	s7 =	rddreg [dreg:$0x5];
	[sflag:s17] =	ssyncadd.s32 $0xFFFFCE00;
	s4 =	sadd.s32 s0, s4  }
0x190: {  	[tilespmem:s19], [sflag:$0x4] =	stream.linear.gather [hbm4b:s4+s5], $0x500, $0x38;
	[tilespmem:$0x1C400] =	vst v63  }
0x191: {  	s0 =	sadd.s32 s0, s7  }
0x192: {  	[tilespmem:s20], [sflag:$0x4] =	stream.linear.gather [hbm4b:s0+s5], $0x500, $0x38;
	[tilespmem:$0x1C400] =	vst v63  }
0x193: {  	_ =	swait.ge [sflag:s29], $0x500  }
0x194: {  	p0 =	sne.s32 s30, $0x600;
	[sflag:s29] =	ssyncset.done $0x0  }
.Ltmp0:
0x195: {  	[sflag:s29] =	ssyncadd.s32 $0xFFFFFB00;
	(pc) =	sbr.rel @p0 .LBB2_2-.Ltmp0, $4  }
0x196: {  	_ =	swait.ge [sflag:s29], $0x500  }
0x197: {  	s30 =	sadd.s32 $0x200, s30;
	[sflag:s29] =	ssyncset.done $0x0  }
0x198: {  	s31 =	sadd.s32 $0x1000, s31;
	s7 =	smov.u32 s9;
	[sflag:s29] =	ssyncadd.s32 $0xFFFFFB00  }
0x199: {  	[tilespmem:s22], [sflag:$0x1] =	stream.indirect.gather [hbm4b:s1+s21], $0x80, s5, s21, $0xb8;
	[tilespmem:$0x1C400] =	vst v63  }
0x19a: {  	s0 =	simm.s32 $0x80  }
0x19b: {  	[tilespmem:s24], [sflag:$0x2] =	stream.indirect.gather [hbm4b:s1+s21], $0x80, s0, s21, $0xb8;
	[tilespmem:$0x1C400] =	vst v63  }
0x19c: {  	_ =	swait.ge [sflag:s25], $0x3200  }
0x19d: {  	[sflag:s25] =	ssyncset.done $0x0  }
0x19e: {  	[sflag:s25] =	ssyncadd.s32 $0xFFFFCE00  }
0x19f: {  	[spmem:s3] =	stream.indirect.scatter.add.f32 [tilespmem:s22], [sflag:$0x5], $0x80, s18, s21, $0xb8;
	[tilespmem:$0x1C400] =	vst v63  }
0x1a0: {  	_ =	swait.ge [sflag:s17], $0x3200  }
0x1a1: {  	[sflag:s17] =	ssyncset.done $0x0  }
0x1a2: {  	s4 =	simm.s32 $0x100;
	[sflag:s17] =	ssyncadd.s32 $0xFFFFCE00  }
0x1a3: {  	[tilespmem:s22], [sflag:$0x1] =	stream.indirect.gather [hbm4b:s1+s21], $0x80, s4, s21, $0xb8;
	[tilespmem:$0x1C400] =	vst v63  }
0x1a4: {  	_ =	swait.ge [sflag:s28], $0x3200  }
0x1a5: {  	[sflag:s28] =	ssyncset.done $0x0  }
0x1a6: {  	s9 =	simm.s32 $0x1080;
	[sflag:s28] =	ssyncadd.s32 $0xFFFFCE00  }
0x1a7: {  	[spmem:s3] =	stream.indirect.scatter.add.f32 [tilespmem:s24], [sflag:$0x5], $0x80, s9, s21, $0xb8;
	[tilespmem:$0x1C400] =	vst v63  }
0x1a8: {  	_ =	swait.ge [sflag:s17], $0x3200  }
0x1a9: {  	[sflag:s17] =	ssyncset.done $0x0  }
0x1aa: {  	s31 =	simm.s32 $0x180;
	[sflag:s17] =	ssyncadd.s32 $0xFFFFCE00  }
0x1ab: {  	[tilespmem:s24], [sflag:$0x2] =	stream.indirect.gather [hbm4b:s1+s21], $0x80, s31, s21, $0xb8;
	[tilespmem:$0x1C400] =	vst v63  }
0x1ac: {  	_ =	swait.ge [sflag:s25], $0x3200  }
0x1ad: {  	[sflag:s25] =	ssyncset.done $0x0  }
0x1ae: {  	s4 =	simm.s32 $0x1100;
	[sflag:s25] =	ssyncadd.s32 $0xFFFFCE00  }
0x1af: {  	[spmem:s3] =	stream.indirect.scatter.add.f32 [tilespmem:s22], [sflag:$0x5], $0x80, s4, s21, $0xb8;
	[tilespmem:$0x1C400] =	vst v63  }
0x1b0: {  	_ =	swait.ge [sflag:s17], $0x3200  }
0x1b1: {  	[sflag:s17] =	ssyncset.done $0x0  }
0x1b2: {  	s9 =	simm.s32 $0x200;
	[sflag:s17] =	ssyncadd.s32 $0xFFFFCE00  }
0x1b3: {  	[tilespmem:s22], [sflag:$0x1] =	stream.indirect.gather [hbm4b:s1+s21], $0x80, s9, s21, $0xb8;
	[tilespmem:$0x1C400] =	vst v63  }
0x1b4: {  	_ =	swait.ge [sflag:s28], $0x3200  }
0x1b5: {  	[sflag:s28] =	ssyncset.done $0x0  }
0x1b6: {  	s31 =	simm.s32 $0x1180;
	[sflag:s28] =	ssyncadd.s32 $0xFFFFCE00  }
0x1b7: {  	[spmem:s3] =	stream.indirect.scatter.add.f32 [tilespmem:s24], [sflag:$0x5], $0x80, s31, s21, $0xb8;
	[tilespmem:$0x1C400] =	vst v63  }
0x1b8: {  	_ =	swait.ge [sflag:s17], $0x3200  }
0x1b9: {  	[sflag:s17] =	ssyncset.done $0x0  }
0x1ba: {  	s4 =	simm.s32 $0x280;
	[sflag:s17] =	ssyncadd.s32 $0xFFFFCE00  }
0x1bb: {  	[tilespmem:s24], [sflag:$0x2] =	stream.indirect.gather [hbm4b:s1+s21], $0x80, s4, s21, $0xb8;
	[tilespmem:$0x1C400] =	vst v63  }
0x1bc: {  	_ =	swait.ge [sflag:s25], $0x3200  }
0x1bd: {  	[sflag:s25] =	ssyncset.done $0x0  }
0x1be: {  	s9 =	simm.s32 $0x1200;
	[sflag:s25] =	ssyncadd.s32 $0xFFFFCE00  }
0x1bf: {  	[spmem:s3] =	stream.indirect.scatter.add.f32 [tilespmem:s22], [sflag:$0x5], $0x80, s9, s21, $0xb8;
	[tilespmem:$0x1C400] =	vst v63  }
0x1c0: {  	_ =	swait.ge [sflag:s17], $0x3200  }
0x1c1: {  	[sflag:s17] =	ssyncset.done $0x0  }
0x1c2: {  	s31 =	simm.s32 $0x300;
	[sflag:s17] =	ssyncadd.s32 $0xFFFFCE00  }
0x1c3: {  	[tilespmem:s22], [sflag:$0x1] =	stream.indirect.gather [hbm4b:s1+s21], $0x80, s31, s21, $0xb8;
	[tilespmem:$0x1C400] =	vst v63  }
0x1c4: {  	_ =	swait.ge [sflag:s28], $0x3200  }
0x1c5: {  	[sflag:s28] =	ssyncset.done $0x0  }
0x1c6: {  	s4 =	simm.s32 $0x1280;
	[sflag:s28] =	ssyncadd.s32 $0xFFFFCE00  }
0x1c7: {  	[spmem:s3] =	stream.indirect.scatter.add.f32 [tilespmem:s24], [sflag:$0x5], $0x80, s4, s21, $0xb8;
	[tilespmem:$0x1C400] =	vst v63  }
0x1c8: {  	_ =	swait.ge [sflag:s17], $0x3200  }
0x1c9: {  	[sflag:s17] =	ssyncset.done $0x0  }
0x1ca: {  	s9 =	simm.s32 $0x380;
	[sflag:s17] =	ssyncadd.s32 $0xFFFFCE00  }
0x1cb: {  	[tilespmem:s24], [sflag:$0x2] =	stream.indirect.gather [hbm4b:s1+s21], $0x80, s9, s21, $0xb8;
	[tilespmem:$0x1C400] =	vst v63  }
0x1cc: {  	_ =	swait.ge [sflag:s25], $0x3200  }
0x1cd: {  	[sflag:s25] =	ssyncset.done $0x0  }
0x1ce: {  	s31 =	simm.s32 $0x1300;
	[sflag:s25] =	ssyncadd.s32 $0xFFFFCE00  }
0x1cf: {  	[spmem:s3] =	stream.indirect.scatter.add.f32 [tilespmem:s22], [sflag:$0x5], $0x80, s31, s21, $0xb8;
	[tilespmem:$0x1C400] =	vst v63  }
0x1d0: {  	_ =	swait.ge [sflag:s17], $0x3200  }
0x1d1: {  	[sflag:s17] =	ssyncset.done $0x0  }
0x1d2: {  	s4 =	simm.s32 $0x400;
	[sflag:s17] =	ssyncadd.s32 $0xFFFFCE00  }
0x1d3: {  	[tilespmem:s22], [sflag:$0x1] =	stream.indirect.gather [hbm4b:s1+s21], $0x80, s4, s21, $0xb8;
	[tilespmem:$0x1C400] =	vst v63  }
0x1d4: {  	_ =	swait.ge [sflag:s28], $0x3200  }
0x1d5: {  	[sflag:s28] =	ssyncset.done $0x0  }
0x1d6: {  	s9 =	simm.s32 $0x1380;
	[sflag:s28] =	ssyncadd.s32 $0xFFFFCE00  }
0x1d7: {  	[spmem:s3] =	stream.indirect.scatter.add.f32 [tilespmem:s24], [sflag:$0x5], $0x80, s9, s21, $0xb8;
	[tilespmem:$0x1C400] =	vst v63  }
0x1d8: {  	_ =	swait.ge [sflag:s17], $0x3200  }
0x1d9: {  	[sflag:s17] =	ssyncset.done $0x0  }
0x1da: {  	s31 =	simm.s32 $0x480;
	[sflag:s17] =	ssyncadd.s32 $0xFFFFCE00  }
0x1db: {  	[tilespmem:s24], [sflag:$0x2] =	stream.indirect.gather [hbm4b:s1+s21], $0x80, s31, s21, $0xb8;
	[tilespmem:$0x1C400] =	vst v63  }
0x1dc: {  	_ =	swait.ge [sflag:s25], $0x3200  }
0x1dd: {  	[sflag:s25] =	ssyncset.done $0x0  }
0x1de: {  	s4 =	simm.s32 $0x1400;
	[sflag:s25] =	ssyncadd.s32 $0xFFFFCE00  }
0x1df: {  	[spmem:s3] =	stream.indirect.scatter.add.f32 [tilespmem:s22], [sflag:$0x5], $0x80, s4, s21, $0xb8;
	[tilespmem:$0x1C400] =	vst v63  }
0x1e0: {  	_ =	swait.ge [sflag:s17], $0x3200  }
0x1e1: {  	[sflag:s17] =	ssyncset.done $0x0  }
0x1e2: {  	[sflag:s17] =	ssyncadd.s32 $0xFFFFCE00  }
0x1e3: {  	_ =	swait.ge [sflag:s28], $0x3200  }
0x1e4: {  	[sflag:s28] =	ssyncset.done $0x0  }
0x1e5: {  	s9 =	simm.s32 $0x1480;
	[sflag:s28] =	ssyncadd.s32 $0xFFFFCE00  }
0x1e6: {  	[spmem:s3] =	stream.indirect.scatter.add.f32 [tilespmem:s24], [sflag:$0x5], $0x80, s9, s21, $0xb8;
	[tilespmem:$0x1C400] =	vst v63  }
0x1e7: {  	_ =	swait.ge [sflag:s17], $0x3200  }
0x1e8: {  	[sflag:s17] =	ssyncset.done $0x0  }
0x1e9: {  	[sflag:s17] =	ssyncadd.s32 $0xFFFFCE00  }
0x1ea: {  	_ =	swait.ge [sflag:s23], $0x500  }
0x1eb: {  	[sflag:s23] =	ssyncset.done $0x0  }
0x1ec: {  	[sflag:s23] =	ssyncadd.s32 $0xFFFFFB00  }
0x1ed: {  	_ =	swait.ge [sflag:s23], $0x500  }
0x1ee: {  	[sflag:s23] =	ssyncset.done $0x0  }
0x1ef: {  	[sflag:s23] =	ssyncadd.s32 $0xFFFFFB00  }
0x1f0: {  	[tilespmem:s22], [sflag:$0x1] =	stream.indirect.gather [hbm4b:s1+s21], $0x80, s19, s21, $0xb8;
	[tilespmem:$0x1C400] =	vst v63  }
0x1f1: {  	s31 =	simm.s32 $0x880  }
0x1f2: {  	[tilespmem:s24], [sflag:$0x2] =	stream.indirect.gather [hbm4b:s1+s21], $0x80, s31, s21, $0xb8;
	[tilespmem:$0x1C400] =	vst v63  }
0x1f3: {  	_ =	swait.ge [sflag:s25], $0x3200  }
0x1f4: {  	[sflag:s25] =	ssyncset.done $0x0  }
0x1f5: {  	[sflag:s25] =	ssyncadd.s32 $0xFFFFCE00  }
0x1f6: {  	[spmem:s3] =	stream.indirect.scatter.add.f32 [tilespmem:s22], [sflag:$0x5], $0x80, s20, s21, $0xb8;
	[tilespmem:$0x1C400] =	vst v63  }
0x1f7: {  	_ =	swait.ge [sflag:s17], $0x3200  }
0x1f8: {  	[sflag:s17] =	ssyncset.done $0x0  }
0x1f9: {  	s4 =	simm.s32 $0x900;
	[sflag:s17] =	ssyncadd.s32 $0xFFFFCE00  }
0x1fa: {  	[tilespmem:s22], [sflag:$0x1] =	stream.indirect.gather [hbm4b:s1+s21], $0x80, s4, s21, $0xb8;
	[tilespmem:$0x1C400] =	vst v63  }
0x1fb: {  	_ =	swait.ge [sflag:s28], $0x3200  }
0x1fc: {  	[sflag:s28] =	ssyncset.done $0x0  }
0x1fd: {  	s9 =	simm.s32 $0x1880;
	[sflag:s28] =	ssyncadd.s32 $0xFFFFCE00  }
0x1fe: {  	[spmem:s3] =	stream.indirect.scatter.add.f32 [tilespmem:s24], [sflag:$0x5], $0x80, s9, s21, $0xb8;
	[tilespmem:$0x1C400] =	vst v63  }
0x1ff: {  	_ =	swait.ge [sflag:s17], $0x3200  }
0x200: {  	[sflag:s17] =	ssyncset.done $0x0  }
0x201: {  	s31 =	simm.s32 $0x980;
	[sflag:s17] =	ssyncadd.s32 $0xFFFFCE00  }
0x202: {  	[tilespmem:s24], [sflag:$0x2] =	stream.indirect.gather [hbm4b:s1+s21], $0x80, s31, s21, $0xb8;
	[tilespmem:$0x1C400] =	vst v63  }
0x203: {  	_ =	swait.ge [sflag:s25], $0x3200  }
0x204: {  	[sflag:s25] =	ssyncset.done $0x0  }
0x205: {  	s4 =	simm.s32 $0x1900;
	[sflag:s25] =	ssyncadd.s32 $0xFFFFCE00  }
0x206: {  	[spmem:s3] =	stream.indirect.scatter.add.f32 [tilespmem:s22], [sflag:$0x5], $0x80, s4, s21, $0xb8;
	[tilespmem:$0x1C400] =	vst v63  }
0x207: {  	_ =	swait.ge [sflag:s17], $0x3200  }
0x208: {  	[sflag:s17] =	ssyncset.done $0x0  }
0x209: {  	s9 =	simm.s32 $0xA00;
	[sflag:s17] =	ssyncadd.s32 $0xFFFFCE00  }
0x20a: {  	[tilespmem:s22], [sflag:$0x1] =	stream.indirect.gather [hbm4b:s1+s21], $0x80, s9, s21, $0xb8;
	[tilespmem:$0x1C400] =	vst v63  }
0x20b: {  	_ =	swait.ge [sflag:s28], $0x3200  }
0x20c: {  	[sflag:s28] =	ssyncset.done $0x0  }
0x20d: {  	s31 =	simm.s32 $0x1980;
	[sflag:s28] =	ssyncadd.s32 $0xFFFFCE00  }
0x20e: {  	[spmem:s3] =	stream.indirect.scatter.add.f32 [tilespmem:s24], [sflag:$0x5], $0x80, s31, s21, $0xb8;
	[tilespmem:$0x1C400] =	vst v63  }
0x20f: {  	_ =	swait.ge [sflag:s17], $0x3200  }
0x210: {  	[sflag:s17] =	ssyncset.done $0x0  }
0x211: {  	s4 =	simm.s32 $0xA80;
	[sflag:s17] =	ssyncadd.s32 $0xFFFFCE00  }
0x212: {  	[tilespmem:s24], [sflag:$0x2] =	stream.indirect.gather [hbm4b:s1+s21], $0x80, s4, s21, $0xb8;
	[tilespmem:$0x1C400] =	vst v63  }
0x213: {  	_ =	swait.ge [sflag:s25], $0x3200  }
0x214: {  	[sflag:s25] =	ssyncset.done $0x0  }
0x215: {  	[sflag:s25] =	ssyncadd.s32 $0xFFFFCE00  }
0x216: {  	[spmem:s3] =	stream.indirect.scatter.add.f32 [tilespmem:s22], [sflag:$0x5], $0x80, s10, s21, $0xb8;
	[tilespmem:$0x1C400] =	vst v63  }
0x217: {  	_ =	swait.ge [sflag:s17], $0x3200  }
0x218: {  	[sflag:s17] =	ssyncset.done $0x0  }
0x219: {  	[sflag:s17] =	ssyncadd.s32 $0xFFFFCE00  }
0x21a: {  	[tilespmem:s22], [sflag:$0x1] =	stream.indirect.gather [hbm4b:s1+s21], $0x80, s11, s21, $0xb8;
	[tilespmem:$0x1C400] =	vst v63  }
0x21b: {  	_ =	swait.ge [sflag:s28], $0x3200  }
0x21c: {  	[sflag:s28] =	ssyncset.done $0x0  }
0x21d: {  	[sflag:s28] =	ssyncadd.s32 $0xFFFFCE00  }
0x21e: {  	[spmem:s3] =	stream.indirect.scatter.add.f32 [tilespmem:s24], [sflag:$0x5], $0x80, s12, s21, $0xb8;
	[tilespmem:$0x1C400] =	vst v63  }
0x21f: {  	_ =	swait.ge [sflag:s17], $0x3200  }
0x220: {  	[sflag:s17] =	ssyncset.done $0x0  }
0x221: {  	[sflag:s17] =	ssyncadd.s32 $0xFFFFCE00  }
0x222: {  	[tilespmem:s24], [sflag:$0x2] =	stream.indirect.gather [hbm4b:s1+s21], $0x80, s13, s21, $0xb8;
	[tilespmem:$0x1C400] =	vst v63  }
0x223: {  	_ =	swait.ge [sflag:s25], $0x3200  }
0x224: {  	[sflag:s25] =	ssyncset.done $0x0  }
0x225: {  	[sflag:s25] =	ssyncadd.s32 $0xFFFFCE00  }
0x226: {  	[spmem:s3] =	stream.indirect.scatter.add.f32 [tilespmem:s22], [sflag:$0x5], $0x80, s14, s21, $0xb8;
	[tilespmem:$0x1C400] =	vst v63  }
0x227: {  	_ =	swait.ge [sflag:s17], $0x3200  }
0x228: {  	[sflag:s17] =	ssyncset.done $0x0  }
0x229: {  	[sflag:s17] =	ssyncadd.s32 $0xFFFFCE00  }
0x22a: {  	[tilespmem:s22], [sflag:$0x1] =	stream.indirect.gather [hbm4b:s1+s21], $0x80, s8, s21, $0xb8;
	[tilespmem:$0x1C400] =	vst v63  }
0x22b: {  	_ =	swait.ge [sflag:s28], $0x3200  }
0x22c: {  	[sflag:s28] =	ssyncset.done $0x0  }
0x22d: {  	[sflag:s28] =	ssyncadd.s32 $0xFFFFCE00  }
0x22e: {  	[spmem:s3] =	stream.indirect.scatter.add.f32 [tilespmem:s24], [sflag:$0x5], $0x80, s15, s21, $0xb8;
	[tilespmem:$0x1C400] =	vst v63  }
0x22f: {  	_ =	swait.ge [sflag:s17], $0x3200  }
0x230: {  	[sflag:s17] =	ssyncset.done $0x0  }
0x231: {  	[sflag:s17] =	ssyncadd.s32 $0xFFFFCE00  }
0x232: {  	[tilespmem:s24], [sflag:$0x2] =	stream.indirect.gather [hbm4b:s1+s21], $0x80, s16, s21, $0xb8;
	[tilespmem:$0x1C400] =	vst v63  }
0x233: {  	_ =	swait.ge [sflag:s25], $0x3200  }
0x234: {  	[sflag:s25] =	ssyncset.done $0x0  }
0x235: {  	[sflag:s25] =	ssyncadd.s32 $0xFFFFCE00  }
0x236: {  	[spmem:s3] =	stream.indirect.scatter.add.f32 [tilespmem:s22], [sflag:$0x5], $0x80, s2, s21, $0xb8;
	[tilespmem:$0x1C400] =	vst v63  }
0x237: {  	_ =	swait.ge [sflag:s17], $0x3200  }
0x238: {  	[sflag:s17] =	ssyncset.done $0x0  }
0x239: {  	[sflag:s17] =	ssyncadd.s32 $0xFFFFCE00  }
0x23a: {  	_ =	swait.ge [sflag:s28], $0x3200  }
0x23b: {  	[sflag:s28] =	ssyncset.done $0x0  }
0x23c: {  	[sflag:s28] =	ssyncadd.s32 $0xFFFFCE00  }
0x23d: {  	[spmem:s3] =	stream.indirect.scatter.add.f32 [tilespmem:s24], [sflag:$0x5], $0x80, s26, s21, $0xb8;
	[tilespmem:$0x1C400] =	vst v63  }
0x23e: {  	_ =	swait.ge [sflag:s17], $0x3200  }
0x23f: {  	[sflag:s17] =	ssyncset.done $0x0  }
0x240: {  	[sflag:s17] =	ssyncadd.s32 $0xFFFFCE00  }
0x241: {  	[bflag:$0x0] =	sbarrier.arrive $0xFFFF  }
0x242: {  	s30 =	rddreg [dreg:$0x8]  }
0x243: {  	s9 =	rddreg [dreg:$0xd]  }
0x244: {  	s4 =	rddreg [dreg:$0x10]  }
0x245: {  	[hbm:s9], [sflag:s30] =	dma.local [spmem:s4], $0x2780  }
0x246: {  	_ =	swait.ge [sflag:s17], $0x2780  }
0x247: {  	s9 =	rddreg [dreg:$0x11]  }
0x248: {  	s31 =	rddreg [dreg:$0xe];
	s9 =	sadd.s32 $0x1, s9  }
0x249: {  	p0 =	sne.s32 s9, s31  }
.Ltmp1:
0x24a: {  	_ = 	snop;
	(pc) =	sbr.rel @p0 .LBB2_1-.Ltmp1, $3  }
0x24b: {  	_ =	sdelay $0x1  }
0x24c: {  	[sflag:s17] =	ssyncset.done $0x0  }
0x24d: {  	[sflag:s17] =	ssyncadd.s32 $0xFFFFD880  }
0x24e: {  	_ =	sfence.sel $0x180000  }
0x24f: {  	[bflag:$0x0] =	sbarrier.arrive $0xFFFF  }
0x250: {  	_ =	strace $0x90000047  }
0x251: {  	s0 =	stileid.u32;
	[bflag:$0x2] =	sbarrier.arrive $0xFFFF  }
0x252: {  	p0 =	sne.s32 s0, $0x0;
	s0 =	rddreg [dreg:$0x4]  }
0x253: {  	s0 =	sadd.s32 @!p0 $0x100000, s0  }
0x254: {  	[sflag:s0] =	ssyncadd.tile.s32 @!p0 $0x1;
	_ =	shalt  }
.Lfunc_end2:
_tile_overlayer_lowered:
.L_overlay_start_2:
0x255: {  	(tag) =	ssettag $0x2  }
0x256: {  	s0 =	rddreg [dreg:$0x0];
	s2 =	stileid.u32  }
0x257: {  	s1 =	rddreg [dreg:$0x1];
	p0 =	sne.s32 s2, $0x0  }
0x258: {  	s3 =	rddreg [dreg:$0x2];
	[bflag:$0x3] =	sbarrier.arrive $0xFFFF;
	s2 =	simm.s32 @!p0 $0x1C05  }
0x259: {  	[timem:s3], [sflag:s2] =	dma.local @!p0 [hbm:s0], s1  }
0x25a: {  	s0 =	simm.s32 @!p0 $0x5  }
0x25b: {  	_ =	swait.ge @!p0 [sflag:s0], s1  }
0x25c: {  	s1 =	ssub.s32 @!p0 $0x0, s1;
	[sflag:s0] =	ssyncset.done @!p0 $0x0  }
0x25d: {  	[sflag:s0] =	ssyncadd.s32 @!p0 s1  }
0x25e: {  	[bflag:$0x3] =	sbarrier.arrive $0xFFFF  }
0x25f: {  	_ =	shalt  }

</sc_bundles>
